<compile_context>
chip_gen: v7x
topology: tpu7x:2x2x1
jax: 0.10.2.dev20260603
libtpu: 0.0.44.dev20260713+nightly
codegen_flags: <defaults>
</compile_context>

<pallas_src>
import functools

import jax
import jax.numpy as jnp
from jax import lax
from jax.experimental import pallas as pl
from jax.experimental.pallas import tpu as pltpu
from jax.experimental.pallas import tpu_sc as plsc

_P = 4
_H = 96
_W = 96
_B = 64
_C = 96
_NTC = 40
_NSC = _B - _NTC
_NWORKERS = 32
_IMGS_PER_W = _NSC * _C // _NWORKERS
_CB = 96
_MCB = 96


def _grid_factors(n):
    half = jnp.float32(0.5)
    zero = jnp.float32(0.0)
    gr = (n % (_P * _P)) // _P
    gc = n % _P
    ftop = jnp.where(gr == 0, zero, half)
    fbot = jnp.where(gr == _P - 1, zero, half)
    flft = jnp.where(gc == 0, zero, half)
    frgt = jnp.where(gc == _P - 1, zero, half)
    return ftop, fbot, flft, frgt



def _assemble(ibuf, obuf, ftop, fbot, flft, frgt):
    iota = lax.iota(jnp.int32, 16)

    def ld(rows, cols):
        return plsc.load_gather(ibuf, [rows, cols])

    def st(rows, cols, v, mask=None):
        plsc.store_scatter(obuf, [rows, cols], v, mask=mask)

    c_of = [jnp.full((16,), v, jnp.int32) for v in (0, 1, 94, 95)]

    def row(r, carry):
        rv = jnp.full((16,), r, jnp.int32)
        for t in range(6):
            cols = iota + 16 * t
            st(rv + 1, cols + 1, ld(rv, cols))
        return carry

    lax.fori_loop(0, _H, row, 0, unroll=2)

    z = jnp.full((16,), 0, jnp.int32)
    for t in range(6):
        cols = iota + 16 * t
        st(z, cols + 1, (ld(z, cols) + ld(z + 1, cols)) * ftop)
        st(z + 97, cols + 1, (ld(z + 94, cols) + ld(z + 95, cols)) * fbot)

    for t in range(6):
        rows = iota + 16 * t
        st(rows + 1, z, (ld(rows, c_of[0]) + ld(rows, c_of[1])) * flft)
        st(rows + 1, z + 97, (ld(rows, c_of[2]) + ld(rows, c_of[3])) * frgt)

    ztl = (ftop * 2.0) * (flft * 2.0)
    ztr = (ftop * 2.0) * (frgt * 2.0)
    zbl = (fbot * 2.0) * (flft * 2.0)
    zbr = (fbot * 2.0) * (frgt * 2.0)
    rsrc = jnp.where(iota < 2, 0, 95)
    csrc = jnp.where(iota % 2 == 0, 0, 95)
    rdst = jnp.where(iota < 2, 0, 97)
    cdst = jnp.where(iota % 2 == 0, 0, 97)
    cf = jnp.where(iota == 0, ztl,
                   jnp.where(iota == 1, ztr,
                             jnp.where(iota == 2, zbl, zbr)))
    st(rdst, cdst, ld(rsrc, csrc) * cf, mask=iota < 4)


def _sc_body(x_hbm, out_hbm, ibuf0, ibuf1, obuf0, obuf1,
             sem_i0, sem_i1, sem_o0, sem_o1):
    wid = lax.axis_index("s") * 2 + lax.axis_index("c")
    base = _NTC * _C + wid * _IMGS_PER_W
    ibuf = (ibuf0, ibuf1)
    obuf = (obuf0, obuf1)
    sem_i = (sem_i0, sem_i1)
    sem_o = (sem_o0, sem_o1)

    def start_in(j, b):
        img = base + j
        pltpu.make_async_copy(
            x_hbm.at[img // _C, img % _C], ibuf[b], sem_i[b]).start()

    def wait_in(b):
        pltpu.make_async_copy(
            x_hbm.at[0, 0], ibuf[b], sem_i[b]).wait()

    def start_out(j, b):
        img = base + j
        pltpu.make_async_copy(
            obuf[b], out_hbm.at[img // _C - _NTC, img % _C],
            sem_o[b]).start()

    def wait_out(b):
        pltpu.make_async_copy(
            obuf[b], out_hbm.at[0, 0], sem_o[b]).wait()

    start_in(0, 0)

    def step2(g, carry):
        for b in range(2):
            j = 2 * g + b

            @pl.when(j + 1 < _IMGS_PER_W)
            def _():
                start_in(j + 1, 1 - b)

            @pl.when(j >= 2)
            def _():
                wait_out(b)

            wait_in(b)
            n = (base + j) // _C
            _assemble(ibuf[b], obuf[b], *_grid_factors(n))
            start_out(j, b)
        return carry

    lax.fori_loop(0, _IMGS_PER_W // 2, step2, 0)
    wait_out(0)
    wait_out(1)


@functools.partial(
    pl.kernel,
    out_type=jax.ShapeDtypeStruct((_NSC, _C, _H + 2, _W + 2), jnp.float32),
    mesh=plsc.VectorSubcoreMesh(core_axis_name="c", subcore_axis_name="s"),
    compiler_params=pltpu.CompilerParams(
        needs_layout_passes=False, use_tc_tiling_on_sc=True),
    scratch_types=[
        pltpu.VMEM((_H, _W), jnp.float32),
        pltpu.VMEM((_H, _W), jnp.float32),
        pltpu.VMEM((_H + 2, _W + 2), jnp.float32),
        pltpu.VMEM((_H + 2, _W + 2), jnp.float32),
        pltpu.SemaphoreType.DMA,
        pltpu.SemaphoreType.DMA,
        pltpu.SemaphoreType.DMA,
        pltpu.SemaphoreType.DMA,
    ],
)
def _sc_pad(x_hbm, out_hbm, ibuf0, ibuf1, obuf0, obuf1,
            sem_i0, sem_i1, sem_o0, sem_o1):
    _sc_body(x_hbm, out_hbm, ibuf0, ibuf1, obuf0, obuf1,
             sem_i0, sem_i1, sem_o0, sem_o1)



def _tc_body(x_ref, o_ref):
    n = pl.program_id(0)
    ftop, fbot, flft, frgt = _grid_factors(n)
    xb = x_ref[0]
    lcol = (xb[:, :, 0] + xb[:, :, 1]) * flft
    rcol = (xb[:, :, _W - 2] + xb[:, :, _W - 1]) * frgt
    mid = jnp.concatenate(
        [lcol[:, :, None], xb, rcol[:, :, None]], axis=2)
    o_ref[0, 1:_H + 1, :, :] = jnp.swapaxes(mid, 0, 1)
    ztl = (ftop * 2.0) * (flft * 2.0)
    ztr = (ftop * 2.0) * (frgt * 2.0)
    zbl = (fbot * 2.0) * (flft * 2.0)
    zbr = (fbot * 2.0) * (frgt * 2.0)
    toprow = jnp.concatenate(
        [(xb[:, 0, 0] * ztl)[:, None],
         (xb[:, 0, :] + xb[:, 1, :]) * ftop,
         (xb[:, 0, _W - 1] * ztr)[:, None]], axis=1)
    botrow = jnp.concatenate(
        [(xb[:, _H - 1, 0] * zbl)[:, None],
         (xb[:, _H - 2, :] + xb[:, _H - 1, :]) * fbot,
         (xb[:, _H - 1, _W - 1] * zbr)[:, None]], axis=1)
    o_ref[0, 0, :, :] = toprow
    o_ref[0, _H + 1, :, :] = botrow


def _tc_pad(x):
    return pl.pallas_call(
        _tc_body,
        grid=(_NTC, _C // _CB),
        in_specs=[pl.BlockSpec((1, _CB, _H, _W), lambda n, c: (n, c, 0, 0))],
        out_specs=pl.BlockSpec((1, _H + 2, _CB, _W + 2),
                               lambda n, c: (n, 0, c, 0)),
        out_shape=jax.ShapeDtypeStruct((_B, _H + 2, _C, _W + 2),
                                       jnp.float32),
        compiler_params=pltpu.CompilerParams(
            dimension_semantics=("parallel", "parallel")),
    )(x)


def _merge_body(big_ref, sc_ref, o_ref):
    o_ref[...] = jnp.swapaxes(sc_ref[...], 1, 2)


def _merge(big, sc_out):
    return pl.pallas_call(
        _merge_body,
        grid=(_NSC, _C // _MCB),
        in_specs=[
            pl.BlockSpec(memory_space=pl.ANY),
            pl.BlockSpec((1, _MCB, _H + 2, _W + 2),
                         lambda n, c: (n, c, 0, 0)),
        ],
        out_specs=pl.BlockSpec((1, _H + 2, _MCB, _W + 2),
                               lambda n, c: (n + _NTC, 0, c, 0)),
        out_shape=jax.ShapeDtypeStruct((_B, _H + 2, _C, _W + 2),
                                       jnp.float32),
        input_output_aliases={0: 0},
        compiler_params=pltpu.CompilerParams(
            dimension_semantics=("arbitrary", "arbitrary")),
    )(big, sc_out)


def kernel(x):
    sc_out = _sc_pad(x)
    tc_out = _tc_pad(x)
    out_t = _merge(tc_out, sc_out)
    return jnp.transpose(out_t, (0, 2, 1, 3))

# --- scband reference (transcript-rebuilt; emitter-appended) ---
"""Pipeline reference for scband-mean-2px-pad2d-11742440587599 (READ-ONLY COPY).

The authoritative reference and input builder live on the scoring server;
editing this copy changes nothing except your own understanding.
"""

import jax, jax.numpy as jnp
import numpy as np

PADDING = 1
NUM_PATCHES = 4


def setup_inputs(seed: int = 0) -> dict:
    key = jax.random.key(seed)
    x = jax.random.normal(key, (64, 96, 96, 96), dtype=jnp.float32)
    return {"x": x}


def reference(x):
    padding = PADDING
    P = NUM_PATCHES
    b, C, H, W = x.shape
    B = b // (P * P)
    # index sets marking patches on the global image border
    top = jnp.tile(jnp.arange(P), B) + jnp.repeat(jnp.arange(0, b, P * P), P)
    bot = jnp.tile(jnp.arange(P * P - P, P * P), B) + jnp.repeat(jnp.arange(0, b, P * P), P)
    left = jnp.arange(0, b, P)
    right = jnp.arange(P - 1, b, P)
    # depthwise conv with ones(2,1)/2 kernel == mean of two adjacent rows/cols
    top_pad = (x[:, :, 0:1, :] + x[:, :, 1:2, :]) * 0.5          # [b, C, 1, W]
    bot_pad = (x[:, :, H - 2:H - 1, :] + x[:, :, H - 1:H, :]) * 0.5
    left_pad = (x[:, :, :, 0:1] + x[:, :, :, 1:2]) * 0.5          # [b, C, H, 1]
    right_pad = (x[:, :, :, W - 2:W - 1, ] + x[:, :, :, W - 1:W]) * 0.5
    # replicate padding
    xp = jnp.pad(x, ((0, 0), (0, 0), (padding, padding), (padding, padding)), mode='edge')
    # overwrite borders with 2px means
    xp = xp.at[:, :, :padding, padding:W + padding].set(top_pad)
    xp = xp.at[:, :, H + padding:, padding:W + padding].set(bot_pad)
    xp = xp.at[:, :, padding:H + padding, :padding].set(left_pad)
    xp = xp.at[:, :, padding:H + padding, W + padding:].set(right_pad)
    # zero out padding that lies on the global image border (scatter-overwrite)
    xp = xp.at[top, :, :padding, :].set(0.0)
    xp = xp.at[bot, :, H + padding, :].set(0.0)
    xp = xp.at[left, :, :, :padding].set(0.0)
    xp = xp.at[right, :, :, W + padding:].set(0.0)
    return xp

if __name__ == "__main__":
    import jax
    _d = setup_inputs()
    print(jax.jit(kernel)(*tuple(_d.values())))

</pallas_src>

<mosaic_0001>
#map = affine_map<(d0, d1) -> (0, 0, 0, 0)>
module attributes {stable_mosaic.version = 14 : i64} {
  func.func @_sc_pad(%arg0: i32, %arg1: i32, %arg2: memref<64x96x96x96xf32, #tpu.memory_space<hbm>>, %arg3: memref<24x96x98x98xf32, #tpu.memory_space<hbm>>, %arg4: memref<96x96xf32, #tpu.memory_space<vmem>>, %arg5: memref<96x96xf32, #tpu.memory_space<vmem>>, %arg6: memref<98x98xf32, #tpu.memory_space<vmem>>, %arg7: memref<98x98xf32, #tpu.memory_space<vmem>>, %arg8: memref<!tpu.dma_semaphore, #tpu.memory_space<semaphore_mem>>, %arg9: memref<!tpu.dma_semaphore, #tpu.memory_space<semaphore_mem>>, %arg10: memref<!tpu.dma_semaphore, #tpu.memory_space<semaphore_mem>>, %arg11: memref<!tpu.dma_semaphore, #tpu.memory_space<semaphore_mem>>) attributes {dimension_semantics = [#tpu.dimension_semantics<core_parallel>, #tpu.dimension_semantics<subcore_parallel>], iteration_bounds = array<i64: 2, 16>, scalar_prefetch = 0 : i64, scratch_operands = 8 : i64, tpu.core_type = #tpu.core_type<sc_vector_subcore>, window_params = [{transform_indices = #map}, {transform_indices = #map}]} {
    %mul3A = arith.constant 2 : i32
    %mul3A_0 = arith.muli %arg1, %mul3A : i32
    %add3A = arith.addi %mul3A_0, %arg0 : i32
    %mul3A_1 = arith.constant 72 : i32
    %mul3A_2 = arith.muli %add3A, %mul3A_1 : i32
    %add3A_3 = arith.constant 3840 : i32
    %add3A_4 = arith.addi %add3A_3, %mul3A_2 : i32
    %add3A_5 = arith.constant 0 : i32
    %add3A_6 = arith.addi %add3A_4, %add3A_5 : i32
    %jit3A = arith.constant 96 : i32
    %div3A = arith.divsi %add3A_6, %jit3A : i32
    %sign3A = arith.constant 0 : i32
    %sign3A_7 = arith.cmpi sgt, %add3A_6, %sign3A : i32
    %sign3A_8 = arith.extui %sign3A_7 : i1 to i32
    %sign3A_9 = arith.constant 0 : i32
    %sign3A_10 = arith.cmpi slt, %add3A_6, %sign3A_9 : i32
    %sign3A_11 = arith.extui %sign3A_10 : i1 to i32
    %sign3A_12 = arith.subi %sign3A_8, %sign3A_11 : i32
    %sign3A_13 = arith.constant 0 : i32
    %sign3A_14 = arith.cmpi sgt, %jit3A, %sign3A_13 : i32
    %sign3A_15 = arith.extui %sign3A_14 : i1 to i32
    %sign3A_16 = arith.constant 0 : i32
    %sign3A_17 = arith.cmpi slt, %jit3A, %sign3A_16 : i32
    %sign3A_18 = arith.extui %sign3A_17 : i1 to i32
    %sign3A_19 = arith.subi %sign3A_15, %sign3A_18 : i32
    %ne3A = arith.cmpi ne, %sign3A_12, %sign3A_19 : i32
    %rem3A = arith.remsi %add3A_6, %jit3A : i32
    %ne3A_20 = arith.constant 0 : i32
    %ne3A_21 = arith.cmpi ne, %rem3A, %ne3A_20 : i32
    %and3A = arith.andi %ne3A, %ne3A_21 : i1
    %sub3A = arith.constant 1 : i32
    %sub3A_22 = arith.subi %div3A, %sub3A : i32
    %select_n3A = arith.select %and3A, %sub3A_22, %div3A : i32
    %jit3A_23 = arith.constant 96 : i32
    %eq3A = arith.constant 0 : i32
    %eq3A_24 = arith.cmpi eq, %jit3A_23, %eq3A : i32
    %jit3A_25 = arith.constant 1 : i32
    %select_n3A_26 = arith.select %eq3A_24, %jit3A_25, %jit3A_23 : i32
    %rem3A_27 = arith.remsi %add3A_6, %select_n3A_26 : i32
    %ne3A_28 = arith.constant 0 : i32
    %ne3A_29 = arith.cmpi ne, %rem3A_27, %ne3A_28 : i32
    %lt3A = arith.constant 0 : i32
    %lt3A_30 = arith.cmpi slt, %rem3A_27, %lt3A : i32
    %lt3A_31 = arith.constant 0 : i32
    %lt3A_32 = arith.cmpi slt, %select_n3A_26, %lt3A_31 : i32
    %ne3A_33 = arith.xori %lt3A_30, %lt3A_32 : i1
    %and3A_34 = arith.andi %ne3A_33, %ne3A_29 : i1
    %add3A_35 = arith.addi %rem3A_27, %select_n3A_26 : i32
    %select_n3A_36 = arith.select %and3A_34, %add3A_35, %rem3A_27 : i32
    %dma_start3A = arith.constant 0 : i32
    %dma_start3A_37 = arith.constant 0 : i32
    %dma_start3A_38 = tpu.memref_slice %arg2[%select_n3A, %select_n3A_36, %dma_start3A, %dma_start3A_37] : memref<64x96x96x96xf32, #tpu.memory_space<hbm>> -> memref<1x1x96x96xf32, #tpu.memory_space<hbm>>
    %dma_start3A_39 = tpu.memref_squeeze %dma_start3A_38 : memref<1x1x96x96xf32, #tpu.memory_space<hbm>> -> memref<96x96xf32, #tpu.memory_space<hbm>>
    %dma_start3A_40 = arith.constant 0 : i32
    %dma_start3A_41 = arith.constant 0 : i32
    %dma_start3A_42 = tpu.memref_slice %arg2[%select_n3A, %select_n3A_36, %dma_start3A_40, %dma_start3A_41] : memref<64x96x96x96xf32, #tpu.memory_space<hbm>> -> memref<1x1x96x96xf32, #tpu.memory_space<hbm>>
    %dma_start3A_43 = tpu.memref_squeeze %dma_start3A_42 : memref<1x1x96x96xf32, #tpu.memory_space<hbm>> -> memref<96x96xf32, #tpu.memory_space<hbm>>
    tpu.enqueue_dma source(%dma_start3A_43 : memref<96x96xf32, #tpu.memory_space<hbm>>) target(%arg4 : memref<96x96xf32, #tpu.memory_space<vmem>>) target_semaphore(%arg8 : memref<!tpu.dma_semaphore, #tpu.memory_space<semaphore_mem>>)
    %scan3A = arith.constant 0 : i32
    %scan3A_44 = arith.constant 0 : i32
    %scan3A_45 = arith.constant 36 : i32
    %scan3A_46 = arith.addi %scan3A_44, %scan3A_45 : i32
    %scan3A_47 = arith.constant 1 : i32
    scf.for %scan3A_68 = %scan3A_44 to %scan3A_46 step %scan3A_47  : i32 {
      %mul3A_69 = arith.constant 2 : i32
      %mul3A_70 = arith.muli %mul3A_69, %scan3A_68 : i32
      %add3A_71 = arith.constant 0 : i32
      %add3A_72 = arith.addi %mul3A_70, %add3A_71 : i32
      %add3A_73 = arith.constant 1 : i32
      %add3A_74 = arith.addi %add3A_72, %add3A_73 : i32
      %lt3A_75 = arith.constant 72 : i32
      %lt3A_76 = arith.cmpi slt, %add3A_74, %lt3A_75 : i32
      %convert_element_type3A = arith.extui %lt3A_76 : i1 to i32
      %cond3A = arith.constant 0 : i32
      %cond3A_77 = arith.cmpi ne, %convert_element_type3A, %cond3A : i32
      scf.if %cond3A_77 {
        %add3A_1323 = arith.constant 1 : i32
        %add3A_1324 = arith.addi %add3A_72, %add3A_1323 : i32
        %add3A_1325 = arith.addi %add3A_4, %add3A_1324 : i32
        %jit3A_1326 = arith.constant 96 : i32
        %div3A_1327 = arith.divsi %add3A_1325, %jit3A_1326 : i32
        %sign3A_1328 = arith.constant 0 : i32
        %sign3A_1329 = arith.cmpi sgt, %add3A_1325, %sign3A_1328 : i32
        %sign3A_1330 = arith.extui %sign3A_1329 : i1 to i32
        %sign3A_1331 = arith.constant 0 : i32
        %sign3A_1332 = arith.cmpi slt, %add3A_1325, %sign3A_1331 : i32
        %sign3A_1333 = arith.extui %sign3A_1332 : i1 to i32
        %sign3A_1334 = arith.subi %sign3A_1330, %sign3A_1333 : i32
        %sign3A_1335 = arith.constant 0 : i32
        %sign3A_1336 = arith.cmpi sgt, %jit3A_1326, %sign3A_1335 : i32
        %sign3A_1337 = arith.extui %sign3A_1336 : i1 to i32
        %sign3A_1338 = arith.constant 0 : i32
        %sign3A_1339 = arith.cmpi slt, %jit3A_1326, %sign3A_1338 : i32
        %sign3A_1340 = arith.extui %sign3A_1339 : i1 to i32
        %sign3A_1341 = arith.subi %sign3A_1337, %sign3A_1340 : i32
        %ne3A_1342 = arith.cmpi ne, %sign3A_1334, %sign3A_1341 : i32
        %rem3A_1343 = arith.remsi %add3A_1325, %jit3A_1326 : i32
        %ne3A_1344 = arith.constant 0 : i32
        %ne3A_1345 = arith.cmpi ne, %rem3A_1343, %ne3A_1344 : i32
        %and3A_1346 = arith.andi %ne3A_1342, %ne3A_1345 : i1
        %sub3A_1347 = arith.constant 1 : i32
        %sub3A_1348 = arith.subi %div3A_1327, %sub3A_1347 : i32
        %select_n3A_1349 = arith.select %and3A_1346, %sub3A_1348, %div3A_1327 : i32
        %jit3A_1350 = arith.constant 96 : i32
        %eq3A_1351 = arith.constant 0 : i32
        %eq3A_1352 = arith.cmpi eq, %jit3A_1350, %eq3A_1351 : i32
        %jit3A_1353 = arith.constant 1 : i32
        %select_n3A_1354 = arith.select %eq3A_1352, %jit3A_1353, %jit3A_1350 : i32
        %rem3A_1355 = arith.remsi %add3A_1325, %select_n3A_1354 : i32
        %ne3A_1356 = arith.constant 0 : i32
        %ne3A_1357 = arith.cmpi ne, %rem3A_1355, %ne3A_1356 : i32
        %lt3A_1358 = arith.constant 0 : i32
        %lt3A_1359 = arith.cmpi slt, %rem3A_1355, %lt3A_1358 : i32
        %lt3A_1360 = arith.constant 0 : i32
        %lt3A_1361 = arith.cmpi slt, %select_n3A_1354, %lt3A_1360 : i32
        %ne3A_1362 = arith.xori %lt3A_1359, %lt3A_1361 : i1
        %and3A_1363 = arith.andi %ne3A_1362, %ne3A_1357 : i1
        %add3A_1364 = arith.addi %rem3A_1355, %select_n3A_1354 : i32
        %select_n3A_1365 = arith.select %and3A_1363, %add3A_1364, %rem3A_1355 : i32
        %dma_start3A_1366 = arith.constant 0 : i32
        %dma_start3A_1367 = arith.constant 0 : i32
        %dma_start3A_1368 = tpu.memref_slice %arg2[%select_n3A_1349, %select_n3A_1365, %dma_start3A_1366, %dma_start3A_1367] : memref<64x96x96x96xf32, #tpu.memory_space<hbm>> -> memref<1x1x96x96xf32, #tpu.memory_space<hbm>>
        %dma_start3A_1369 = tpu.memref_squeeze %dma_start3A_1368 : memref<1x1x96x96xf32, #tpu.memory_space<hbm>> -> memref<96x96xf32, #tpu.memory_space<hbm>>
        %dma_start3A_1370 = arith.constant 0 : i32
        %dma_start3A_1371 = arith.constant 0 : i32
        %dma_start3A_1372 = tpu.memref_slice %arg2[%select_n3A_1349, %select_n3A_1365, %dma_start3A_1370, %dma_start3A_1371] : memref<64x96x96x96xf32, #tpu.memory_space<hbm>> -> memref<1x1x96x96xf32, #tpu.memory_space<hbm>>
        %dma_start3A_1373 = tpu.memref_squeeze %dma_start3A_1372 : memref<1x1x96x96xf32, #tpu.memory_space<hbm>> -> memref<96x96xf32, #tpu.memory_space<hbm>>
        tpu.enqueue_dma source(%dma_start3A_1373 : memref<96x96xf32, #tpu.memory_space<hbm>>) target(%arg5 : memref<96x96xf32, #tpu.memory_space<vmem>>) target_semaphore(%arg9 : memref<!tpu.dma_semaphore, #tpu.memory_space<semaphore_mem>>)
      } else {
      }
      %ge3A = arith.constant 2 : i32
      %ge3A_78 = arith.cmpi sge, %add3A_72, %ge3A : i32
      %convert_element_type3A_79 = arith.extui %ge3A_78 : i1 to i32
      %cond3A_80 = arith.constant 0 : i32
      %cond3A_81 = arith.cmpi ne, %convert_element_type3A_79, %cond3A_80 : i32
      scf.if %cond3A_81 {
        %dma_wait3A_1323 = arith.constant 0 : i32
        %dma_wait3A_1324 = arith.constant 0 : i32
        %dma_wait3A_1325 = arith.constant 0 : i32
        %dma_wait3A_1326 = arith.constant 0 : i32
        %dma_wait3A_1327 = tpu.memref_slice %arg3[%dma_wait3A_1323, %dma_wait3A_1324, %dma_wait3A_1325, %dma_wait3A_1326] : memref<24x96x98x98xf32, #tpu.memory_space<hbm>> -> memref<1x1x98x98xf32, #tpu.memory_space<hbm>>
        %dma_wait3A_1328 = tpu.memref_squeeze %dma_wait3A_1327 : memref<1x1x98x98xf32, #tpu.memory_space<hbm>> -> memref<98x98xf32, #tpu.memory_space<hbm>>
        %dma_wait3A_1329 = arith.constant 0 : i32
        %dma_wait3A_1330 = arith.constant 0 : i32
        %dma_wait3A_1331 = tpu.memref_slice %arg3[%dma_wait3A_1323, %dma_wait3A_1324, %dma_wait3A_1329, %dma_wait3A_1330] : memref<24x96x98x98xf32, #tpu.memory_space<hbm>> -> memref<1x1x98x98xf32, #tpu.memory_space<hbm>>
        %dma_wait3A_1332 = tpu.memref_squeeze %dma_wait3A_1331 : memref<1x1x98x98xf32, #tpu.memory_space<hbm>> -> memref<98x98xf32, #tpu.memory_space<hbm>>
        tpu.wait_dma2 semaphore(%arg10 : memref<!tpu.dma_semaphore, #tpu.memory_space<semaphore_mem>>) src(%arg6 : memref<98x98xf32, #tpu.memory_space<vmem>>) dst(%dma_wait3A_1332 : memref<98x98xf32, #tpu.memory_space<hbm>>)
      } else {
      }
      %dma_wait3A_82 = arith.constant 0 : i32
      %dma_wait3A_83 = arith.constant 0 : i32
      %dma_wait3A_84 = arith.constant 0 : i32
      %dma_wait3A_85 = arith.constant 0 : i32
      %dma_wait3A_86 = tpu.memref_slice %arg2[%dma_wait3A_82, %dma_wait3A_83, %dma_wait3A_84, %dma_wait3A_85] : memref<64x96x96x96xf32, #tpu.memory_space<hbm>> -> memref<1x1x96x96xf32, #tpu.memory_space<hbm>>
      %dma_wait3A_87 = tpu.memref_squeeze %dma_wait3A_86 : memref<1x1x96x96xf32, #tpu.memory_space<hbm>> -> memref<96x96xf32, #tpu.memory_space<hbm>>
      %dma_wait3A_88 = arith.constant 0 : i32
      %dma_wait3A_89 = arith.constant 0 : i32
      %dma_wait3A_90 = tpu.memref_slice %arg2[%dma_wait3A_82, %dma_wait3A_83, %dma_wait3A_88, %dma_wait3A_89] : memref<64x96x96x96xf32, #tpu.memory_space<hbm>> -> memref<1x1x96x96xf32, #tpu.memory_space<hbm>>
      %dma_wait3A_91 = tpu.memref_squeeze %dma_wait3A_90 : memref<1x1x96x96xf32, #tpu.memory_space<hbm>> -> memref<96x96xf32, #tpu.memory_space<hbm>>
      tpu.wait_dma2 semaphore(%arg8 : memref<!tpu.dma_semaphore, #tpu.memory_space<semaphore_mem>>) src(%dma_wait3A_91 : memref<96x96xf32, #tpu.memory_space<hbm>>) dst(%arg4 : memref<96x96xf32, #tpu.memory_space<vmem>>)
      %add3A_92 = arith.addi %add3A_4, %add3A_72 : i32
      %jit3A_93 = arith.constant 96 : i32
      %div3A_94 = arith.divsi %add3A_92, %jit3A_93 : i32
      %sign3A_95 = arith.constant 0 : i32
      %sign3A_96 = arith.cmpi sgt, %add3A_92, %sign3A_95 : i32
      %sign3A_97 = arith.extui %sign3A_96 : i1 to i32
      %sign3A_98 = arith.constant 0 : i32
      %sign3A_99 = arith.cmpi slt, %add3A_92, %sign3A_98 : i32
      %sign3A_100 = arith.extui %sign3A_99 : i1 to i32
      %sign3A_101 = arith.subi %sign3A_97, %sign3A_100 : i32
      %sign3A_102 = arith.constant 0 : i32
      %sign3A_103 = arith.cmpi sgt, %jit3A_93, %sign3A_102 : i32
      %sign3A_104 = arith.extui %sign3A_103 : i1 to i32
      %sign3A_105 = arith.constant 0 : i32
      %sign3A_106 = arith.cmpi slt, %jit3A_93, %sign3A_105 : i32
      %sign3A_107 = arith.extui %sign3A_106 : i1 to i32
      %sign3A_108 = arith.subi %sign3A_104, %sign3A_107 : i32
      %ne3A_109 = arith.cmpi ne, %sign3A_101, %sign3A_108 : i32
      %rem3A_110 = arith.remsi %add3A_92, %jit3A_93 : i32
      %ne3A_111 = arith.constant 0 : i32
      %ne3A_112 = arith.cmpi ne, %rem3A_110, %ne3A_111 : i32
      %and3A_113 = arith.andi %ne3A_109, %ne3A_112 : i1
      %sub3A_114 = arith.constant 1 : i32
      %sub3A_115 = arith.subi %div3A_94, %sub3A_114 : i32
      %select_n3A_116 = arith.select %and3A_113, %sub3A_115, %div3A_94 : i32
      %jit3A_117 = arith.constant 16 : i32
      %eq3A_118 = arith.constant 0 : i32
      %eq3A_119 = arith.cmpi eq, %jit3A_117, %eq3A_118 : i32
      %jit3A_120 = arith.constant 1 : i32
      %select_n3A_121 = arith.select %eq3A_119, %jit3A_120, %jit3A_117 : i32
      %rem3A_122 = arith.remsi %select_n3A_116, %select_n3A_121 : i32
      %ne3A_123 = arith.constant 0 : i32
      %ne3A_124 = arith.cmpi ne, %rem3A_122, %ne3A_123 : i32
      %lt3A_125 = arith.constant 0 : i32
      %lt3A_126 = arith.cmpi slt, %rem3A_122, %lt3A_125 : i32
      %lt3A_127 = arith.constant 0 : i32
      %lt3A_128 = arith.cmpi slt, %select_n3A_121, %lt3A_127 : i32
      %ne3A_129 = arith.xori %lt3A_126, %lt3A_128 : i1
      %and3A_130 = arith.andi %ne3A_129, %ne3A_124 : i1
      %add3A_131 = arith.addi %rem3A_122, %select_n3A_121 : i32
      %select_n3A_132 = arith.select %and3A_130, %add3A_131, %rem3A_122 : i32
      %jit3A_133 = arith.constant 4 : i32
      %div3A_134 = arith.divsi %select_n3A_132, %jit3A_133 : i32
      %sign3A_135 = arith.constant 0 : i32
      %sign3A_136 = arith.cmpi sgt, %select_n3A_132, %sign3A_135 : i32
      %sign3A_137 = arith.extui %sign3A_136 : i1 to i32
      %sign3A_138 = arith.constant 0 : i32
      %sign3A_139 = arith.cmpi slt, %select_n3A_132, %sign3A_138 : i32
      %sign3A_140 = arith.extui %sign3A_139 : i1 to i32
      %sign3A_141 = arith.subi %sign3A_137, %sign3A_140 : i32
      %sign3A_142 = arith.constant 0 : i32
      %sign3A_143 = arith.cmpi sgt, %jit3A_133, %sign3A_142 : i32
      %sign3A_144 = arith.extui %sign3A_143 : i1 to i32
      %sign3A_145 = arith.constant 0 : i32
      %sign3A_146 = arith.cmpi slt, %jit3A_133, %sign3A_145 : i32
      %sign3A_147 = arith.extui %sign3A_146 : i1 to i32
      %sign3A_148 = arith.subi %sign3A_144, %sign3A_147 : i32
      %ne3A_149 = arith.cmpi ne, %sign3A_141, %sign3A_148 : i32
      %rem3A_150 = arith.remsi %select_n3A_132, %jit3A_133 : i32
      %ne3A_151 = arith.constant 0 : i32
      %ne3A_152 = arith.cmpi ne, %rem3A_150, %ne3A_151 : i32
      %and3A_153 = arith.andi %ne3A_149, %ne3A_152 : i1
      %sub3A_154 = arith.constant 1 : i32
      %sub3A_155 = arith.subi %div3A_134, %sub3A_154 : i32
      %select_n3A_156 = arith.select %and3A_153, %sub3A_155, %div3A_134 : i32
      %jit3A_157 = arith.constant 4 : i32
      %eq3A_158 = arith.constant 0 : i32
      %eq3A_159 = arith.cmpi eq, %jit3A_157, %eq3A_158 : i32
      %jit3A_160 = arith.constant 1 : i32
      %select_n3A_161 = arith.select %eq3A_159, %jit3A_160, %jit3A_157 : i32
      %rem3A_162 = arith.remsi %select_n3A_116, %select_n3A_161 : i32
      %ne3A_163 = arith.constant 0 : i32
      %ne3A_164 = arith.cmpi ne, %rem3A_162, %ne3A_163 : i32
      %lt3A_165 = arith.constant 0 : i32
      %lt3A_166 = arith.cmpi slt, %rem3A_162, %lt3A_165 : i32
      %lt3A_167 = arith.constant 0 : i32
      %lt3A_168 = arith.cmpi slt, %select_n3A_161, %lt3A_167 : i32
      %ne3A_169 = arith.xori %lt3A_166, %lt3A_168 : i1
      %and3A_170 = arith.andi %ne3A_169, %ne3A_164 : i1
      %add3A_171 = arith.addi %rem3A_162, %select_n3A_161 : i32
      %select_n3A_172 = arith.select %and3A_170, %add3A_171, %rem3A_162 : i32
      %eq3A_173 = arith.constant 0 : i32
      %eq3A_174 = arith.cmpi eq, %select_n3A_156, %eq3A_173 : i32
      %jit3A_175 = arith.constant 0.000000e+00 : f32
      %jit3A_176 = arith.constant 5.000000e-01 : f32
      %select_n3A_177 = arith.select %eq3A_174, %jit3A_175, %jit3A_176 : f32
      %eq3A_178 = arith.constant 3 : i32
      %eq3A_179 = arith.cmpi eq, %select_n3A_156, %eq3A_178 : i32
      %jit3A_180 = arith.constant 0.000000e+00 : f32
      %jit3A_181 = arith.constant 5.000000e-01 : f32
      %select_n3A_182 = arith.select %eq3A_179, %jit3A_180, %jit3A_181 : f32
      %eq3A_183 = arith.constant 0 : i32
      %eq3A_184 = arith.cmpi eq, %select_n3A_172, %eq3A_183 : i32
      %jit3A_185 = arith.constant 0.000000e+00 : f32
      %jit3A_186 = arith.constant 5.000000e-01 : f32
      %select_n3A_187 = arith.select %eq3A_184, %jit3A_185, %jit3A_186 : f32
      %eq3A_188 = arith.constant 3 : i32
      %eq3A_189 = arith.cmpi eq, %select_n3A_172, %eq3A_188 : i32
      %jit3A_190 = arith.constant 0.000000e+00 : f32
      %jit3A_191 = arith.constant 5.000000e-01 : f32
      %select_n3A_192 = arith.select %eq3A_189, %jit3A_190, %jit3A_191 : f32
      %iota3A = tpu.iota {dimensions = array<i32: 0>} : vector<16xi32>
      %broadcast_in_dim3A = arith.constant 0 : i32
      %broadcast_in_dim3A_193 = vector.broadcast %broadcast_in_dim3A : i32 to vector<16xi32>
      %broadcast_in_dim3A_194 = arith.constant 1 : i32
      %broadcast_in_dim3A_195 = vector.broadcast %broadcast_in_dim3A_194 : i32 to vector<16xi32>
      %broadcast_in_dim3A_196 = arith.constant 94 : i32
      %broadcast_in_dim3A_197 = vector.broadcast %broadcast_in_dim3A_196 : i32 to vector<16xi32>
      %broadcast_in_dim3A_198 = arith.constant 95 : i32
      %broadcast_in_dim3A_199 = vector.broadcast %broadcast_in_dim3A_198 : i32 to vector<16xi32>
      %scan3A_200 = arith.constant 0 : i32
      %scan3A_201 = arith.constant 0 : i32
      %scan3A_202 = arith.constant 96 : i32
      %scan3A_203 = arith.addi %scan3A_201, %scan3A_202 : i32
      %scan3A_204 = arith.constant 2 : i32
      scf.for %scan3A_1323 = %scan3A_201 to %scan3A_203 step %scan3A_204  : i32 {
        %broadcast_in_dim3A_1324 = vector.broadcast %scan3A_1323 : i32 to vector<16xi32>
        %add3A_1325 = arith.constant 0 : i32
        %add3A_1326 = vector.broadcast %add3A_1325 : i32 to vector<16xi32>
        %add3A_1327 = arith.addi %iota3A, %add3A_1326 : vector<16xi32>
        %add3A_1328 = arith.constant 1 : i32
        %add3A_1329 = vector.broadcast %add3A_1328 : i32 to vector<16xi32>
        %add3A_1330 = arith.addi %broadcast_in_dim3A_1324, %add3A_1329 : vector<16xi32>
        %add3A_1331 = arith.constant 1 : i32
        %add3A_1332 = vector.broadcast %add3A_1331 : i32 to vector<16xi32>
        %add3A_1333 = arith.addi %add3A_1327, %add3A_1332 : vector<16xi32>
        %gather3A_1334 = tpu.vector_load_idx %arg4[%broadcast_in_dim3A_1324, %add3A_1327] : memref<96x96xf32, #tpu.memory_space<vmem>>[vector<16xi32>, vector<16xi32>], vector<16xf32>,
        tpu.vector_store_idx %arg6[%add3A_1330, %add3A_1333], %gather3A_1334 : memref<98x98xf32, #tpu.memory_space<vmem>>[vector<16xi32>, vector<16xi32>], vector<16xf32>,
        %add3A_1335 = arith.constant 16 : i32
        %add3A_1336 = vector.broadcast %add3A_1335 : i32 to vector<16xi32>
        %add3A_1337 = arith.addi %iota3A, %add3A_1336 : vector<16xi32>
        %add3A_1338 = arith.constant 1 : i32
        %add3A_1339 = vector.broadcast %add3A_1338 : i32 to vector<16xi32>
        %add3A_1340 = arith.addi %broadcast_in_dim3A_1324, %add3A_1339 : vector<16xi32>
        %add3A_1341 = arith.constant 1 : i32
        %add3A_1342 = vector.broadcast %add3A_1341 : i32 to vector<16xi32>
        %add3A_1343 = arith.addi %add3A_1337, %add3A_1342 : vector<16xi32>
        %gather3A_1344 = tpu.vector_load_idx %arg4[%broadcast_in_dim3A_1324, %add3A_1337] : memref<96x96xf32, #tpu.memory_space<vmem>>[vector<16xi32>, vector<16xi32>], vector<16xf32>,
        tpu.vector_store_idx %arg6[%add3A_1340, %add3A_1343], %gather3A_1344 : memref<98x98xf32, #tpu.memory_space<vmem>>[vector<16xi32>, vector<16xi32>], vector<16xf32>,
        %add3A_1345 = arith.constant 32 : i32
        %add3A_1346 = vector.broadcast %add3A_1345 : i32 to vector<16xi32>
        %add3A_1347 = arith.addi %iota3A, %add3A_1346 : vector<16xi32>
        %add3A_1348 = arith.constant 1 : i32
        %add3A_1349 = vector.broadcast %add3A_1348 : i32 to vector<16xi32>
        %add3A_1350 = arith.addi %broadcast_in_dim3A_1324, %add3A_1349 : vector<16xi32>
        %add3A_1351 = arith.constant 1 : i32
        %add3A_1352 = vector.broadcast %add3A_1351 : i32 to vector<16xi32>
        %add3A_1353 = arith.addi %add3A_1347, %add3A_1352 : vector<16xi32>
        %gather3A_1354 = tpu.vector_load_idx %arg4[%broadcast_in_dim3A_1324, %add3A_1347] : memref<96x96xf32, #tpu.memory_space<vmem>>[vector<16xi32>, vector<16xi32>], vector<16xf32>,
        tpu.vector_store_idx %arg6[%add3A_1350, %add3A_1353], %gather3A_1354 : memref<98x98xf32, #tpu.memory_space<vmem>>[vector<16xi32>, vector<16xi32>], vector<16xf32>,
        %add3A_1355 = arith.constant 48 : i32
        %add3A_1356 = vector.broadcast %add3A_1355 : i32 to vector<16xi32>
        %add3A_1357 = arith.addi %iota3A, %add3A_1356 : vector<16xi32>
        %add3A_1358 = arith.constant 1 : i32
        %add3A_1359 = vector.broadcast %add3A_1358 : i32 to vector<16xi32>
        %add3A_1360 = arith.addi %broadcast_in_dim3A_1324, %add3A_1359 : vector<16xi32>
        %add3A_1361 = arith.constant 1 : i32
        %add3A_1362 = vector.broadcast %add3A_1361 : i32 to vector<16xi32>
        %add3A_1363 = arith.addi %add3A_1357, %add3A_1362 : vector<16xi32>
        %gather3A_1364 = tpu.vector_load_idx %arg4[%broadcast_in_dim3A_1324, %add3A_1357] : memref<96x96xf32, #tpu.memory_space<vmem>>[vector<16xi32>, vector<16xi32>], vector<16xf32>,
        tpu.vector_store_idx %arg6[%add3A_1360, %add3A_1363], %gather3A_1364 : memref<98x98xf32, #tpu.memory_space<vmem>>[vector<16xi32>, vector<16xi32>], vector<16xf32>,
        %add3A_1365 = arith.constant 64 : i32
        %add3A_1366 = vector.broadcast %add3A_1365 : i32 to vector<16xi32>
        %add3A_1367 = arith.addi %iota3A, %add3A_1366 : vector<16xi32>
        %add3A_1368 = arith.constant 1 : i32
        %add3A_1369 = vector.broadcast %add3A_1368 : i32 to vector<16xi32>
        %add3A_1370 = arith.addi %broadcast_in_dim3A_1324, %add3A_1369 : vector<16xi32>
        %add3A_1371 = arith.constant 1 : i32
        %add3A_1372 = vector.broadcast %add3A_1371 : i32 to vector<16xi32>
        %add3A_1373 = arith.addi %add3A_1367, %add3A_1372 : vector<16xi32>
        %gather3A_1374 = tpu.vector_load_idx %arg4[%broadcast_in_dim3A_1324, %add3A_1367] : memref<96x96xf32, #tpu.memory_space<vmem>>[vector<16xi32>, vector<16xi32>], vector<16xf32>,
        tpu.vector_store_idx %arg6[%add3A_1370, %add3A_1373], %gather3A_1374 : memref<98x98xf32, #tpu.memory_space<vmem>>[vector<16xi32>, vector<16xi32>], vector<16xf32>,
        %add3A_1375 = arith.constant 80 : i32
        %add3A_1376 = vector.broadcast %add3A_1375 : i32 to vector<16xi32>
        %add3A_1377 = arith.addi %iota3A, %add3A_1376 : vector<16xi32>
        %add3A_1378 = arith.constant 1 : i32
        %add3A_1379 = vector.broadcast %add3A_1378 : i32 to vector<16xi32>
        %add3A_1380 = arith.addi %broadcast_in_dim3A_1324, %add3A_1379 : vector<16xi32>
        %add3A_1381 = arith.constant 1 : i32
        %add3A_1382 = vector.broadcast %add3A_1381 : i32 to vector<16xi32>
        %add3A_1383 = arith.addi %add3A_1377, %add3A_1382 : vector<16xi32>
        %gather3A_1384 = tpu.vector_load_idx %arg4[%broadcast_in_dim3A_1324, %add3A_1377] : memref<96x96xf32, #tpu.memory_space<vmem>>[vector<16xi32>, vector<16xi32>], vector<16xf32>,
        tpu.vector_store_idx %arg6[%add3A_1380, %add3A_1383], %gather3A_1384 : memref<98x98xf32, #tpu.memory_space<vmem>>[vector<16xi32>, vector<16xi32>], vector<16xf32>,
        %scan3A_1385 = arith.constant 1 : i32
        %scan3A_1386 = arith.addi %scan3A_1323, %scan3A_1385 : i32
        %broadcast_in_dim3A_1387 = vector.broadcast %scan3A_1386 : i32 to vector<16xi32>
        %add3A_1388 = arith.constant 0 : i32
        %add3A_1389 = vector.broadcast %add3A_1388 : i32 to vector<16xi32>
        %add3A_1390 = arith.addi %iota3A, %add3A_1389 : vector<16xi32>
        %add3A_1391 = arith.constant 1 : i32
        %add3A_1392 = vector.broadcast %add3A_1391 : i32 to vector<16xi32>
        %add3A_1393 = arith.addi %broadcast_in_dim3A_1387, %add3A_1392 : vector<16xi32>
        %add3A_1394 = arith.constant 1 : i32
        %add3A_1395 = vector.broadcast %add3A_1394 : i32 to vector<16xi32>
        %add3A_1396 = arith.addi %add3A_1390, %add3A_1395 : vector<16xi32>
        %gather3A_1397 = tpu.vector_load_idx %arg4[%broadcast_in_dim3A_1387, %add3A_1390] : memref<96x96xf32, #tpu.memory_space<vmem>>[vector<16xi32>, vector<16xi32>], vector<16xf32>,
        tpu.vector_store_idx %arg6[%add3A_1393, %add3A_1396], %gather3A_1397 : memref<98x98xf32, #tpu.memory_space<vmem>>[vector<16xi32>, vector<16xi32>], vector<16xf32>,
        %add3A_1398 = arith.constant 16 : i32
        %add3A_1399 = vector.broadcast %add3A_1398 : i32 to vector<16xi32>
        %add3A_1400 = arith.addi %iota3A, %add3A_1399 : vector<16xi32>
        %add3A_1401 = arith.constant 1 : i32
        %add3A_1402 = vector.broadcast %add3A_1401 : i32 to vector<16xi32>
        %add3A_1403 = arith.addi %broadcast_in_dim3A_1387, %add3A_1402 : vector<16xi32>
        %add3A_1404 = arith.constant 1 : i32
        %add3A_1405 = vector.broadcast %add3A_1404 : i32 to vector<16xi32>
        %add3A_1406 = arith.addi %add3A_1400, %add3A_1405 : vector<16xi32>
        %gather3A_1407 = tpu.vector_load_idx %arg4[%broadcast_in_dim3A_1387, %add3A_1400] : memref<96x96xf32, #tpu.memory_space<vmem>>[vector<16xi32>, vector<16xi32>], vector<16xf32>,
        tpu.vector_store_idx %arg6[%add3A_1403, %add3A_1406], %gather3A_1407 : memref<98x98xf32, #tpu.memory_space<vmem>>[vector<16xi32>, vector<16xi32>], vector<16xf32>,
        %add3A_1408 = arith.constant 32 : i32
        %add3A_1409 = vector.broadcast %add3A_1408 : i32 to vector<16xi32>
        %add3A_1410 = arith.addi %iota3A, %add3A_1409 : vector<16xi32>
        %add3A_1411 = arith.constant 1 : i32
        %add3A_1412 = vector.broadcast %add3A_1411 : i32 to vector<16xi32>
        %add3A_1413 = arith.addi %broadcast_in_dim3A_1387, %add3A_1412 : vector<16xi32>
        %add3A_1414 = arith.constant 1 : i32
        %add3A_1415 = vector.broadcast %add3A_1414 : i32 to vector<16xi32>
        %add3A_1416 = arith.addi %add3A_1410, %add3A_1415 : vector<16xi32>
        %gather3A_1417 = tpu.vector_load_idx %arg4[%broadcast_in_dim3A_1387, %add3A_1410] : memref<96x96xf32, #tpu.memory_space<vmem>>[vector<16xi32>, vector<16xi32>], vector<16xf32>,
        tpu.vector_store_idx %arg6[%add3A_1413, %add3A_1416], %gather3A_1417 : memref<98x98xf32, #tpu.memory_space<vmem>>[vector<16xi32>, vector<16xi32>], vector<16xf32>,
        %add3A_1418 = arith.constant 48 : i32
        %add3A_1419 = vector.broadcast %add3A_1418 : i32 to vector<16xi32>
        %add3A_1420 = arith.addi %iota3A, %add3A_1419 : vector<16xi32>
        %add3A_1421 = arith.constant 1 : i32
        %add3A_1422 = vector.broadcast %add3A_1421 : i32 to vector<16xi32>
        %add3A_1423 = arith.addi %broadcast_in_dim3A_1387, %add3A_1422 : vector<16xi32>
        %add3A_1424 = arith.constant 1 : i32
        %add3A_1425 = vector.broadcast %add3A_1424 : i32 to vector<16xi32>
        %add3A_1426 = arith.addi %add3A_1420, %add3A_1425 : vector<16xi32>
        %gather3A_1427 = tpu.vector_load_idx %arg4[%broadcast_in_dim3A_1387, %add3A_1420] : memref<96x96xf32, #tpu.memory_space<vmem>>[vector<16xi32>, vector<16xi32>], vector<16xf32>,
        tpu.vector_store_idx %arg6[%add3A_1423, %add3A_1426], %gather3A_1427 : memref<98x98xf32, #tpu.memory_space<vmem>>[vector<16xi32>, vector<16xi32>], vector<16xf32>,
        %add3A_1428 = arith.constant 64 : i32
        %add3A_1429 = vector.broadcast %add3A_1428 : i32 to vector<16xi32>
        %add3A_1430 = arith.addi %iota3A, %add3A_1429 : vector<16xi32>
        %add3A_1431 = arith.constant 1 : i32
        %add3A_1432 = vector.broadcast %add3A_1431 : i32 to vector<16xi32>
        %add3A_1433 = arith.addi %broadcast_in_dim3A_1387, %add3A_1432 : vector<16xi32>
        %add3A_1434 = arith.constant 1 : i32
        %add3A_1435 = vector.broadcast %add3A_1434 : i32 to vector<16xi32>
        %add3A_1436 = arith.addi %add3A_1430, %add3A_1435 : vector<16xi32>
        %gather3A_1437 = tpu.vector_load_idx %arg4[%broadcast_in_dim3A_1387, %add3A_1430] : memref<96x96xf32, #tpu.memory_space<vmem>>[vector<16xi32>, vector<16xi32>], vector<16xf32>,
        tpu.vector_store_idx %arg6[%add3A_1433, %add3A_1436], %gather3A_1437 : memref<98x98xf32, #tpu.memory_space<vmem>>[vector<16xi32>, vector<16xi32>], vector<16xf32>,
        %add3A_1438 = arith.constant 80 : i32
        %add3A_1439 = vector.broadcast %add3A_1438 : i32 to vector<16xi32>
        %add3A_1440 = arith.addi %iota3A, %add3A_1439 : vector<16xi32>
        %add3A_1441 = arith.constant 1 : i32
        %add3A_1442 = vector.broadcast %add3A_1441 : i32 to vector<16xi32>
        %add3A_1443 = arith.addi %broadcast_in_dim3A_1387, %add3A_1442 : vector<16xi32>
        %add3A_1444 = arith.constant 1 : i32
        %add3A_1445 = vector.broadcast %add3A_1444 : i32 to vector<16xi32>
        %add3A_1446 = arith.addi %add3A_1440, %add3A_1445 : vector<16xi32>
        %gather3A_1447 = tpu.vector_load_idx %arg4[%broadcast_in_dim3A_1387, %add3A_1440] : memref<96x96xf32, #tpu.memory_space<vmem>>[vector<16xi32>, vector<16xi32>], vector<16xf32>,
        tpu.vector_store_idx %arg6[%add3A_1443, %add3A_1446], %gather3A_1447 : memref<98x98xf32, #tpu.memory_space<vmem>>[vector<16xi32>, vector<16xi32>], vector<16xf32>,
      }
      %scan3A_205 = arith.constant 96 : i32
      %broadcast_in_dim3A_206 = arith.constant 0 : i32
      %broadcast_in_dim3A_207 = vector.broadcast %broadcast_in_dim3A_206 : i32 to vector<16xi32>
      %add3A_208 = arith.constant 0 : i32
      %add3A_209 = vector.broadcast %add3A_208 : i32 to vector<16xi32>
      %add3A_210 = arith.addi %iota3A, %add3A_209 : vector<16xi32>
      %add3A_211 = arith.constant 1 : i32
      %add3A_212 = vector.broadcast %add3A_211 : i32 to vector<16xi32>
      %add3A_213 = arith.addi %add3A_210, %add3A_212 : vector<16xi32>
      %gather3A = tpu.vector_load_idx %arg4[%broadcast_in_dim3A_207, %add3A_210] : memref<96x96xf32, #tpu.memory_space<vmem>>[vector<16xi32>, vector<16xi32>], vector<16xf32>,
      %add3A_214 = arith.constant 1 : i32
      %add3A_215 = vector.broadcast %add3A_214 : i32 to vector<16xi32>
      %add3A_216 = arith.addi %broadcast_in_dim3A_207, %add3A_215 : vector<16xi32>
      %gather3A_217 = tpu.vector_load_idx %arg4[%add3A_216, %add3A_210] : memref<96x96xf32, #tpu.memory_space<vmem>>[vector<16xi32>, vector<16xi32>], vector<16xf32>,
      %add3A_218 = arith.addf %gather3A, %gather3A_217 : vector<16xf32>
      %mul3A_219 = vector.broadcast %select_n3A_177 : f32 to vector<16xf32>
      %mul3A_220 = arith.mulf %add3A_218, %mul3A_219 : vector<16xf32>
      tpu.vector_store_idx %arg6[%broadcast_in_dim3A_207, %add3A_213], %mul3A_220 : memref<98x98xf32, #tpu.memory_space<vmem>>[vector<16xi32>, vector<16xi32>], vector<16xf32>,
      %add3A_221 = arith.constant 97 : i32
      %add3A_222 = vector.broadcast %add3A_221 : i32 to vector<16xi32>
      %add3A_223 = arith.addi %broadcast_in_dim3A_207, %add3A_222 : vector<16xi32>
      %add3A_224 = arith.constant 1 : i32
      %add3A_225 = vector.broadcast %add3A_224 : i32 to vector<16xi32>
      %add3A_226 = arith.addi %add3A_210, %add3A_225 : vector<16xi32>
      %add3A_227 = arith.constant 94 : i32
      %add3A_228 = vector.broadcast %add3A_227 : i32 to vector<16xi32>
      %add3A_229 = arith.addi %broadcast_in_dim3A_207, %add3A_228 : vector<16xi32>
      %gather3A_230 = tpu.vector_load_idx %arg4[%add3A_229, %add3A_210] : memref<96x96xf32, #tpu.memory_space<vmem>>[vector<16xi32>, vector<16xi32>], vector<16xf32>,
      %add3A_231 = arith.constant 95 : i32
      %add3A_232 = vector.broadcast %add3A_231 : i32 to vector<16xi32>
      %add3A_233 = arith.addi %broadcast_in_dim3A_207, %add3A_232 : vector<16xi32>
      %gather3A_234 = tpu.vector_load_idx %arg4[%add3A_233, %add3A_210] : memref<96x96xf32, #tpu.memory_space<vmem>>[vector<16xi32>, vector<16xi32>], vector<16xf32>,
      %add3A_235 = arith.addf %gather3A_230, %gather3A_234 : vector<16xf32>
      %mul3A_236 = vector.broadcast %select_n3A_182 : f32 to vector<16xf32>
      %mul3A_237 = arith.mulf %add3A_235, %mul3A_236 : vector<16xf32>
      tpu.vector_store_idx %arg6[%add3A_223, %add3A_226], %mul3A_237 : memref<98x98xf32, #tpu.memory_space<vmem>>[vector<16xi32>, vector<16xi32>], vector<16xf32>,
      %add3A_238 = arith.constant 16 : i32
      %add3A_239 = vector.broadcast %add3A_238 : i32 to vector<16xi32>
      %add3A_240 = arith.addi %iota3A, %add3A_239 : vector<16xi32>
      %add3A_241 = arith.constant 1 : i32
      %add3A_242 = vector.broadcast %add3A_241 : i32 to vector<16xi32>
      %add3A_243 = arith.addi %add3A_240, %add3A_242 : vector<16xi32>
      %gather3A_244 = tpu.vector_load_idx %arg4[%broadcast_in_dim3A_207, %add3A_240] : memref<96x96xf32, #tpu.memory_space<vmem>>[vector<16xi32>, vector<16xi32>], vector<16xf32>,
      %add3A_245 = arith.constant 1 : i32
      %add3A_246 = vector.broadcast %add3A_245 : i32 to vector<16xi32>
      %add3A_247 = arith.addi %broadcast_in_dim3A_207, %add3A_246 : vector<16xi32>
      %gather3A_248 = tpu.vector_load_idx %arg4[%add3A_247, %add3A_240] : memref<96x96xf32, #tpu.memory_space<vmem>>[vector<16xi32>, vector<16xi32>], vector<16xf32>,
      %add3A_249 = arith.addf %gather3A_244, %gather3A_248 : vector<16xf32>
      %mul3A_250 = vector.broadcast %select_n3A_177 : f32 to vector<16xf32>
      %mul3A_251 = arith.mulf %add3A_249, %mul3A_250 : vector<16xf32>
      tpu.vector_store_idx %arg6[%broadcast_in_dim3A_207, %add3A_243], %mul3A_251 : memref<98x98xf32, #tpu.memory_space<vmem>>[vector<16xi32>, vector<16xi32>], vector<16xf32>,
      %add3A_252 = arith.constant 97 : i32
      %add3A_253 = vector.broadcast %add3A_252 : i32 to vector<16xi32>
      %add3A_254 = arith.addi %broadcast_in_dim3A_207, %add3A_253 : vector<16xi32>
      %add3A_255 = arith.constant 1 : i32
      %add3A_256 = vector.broadcast %add3A_255 : i32 to vector<16xi32>
      %add3A_257 = arith.addi %add3A_240, %add3A_256 : vector<16xi32>
      %add3A_258 = arith.constant 94 : i32
      %add3A_259 = vector.broadcast %add3A_258 : i32 to vector<16xi32>
      %add3A_260 = arith.addi %broadcast_in_dim3A_207, %add3A_259 : vector<16xi32>
      %gather3A_261 = tpu.vector_load_idx %arg4[%add3A_260, %add3A_240] : memref<96x96xf32, #tpu.memory_space<vmem>>[vector<16xi32>, vector<16xi32>], vector<16xf32>,
      %add3A_262 = arith.constant 95 : i32
      %add3A_263 = vector.broadcast %add3A_262 : i32 to vector<16xi32>
      %add3A_264 = arith.addi %broadcast_in_dim3A_207, %add3A_263 : vector<16xi32>
      %gather3A_265 = tpu.vector_load_idx %arg4[%add3A_264, %add3A_240] : memref<96x96xf32, #tpu.memory_space<vmem>>[vector<16xi32>, vector<16xi32>], vector<16xf32>,
      %add3A_266 = arith.addf %gather3A_261, %gather3A_265 : vector<16xf32>
      %mul3A_267 = vector.broadcast %select_n3A_182 : f32 to vector<16xf32>
      %mul3A_268 = arith.mulf %add3A_266, %mul3A_267 : vector<16xf32>
      tpu.vector_store_idx %arg6[%add3A_254, %add3A_257], %mul3A_268 : memref<98x98xf32, #tpu.memory_space<vmem>>[vector<16xi32>, vector<16xi32>], vector<16xf32>,
      %add3A_269 = arith.constant 32 : i32
      %add3A_270 = vector.broadcast %add3A_269 : i32 to vector<16xi32>
      %add3A_271 = arith.addi %iota3A, %add3A_270 : vector<16xi32>
      %add3A_272 = arith.constant 1 : i32
      %add3A_273 = vector.broadcast %add3A_272 : i32 to vector<16xi32>
      %add3A_274 = arith.addi %add3A_271, %add3A_273 : vector<16xi32>
      %gather3A_275 = tpu.vector_load_idx %arg4[%broadcast_in_dim3A_207, %add3A_271] : memref<96x96xf32, #tpu.memory_space<vmem>>[vector<16xi32>, vector<16xi32>], vector<16xf32>,
      %add3A_276 = arith.constant 1 : i32
      %add3A_277 = vector.broadcast %add3A_276 : i32 to vector<16xi32>
      %add3A_278 = arith.addi %broadcast_in_dim3A_207, %add3A_277 : vector<16xi32>
      %gather3A_279 = tpu.vector_load_idx %arg4[%add3A_278, %add3A_271] : memref<96x96xf32, #tpu.memory_space<vmem>>[vector<16xi32>, vector<16xi32>], vector<16xf32>,
      %add3A_280 = arith.addf %gather3A_275, %gather3A_279 : vector<16xf32>
      %mul3A_281 = vector.broadcast %select_n3A_177 : f32 to vector<16xf32>
      %mul3A_282 = arith.mulf %add3A_280, %mul3A_281 : vector<16xf32>
      tpu.vector_store_idx %arg6[%broadcast_in_dim3A_207, %add3A_274], %mul3A_282 : memref<98x98xf32, #tpu.memory_space<vmem>>[vector<16xi32>, vector<16xi32>], vector<16xf32>,
      %add3A_283 = arith.constant 97 : i32
      %add3A_284 = vector.broadcast %add3A_283 : i32 to vector<16xi32>
      %add3A_285 = arith.addi %broadcast_in_dim3A_207, %add3A_284 : vector<16xi32>
      %add3A_286 = arith.constant 1 : i32
      %add3A_287 = vector.broadcast %add3A_286 : i32 to vector<16xi32>
      %add3A_288 = arith.addi %add3A_271, %add3A_287 : vector<16xi32>
      %add3A_289 = arith.constant 94 : i32
      %add3A_290 = vector.broadcast %add3A_289 : i32 to vector<16xi32>
      %add3A_291 = arith.addi %broadcast_in_dim3A_207, %add3A_290 : vector<16xi32>
      %gather3A_292 = tpu.vector_load_idx %arg4[%add3A_291, %add3A_271] : memref<96x96xf32, #tpu.memory_space<vmem>>[vector<16xi32>, vector<16xi32>], vector<16xf32>,
      %add3A_293 = arith.constant 95 : i32
      %add3A_294 = vector.broadcast %add3A_293 : i32 to vector<16xi32>
      %add3A_295 = arith.addi %broadcast_in_dim3A_207, %add3A_294 : vector<16xi32>
      %gather3A_296 = tpu.vector_load_idx %arg4[%add3A_295, %add3A_271] : memref<96x96xf32, #tpu.memory_space<vmem>>[vector<16xi32>, vector<16xi32>], vector<16xf32>,
      %add3A_297 = arith.addf %gather3A_292, %gather3A_296 : vector<16xf32>
      %mul3A_298 = vector.broadcast %select_n3A_182 : f32 to vector<16xf32>
      %mul3A_299 = arith.mulf %add3A_297, %mul3A_298 : vector<16xf32>
      tpu.vector_store_idx %arg6[%add3A_285, %add3A_288], %mul3A_299 : memref<98x98xf32, #tpu.memory_space<vmem>>[vector<16xi32>, vector<16xi32>], vector<16xf32>,
      %add3A_300 = arith.constant 48 : i32
      %add3A_301 = vector.broadcast %add3A_300 : i32 to vector<16xi32>
      %add3A_302 = arith.addi %iota3A, %add3A_301 : vector<16xi32>
      %add3A_303 = arith.constant 1 : i32
      %add3A_304 = vector.broadcast %add3A_303 : i32 to vector<16xi32>
      %add3A_305 = arith.addi %add3A_302, %add3A_304 : vector<16xi32>
      %gather3A_306 = tpu.vector_load_idx %arg4[%broadcast_in_dim3A_207, %add3A_302] : memref<96x96xf32, #tpu.memory_space<vmem>>[vector<16xi32>, vector<16xi32>], vector<16xf32>,
      %add3A_307 = arith.constant 1 : i32
      %add3A_308 = vector.broadcast %add3A_307 : i32 to vector<16xi32>
      %add3A_309 = arith.addi %broadcast_in_dim3A_207, %add3A_308 : vector<16xi32>
      %gather3A_310 = tpu.vector_load_idx %arg4[%add3A_309, %add3A_302] : memref<96x96xf32, #tpu.memory_space<vmem>>[vector<16xi32>, vector<16xi32>], vector<16xf32>,
      %add3A_311 = arith.addf %gather3A_306, %gather3A_310 : vector<16xf32>
      %mul3A_312 = vector.broadcast %select_n3A_177 : f32 to vector<16xf32>
      %mul3A_313 = arith.mulf %add3A_311, %mul3A_312 : vector<16xf32>
      tpu.vector_store_idx %arg6[%broadcast_in_dim3A_207, %add3A_305], %mul3A_313 : memref<98x98xf32, #tpu.memory_space<vmem>>[vector<16xi32>, vector<16xi32>], vector<16xf32>,
      %add3A_314 = arith.constant 97 : i32
      %add3A_315 = vector.broadcast %add3A_314 : i32 to vector<16xi32>
      %add3A_316 = arith.addi %broadcast_in_dim3A_207, %add3A_315 : vector<16xi32>
      %add3A_317 = arith.constant 1 : i32
      %add3A_318 = vector.broadcast %add3A_317 : i32 to vector<16xi32>
      %add3A_319 = arith.addi %add3A_302, %add3A_318 : vector<16xi32>
      %add3A_320 = arith.constant 94 : i32
      %add3A_321 = vector.broadcast %add3A_320 : i32 to vector<16xi32>
      %add3A_322 = arith.addi %broadcast_in_dim3A_207, %add3A_321 : vector<16xi32>
      %gather3A_323 = tpu.vector_load_idx %arg4[%add3A_322, %add3A_302] : memref<96x96xf32, #tpu.memory_space<vmem>>[vector<16xi32>, vector<16xi32>], vector<16xf32>,
      %add3A_324 = arith.constant 95 : i32
      %add3A_325 = vector.broadcast %add3A_324 : i32 to vector<16xi32>
      %add3A_326 = arith.addi %broadcast_in_dim3A_207, %add3A_325 : vector<16xi32>
      %gather3A_327 = tpu.vector_load_idx %arg4[%add3A_326, %add3A_302] : memref<96x96xf32, #tpu.memory_space<vmem>>[vector<16xi32>, vector<16xi32>], vector<16xf32>,
      %add3A_328 = arith.addf %gather3A_323, %gather3A_327 : vector<16xf32>
      %mul3A_329 = vector.broadcast %select_n3A_182 : f32 to vector<16xf32>
      %mul3A_330 = arith.mulf %add3A_328, %mul3A_329 : vector<16xf32>
      tpu.vector_store_idx %arg6[%add3A_316, %add3A_319], %mul3A_330 : memref<98x98xf32, #tpu.memory_space<vmem>>[vector<16xi32>, vector<16xi32>], vector<16xf32>,
      %add3A_331 = arith.constant 64 : i32
      %add3A_332 = vector.broadcast %add3A_331 : i32 to vector<16xi32>
      %add3A_333 = arith.addi %iota3A, %add3A_332 : vector<16xi32>
      %add3A_334 = arith.constant 1 : i32
      %add3A_335 = vector.broadcast %add3A_334 : i32 to vector<16xi32>
      %add3A_336 = arith.addi %add3A_333, %add3A_335 : vector<16xi32>
      %gather3A_337 = tpu.vector_load_idx %arg4[%broadcast_in_dim3A_207, %add3A_333] : memref<96x96xf32, #tpu.memory_space<vmem>>[vector<16xi32>, vector<16xi32>], vector<16xf32>,
      %add3A_338 = arith.constant 1 : i32
      %add3A_339 = vector.broadcast %add3A_338 : i32 to vector<16xi32>
      %add3A_340 = arith.addi %broadcast_in_dim3A_207, %add3A_339 : vector<16xi32>
      %gather3A_341 = tpu.vector_load_idx %arg4[%add3A_340, %add3A_333] : memref<96x96xf32, #tpu.memory_space<vmem>>[vector<16xi32>, vector<16xi32>], vector<16xf32>,
      %add3A_342 = arith.addf %gather3A_337, %gather3A_341 : vector<16xf32>
      %mul3A_343 = vector.broadcast %select_n3A_177 : f32 to vector<16xf32>
      %mul3A_344 = arith.mulf %add3A_342, %mul3A_343 : vector<16xf32>
      tpu.vector_store_idx %arg6[%broadcast_in_dim3A_207, %add3A_336], %mul3A_344 : memref<98x98xf32, #tpu.memory_space<vmem>>[vector<16xi32>, vector<16xi32>], vector<16xf32>,
      %add3A_345 = arith.constant 97 : i32
      %add3A_346 = vector.broadcast %add3A_345 : i32 to vector<16xi32>
      %add3A_347 = arith.addi %broadcast_in_dim3A_207, %add3A_346 : vector<16xi32>
      %add3A_348 = arith.constant 1 : i32
      %add3A_349 = vector.broadcast %add3A_348 : i32 to vector<16xi32>
      %add3A_350 = arith.addi %add3A_333, %add3A_349 : vector<16xi32>
      %add3A_351 = arith.constant 94 : i32
      %add3A_352 = vector.broadcast %add3A_351 : i32 to vector<16xi32>
      %add3A_353 = arith.addi %broadcast_in_dim3A_207, %add3A_352 : vector<16xi32>
      %gather3A_354 = tpu.vector_load_idx %arg4[%add3A_353, %add3A_333] : memref<96x96xf32, #tpu.memory_space<vmem>>[vector<16xi32>, vector<16xi32>], vector<16xf32>,
      %add3A_355 = arith.constant 95 : i32
      %add3A_356 = vector.broadcast %add3A_355 : i32 to vector<16xi32>
      %add3A_357 = arith.addi %broadcast_in_dim3A_207, %add3A_356 : vector<16xi32>
      %gather3A_358 = tpu.vector_load_idx %arg4[%add3A_357, %add3A_333] : memref<96x96xf32, #tpu.memory_space<vmem>>[vector<16xi32>, vector<16xi32>], vector<16xf32>,
      %add3A_359 = arith.addf %gather3A_354, %gather3A_358 : vector<16xf32>
      %mul3A_360 = vector.broadcast %select_n3A_182 : f32 to vector<16xf32>
      %mul3A_361 = arith.mulf %add3A_359, %mul3A_360 : vector<16xf32>
      tpu.vector_store_idx %arg6[%add3A_347, %add3A_350], %mul3A_361 : memref<98x98xf32, #tpu.memory_space<vmem>>[vector<16xi32>, vector<16xi32>], vector<16xf32>,
      %add3A_362 = arith.constant 80 : i32
      %add3A_363 = vector.broadcast %add3A_362 : i32 to vector<16xi32>
      %add3A_364 = arith.addi %iota3A, %add3A_363 : vector<16xi32>
      %add3A_365 = arith.constant 1 : i32
      %add3A_366 = vector.broadcast %add3A_365 : i32 to vector<16xi32>
      %add3A_367 = arith.addi %add3A_364, %add3A_366 : vector<16xi32>
      %gather3A_368 = tpu.vector_load_idx %arg4[%broadcast_in_dim3A_207, %add3A_364] : memref<96x96xf32, #tpu.memory_space<vmem>>[vector<16xi32>, vector<16xi32>], vector<16xf32>,
      %add3A_369 = arith.constant 1 : i32
      %add3A_370 = vector.broadcast %add3A_369 : i32 to vector<16xi32>
      %add3A_371 = arith.addi %broadcast_in_dim3A_207, %add3A_370 : vector<16xi32>
      %gather3A_372 = tpu.vector_load_idx %arg4[%add3A_371, %add3A_364] : memref<96x96xf32, #tpu.memory_space<vmem>>[vector<16xi32>, vector<16xi32>], vector<16xf32>,
      %add3A_373 = arith.addf %gather3A_368, %gather3A_372 : vector<16xf32>
      %mul3A_374 = vector.broadcast %select_n3A_177 : f32 to vector<16xf32>
      %mul3A_375 = arith.mulf %add3A_373, %mul3A_374 : vector<16xf32>
      tpu.vector_store_idx %arg6[%broadcast_in_dim3A_207, %add3A_367], %mul3A_375 : memref<98x98xf32, #tpu.memory_space<vmem>>[vector<16xi32>, vector<16xi32>], vector<16xf32>,
      %add3A_376 = arith.constant 97 : i32
      %add3A_377 = vector.broadcast %add3A_376 : i32 to vector<16xi32>
      %add3A_378 = arith.addi %broadcast_in_dim3A_207, %add3A_377 : vector<16xi32>
      %add3A_379 = arith.constant 1 : i32
      %add3A_380 = vector.broadcast %add3A_379 : i32 to vector<16xi32>
      %add3A_381 = arith.addi %add3A_364, %add3A_380 : vector<16xi32>
      %add3A_382 = arith.constant 94 : i32
      %add3A_383 = vector.broadcast %add3A_382 : i32 to vector<16xi32>
      %add3A_384 = arith.addi %broadcast_in_dim3A_207, %add3A_383 : vector<16xi32>
      %gather3A_385 = tpu.vector_load_idx %arg4[%add3A_384, %add3A_364] : memref<96x96xf32, #tpu.memory_space<vmem>>[vector<16xi32>, vector<16xi32>], vector<16xf32>,
      %add3A_386 = arith.constant 95 : i32
      %add3A_387 = vector.broadcast %add3A_386 : i32 to vector<16xi32>
      %add3A_388 = arith.addi %broadcast_in_dim3A_207, %add3A_387 : vector<16xi32>
      %gather3A_389 = tpu.vector_load_idx %arg4[%add3A_388, %add3A_364] : memref<96x96xf32, #tpu.memory_space<vmem>>[vector<16xi32>, vector<16xi32>], vector<16xf32>,
      %add3A_390 = arith.addf %gather3A_385, %gather3A_389 : vector<16xf32>
      %mul3A_391 = vector.broadcast %select_n3A_182 : f32 to vector<16xf32>
      %mul3A_392 = arith.mulf %add3A_390, %mul3A_391 : vector<16xf32>
      tpu.vector_store_idx %arg6[%add3A_378, %add3A_381], %mul3A_392 : memref<98x98xf32, #tpu.memory_space<vmem>>[vector<16xi32>, vector<16xi32>], vector<16xf32>,
      %add3A_393 = arith.constant 0 : i32
      %add3A_394 = vector.broadcast %add3A_393 : i32 to vector<16xi32>
      %add3A_395 = arith.addi %iota3A, %add3A_394 : vector<16xi32>
      %add3A_396 = arith.constant 1 : i32
      %add3A_397 = vector.broadcast %add3A_396 : i32 to vector<16xi32>
      %add3A_398 = arith.addi %add3A_395, %add3A_397 : vector<16xi32>
      %gather3A_399 = tpu.vector_load_idx %arg4[%add3A_395, %broadcast_in_dim3A_193] : memref<96x96xf32, #tpu.memory_space<vmem>>[vector<16xi32>, vector<16xi32>], vector<16xf32>,
      %gather3A_400 = tpu.vector_load_idx %arg4[%add3A_395, %broadcast_in_dim3A_195] : memref<96x96xf32, #tpu.memory_space<vmem>>[vector<16xi32>, vector<16xi32>], vector<16xf32>,
      %add3A_401 = arith.addf %gather3A_399, %gather3A_400 : vector<16xf32>
      %mul3A_402 = vector.broadcast %select_n3A_187 : f32 to vector<16xf32>
      %mul3A_403 = arith.mulf %add3A_401, %mul3A_402 : vector<16xf32>
      tpu.vector_store_idx %arg6[%add3A_398, %broadcast_in_dim3A_207], %mul3A_403 : memref<98x98xf32, #tpu.memory_space<vmem>>[vector<16xi32>, vector<16xi32>], vector<16xf32>,
      %add3A_404 = arith.constant 1 : i32
      %add3A_405 = vector.broadcast %add3A_404 : i32 to vector<16xi32>
      %add3A_406 = arith.addi %add3A_395, %add3A_405 : vector<16xi32>
      %add3A_407 = arith.constant 97 : i32
      %add3A_408 = vector.broadcast %add3A_407 : i32 to vector<16xi32>
      %add3A_409 = arith.addi %broadcast_in_dim3A_207, %add3A_408 : vector<16xi32>
      %gather3A_410 = tpu.vector_load_idx %arg4[%add3A_395, %broadcast_in_dim3A_197] : memref<96x96xf32, #tpu.memory_space<vmem>>[vector<16xi32>, vector<16xi32>], vector<16xf32>,
      %gather3A_411 = tpu.vector_load_idx %arg4[%add3A_395, %broadcast_in_dim3A_199] : memref<96x96xf32, #tpu.memory_space<vmem>>[vector<16xi32>, vector<16xi32>], vector<16xf32>,
      %add3A_412 = arith.addf %gather3A_410, %gather3A_411 : vector<16xf32>
      %mul3A_413 = vector.broadcast %select_n3A_192 : f32 to vector<16xf32>
      %mul3A_414 = arith.mulf %add3A_412, %mul3A_413 : vector<16xf32>
      tpu.vector_store_idx %arg6[%add3A_406, %add3A_409], %mul3A_414 : memref<98x98xf32, #tpu.memory_space<vmem>>[vector<16xi32>, vector<16xi32>], vector<16xf32>,
      %add3A_415 = arith.constant 16 : i32
      %add3A_416 = vector.broadcast %add3A_415 : i32 to vector<16xi32>
      %add3A_417 = arith.addi %iota3A, %add3A_416 : vector<16xi32>
      %add3A_418 = arith.constant 1 : i32
      %add3A_419 = vector.broadcast %add3A_418 : i32 to vector<16xi32>
      %add3A_420 = arith.addi %add3A_417, %add3A_419 : vector<16xi32>
      %gather3A_421 = tpu.vector_load_idx %arg4[%add3A_417, %broadcast_in_dim3A_193] : memref<96x96xf32, #tpu.memory_space<vmem>>[vector<16xi32>, vector<16xi32>], vector<16xf32>,
      %gather3A_422 = tpu.vector_load_idx %arg4[%add3A_417, %broadcast_in_dim3A_195] : memref<96x96xf32, #tpu.memory_space<vmem>>[vector<16xi32>, vector<16xi32>], vector<16xf32>,
      %add3A_423 = arith.addf %gather3A_421, %gather3A_422 : vector<16xf32>
      %mul3A_424 = vector.broadcast %select_n3A_187 : f32 to vector<16xf32>
      %mul3A_425 = arith.mulf %add3A_423, %mul3A_424 : vector<16xf32>
      tpu.vector_store_idx %arg6[%add3A_420, %broadcast_in_dim3A_207], %mul3A_425 : memref<98x98xf32, #tpu.memory_space<vmem>>[vector<16xi32>, vector<16xi32>], vector<16xf32>,
      %add3A_426 = arith.constant 1 : i32
      %add3A_427 = vector.broadcast %add3A_426 : i32 to vector<16xi32>
      %add3A_428 = arith.addi %add3A_417, %add3A_427 : vector<16xi32>
      %add3A_429 = arith.constant 97 : i32
      %add3A_430 = vector.broadcast %add3A_429 : i32 to vector<16xi32>
      %add3A_431 = arith.addi %broadcast_in_dim3A_207, %add3A_430 : vector<16xi32>
      %gather3A_432 = tpu.vector_load_idx %arg4[%add3A_417, %broadcast_in_dim3A_197] : memref<96x96xf32, #tpu.memory_space<vmem>>[vector<16xi32>, vector<16xi32>], vector<16xf32>,
      %gather3A_433 = tpu.vector_load_idx %arg4[%add3A_417, %broadcast_in_dim3A_199] : memref<96x96xf32, #tpu.memory_space<vmem>>[vector<16xi32>, vector<16xi32>], vector<16xf32>,
      %add3A_434 = arith.addf %gather3A_432, %gather3A_433 : vector<16xf32>
      %mul3A_435 = vector.broadcast %select_n3A_192 : f32 to vector<16xf32>
      %mul3A_436 = arith.mulf %add3A_434, %mul3A_435 : vector<16xf32>
      tpu.vector_store_idx %arg6[%add3A_428, %add3A_431], %mul3A_436 : memref<98x98xf32, #tpu.memory_space<vmem>>[vector<16xi32>, vector<16xi32>], vector<16xf32>,
      %add3A_437 = arith.constant 32 : i32
      %add3A_438 = vector.broadcast %add3A_437 : i32 to vector<16xi32>
      %add3A_439 = arith.addi %iota3A, %add3A_438 : vector<16xi32>
      %add3A_440 = arith.constant 1 : i32
      %add3A_441 = vector.broadcast %add3A_440 : i32 to vector<16xi32>
      %add3A_442 = arith.addi %add3A_439, %add3A_441 : vector<16xi32>
      %gather3A_443 = tpu.vector_load_idx %arg4[%add3A_439, %broadcast_in_dim3A_193] : memref<96x96xf32, #tpu.memory_space<vmem>>[vector<16xi32>, vector<16xi32>], vector<16xf32>,
      %gather3A_444 = tpu.vector_load_idx %arg4[%add3A_439, %broadcast_in_dim3A_195] : memref<96x96xf32, #tpu.memory_space<vmem>>[vector<16xi32>, vector<16xi32>], vector<16xf32>,
      %add3A_445 = arith.addf %gather3A_443, %gather3A_444 : vector<16xf32>
      %mul3A_446 = vector.broadcast %select_n3A_187 : f32 to vector<16xf32>
      %mul3A_447 = arith.mulf %add3A_445, %mul3A_446 : vector<16xf32>
      tpu.vector_store_idx %arg6[%add3A_442, %broadcast_in_dim3A_207], %mul3A_447 : memref<98x98xf32, #tpu.memory_space<vmem>>[vector<16xi32>, vector<16xi32>], vector<16xf32>,
      %add3A_448 = arith.constant 1 : i32
      %add3A_449 = vector.broadcast %add3A_448 : i32 to vector<16xi32>
      %add3A_450 = arith.addi %add3A_439, %add3A_449 : vector<16xi32>
      %add3A_451 = arith.constant 97 : i32
      %add3A_452 = vector.broadcast %add3A_451 : i32 to vector<16xi32>
      %add3A_453 = arith.addi %broadcast_in_dim3A_207, %add3A_452 : vector<16xi32>
      %gather3A_454 = tpu.vector_load_idx %arg4[%add3A_439, %broadcast_in_dim3A_197] : memref<96x96xf32, #tpu.memory_space<vmem>>[vector<16xi32>, vector<16xi32>], vector<16xf32>,
      %gather3A_455 = tpu.vector_load_idx %arg4[%add3A_439, %broadcast_in_dim3A_199] : memref<96x96xf32, #tpu.memory_space<vmem>>[vector<16xi32>, vector<16xi32>], vector<16xf32>,
      %add3A_456 = arith.addf %gather3A_454, %gather3A_455 : vector<16xf32>
      %mul3A_457 = vector.broadcast %select_n3A_192 : f32 to vector<16xf32>
      %mul3A_458 = arith.mulf %add3A_456, %mul3A_457 : vector<16xf32>
      tpu.vector_store_idx %arg6[%add3A_450, %add3A_453], %mul3A_458 : memref<98x98xf32, #tpu.memory_space<vmem>>[vector<16xi32>, vector<16xi32>], vector<16xf32>,
      %add3A_459 = arith.constant 48 : i32
      %add3A_460 = vector.broadcast %add3A_459 : i32 to vector<16xi32>
      %add3A_461 = arith.addi %iota3A, %add3A_460 : vector<16xi32>
      %add3A_462 = arith.constant 1 : i32
      %add3A_463 = vector.broadcast %add3A_462 : i32 to vector<16xi32>
      %add3A_464 = arith.addi %add3A_461, %add3A_463 : vector<16xi32>
      %gather3A_465 = tpu.vector_load_idx %arg4[%add3A_461, %broadcast_in_dim3A_193] : memref<96x96xf32, #tpu.memory_space<vmem>>[vector<16xi32>, vector<16xi32>], vector<16xf32>,
      %gather3A_466 = tpu.vector_load_idx %arg4[%add3A_461, %broadcast_in_dim3A_195] : memref<96x96xf32, #tpu.memory_space<vmem>>[vector<16xi32>, vector<16xi32>], vector<16xf32>,
      %add3A_467 = arith.addf %gather3A_465, %gather3A_466 : vector<16xf32>
      %mul3A_468 = vector.broadcast %select_n3A_187 : f32 to vector<16xf32>
      %mul3A_469 = arith.mulf %add3A_467, %mul3A_468 : vector<16xf32>
      tpu.vector_store_idx %arg6[%add3A_464, %broadcast_in_dim3A_207], %mul3A_469 : memref<98x98xf32, #tpu.memory_space<vmem>>[vector<16xi32>, vector<16xi32>], vector<16xf32>,
      %add3A_470 = arith.constant 1 : i32
      %add3A_471 = vector.broadcast %add3A_470 : i32 to vector<16xi32>
      %add3A_472 = arith.addi %add3A_461, %add3A_471 : vector<16xi32>
      %add3A_473 = arith.constant 97 : i32
      %add3A_474 = vector.broadcast %add3A_473 : i32 to vector<16xi32>
      %add3A_475 = arith.addi %broadcast_in_dim3A_207, %add3A_474 : vector<16xi32>
      %gather3A_476 = tpu.vector_load_idx %arg4[%add3A_461, %broadcast_in_dim3A_197] : memref<96x96xf32, #tpu.memory_space<vmem>>[vector<16xi32>, vector<16xi32>], vector<16xf32>,
      %gather3A_477 = tpu.vector_load_idx %arg4[%add3A_461, %broadcast_in_dim3A_199] : memref<96x96xf32, #tpu.memory_space<vmem>>[vector<16xi32>, vector<16xi32>], vector<16xf32>,
      %add3A_478 = arith.addf %gather3A_476, %gather3A_477 : vector<16xf32>
      %mul3A_479 = vector.broadcast %select_n3A_192 : f32 to vector<16xf32>
      %mul3A_480 = arith.mulf %add3A_478, %mul3A_479 : vector<16xf32>
      tpu.vector_store_idx %arg6[%add3A_472, %add3A_475], %mul3A_480 : memref<98x98xf32, #tpu.memory_space<vmem>>[vector<16xi32>, vector<16xi32>], vector<16xf32>,
      %add3A_481 = arith.constant 64 : i32
      %add3A_482 = vector.broadcast %add3A_481 : i32 to vector<16xi32>
      %add3A_483 = arith.addi %iota3A, %add3A_482 : vector<16xi32>
      %add3A_484 = arith.constant 1 : i32
      %add3A_485 = vector.broadcast %add3A_484 : i32 to vector<16xi32>
      %add3A_486 = arith.addi %add3A_483, %add3A_485 : vector<16xi32>
      %gather3A_487 = tpu.vector_load_idx %arg4[%add3A_483, %broadcast_in_dim3A_193] : memref<96x96xf32, #tpu.memory_space<vmem>>[vector<16xi32>, vector<16xi32>], vector<16xf32>,
      %gather3A_488 = tpu.vector_load_idx %arg4[%add3A_483, %broadcast_in_dim3A_195] : memref<96x96xf32, #tpu.memory_space<vmem>>[vector<16xi32>, vector<16xi32>], vector<16xf32>,
      %add3A_489 = arith.addf %gather3A_487, %gather3A_488 : vector<16xf32>
      %mul3A_490 = vector.broadcast %select_n3A_187 : f32 to vector<16xf32>
      %mul3A_491 = arith.mulf %add3A_489, %mul3A_490 : vector<16xf32>
      tpu.vector_store_idx %arg6[%add3A_486, %broadcast_in_dim3A_207], %mul3A_491 : memref<98x98xf32, #tpu.memory_space<vmem>>[vector<16xi32>, vector<16xi32>], vector<16xf32>,
      %add3A_492 = arith.constant 1 : i32
      %add3A_493 = vector.broadcast %add3A_492 : i32 to vector<16xi32>
      %add3A_494 = arith.addi %add3A_483, %add3A_493 : vector<16xi32>
      %add3A_495 = arith.constant 97 : i32
      %add3A_496 = vector.broadcast %add3A_495 : i32 to vector<16xi32>
      %add3A_497 = arith.addi %broadcast_in_dim3A_207, %add3A_496 : vector<16xi32>
      %gather3A_498 = tpu.vector_load_idx %arg4[%add3A_483, %broadcast_in_dim3A_197] : memref<96x96xf32, #tpu.memory_space<vmem>>[vector<16xi32>, vector<16xi32>], vector<16xf32>,
      %gather3A_499 = tpu.vector_load_idx %arg4[%add3A_483, %broadcast_in_dim3A_199] : memref<96x96xf32, #tpu.memory_space<vmem>>[vector<16xi32>, vector<16xi32>], vector<16xf32>,
      %add3A_500 = arith.addf %gather3A_498, %gather3A_499 : vector<16xf32>
      %mul3A_501 = vector.broadcast %select_n3A_192 : f32 to vector<16xf32>
      %mul3A_502 = arith.mulf %add3A_500, %mul3A_501 : vector<16xf32>
      tpu.vector_store_idx %arg6[%add3A_494, %add3A_497], %mul3A_502 : memref<98x98xf32, #tpu.memory_space<vmem>>[vector<16xi32>, vector<16xi32>], vector<16xf32>,
      %add3A_503 = arith.constant 80 : i32
      %add3A_504 = vector.broadcast %add3A_503 : i32 to vector<16xi32>
      %add3A_505 = arith.addi %iota3A, %add3A_504 : vector<16xi32>
      %add3A_506 = arith.constant 1 : i32
      %add3A_507 = vector.broadcast %add3A_506 : i32 to vector<16xi32>
      %add3A_508 = arith.addi %add3A_505, %add3A_507 : vector<16xi32>
      %gather3A_509 = tpu.vector_load_idx %arg4[%add3A_505, %broadcast_in_dim3A_193] : memref<96x96xf32, #tpu.memory_space<vmem>>[vector<16xi32>, vector<16xi32>], vector<16xf32>,
      %gather3A_510 = tpu.vector_load_idx %arg4[%add3A_505, %broadcast_in_dim3A_195] : memref<96x96xf32, #tpu.memory_space<vmem>>[vector<16xi32>, vector<16xi32>], vector<16xf32>,
      %add3A_511 = arith.addf %gather3A_509, %gather3A_510 : vector<16xf32>
      %mul3A_512 = vector.broadcast %select_n3A_187 : f32 to vector<16xf32>
      %mul3A_513 = arith.mulf %add3A_511, %mul3A_512 : vector<16xf32>
      tpu.vector_store_idx %arg6[%add3A_508, %broadcast_in_dim3A_207], %mul3A_513 : memref<98x98xf32, #tpu.memory_space<vmem>>[vector<16xi32>, vector<16xi32>], vector<16xf32>,
      %add3A_514 = arith.constant 1 : i32
      %add3A_515 = vector.broadcast %add3A_514 : i32 to vector<16xi32>
      %add3A_516 = arith.addi %add3A_505, %add3A_515 : vector<16xi32>
      %add3A_517 = arith.constant 97 : i32
      %add3A_518 = vector.broadcast %add3A_517 : i32 to vector<16xi32>
      %add3A_519 = arith.addi %broadcast_in_dim3A_207, %add3A_518 : vector<16xi32>
      %gather3A_520 = tpu.vector_load_idx %arg4[%add3A_505, %broadcast_in_dim3A_197] : memref<96x96xf32, #tpu.memory_space<vmem>>[vector<16xi32>, vector<16xi32>], vector<16xf32>,
      %gather3A_521 = tpu.vector_load_idx %arg4[%add3A_505, %broadcast_in_dim3A_199] : memref<96x96xf32, #tpu.memory_space<vmem>>[vector<16xi32>, vector<16xi32>], vector<16xf32>,
      %add3A_522 = arith.addf %gather3A_520, %gather3A_521 : vector<16xf32>
      %mul3A_523 = vector.broadcast %select_n3A_192 : f32 to vector<16xf32>
      %mul3A_524 = arith.mulf %add3A_522, %mul3A_523 : vector<16xf32>
      tpu.vector_store_idx %arg6[%add3A_516, %add3A_519], %mul3A_524 : memref<98x98xf32, #tpu.memory_space<vmem>>[vector<16xi32>, vector<16xi32>], vector<16xf32>,
      %mul3A_525 = arith.constant 2.000000e+00 : f32
      %mul3A_526 = arith.mulf %select_n3A_177, %mul3A_525 : f32
      %mul3A_527 = arith.constant 2.000000e+00 : f32
      %mul3A_528 = arith.mulf %select_n3A_187, %mul3A_527 : f32
      %mul3A_529 = arith.mulf %mul3A_526, %mul3A_528 : f32
      %mul3A_530 = arith.constant 2.000000e+00 : f32
      %mul3A_531 = arith.mulf %select_n3A_177, %mul3A_530 : f32
      %mul3A_532 = arith.constant 2.000000e+00 : f32
      %mul3A_533 = arith.mulf %select_n3A_192, %mul3A_532 : f32
      %mul3A_534 = arith.mulf %mul3A_531, %mul3A_533 : f32
      %mul3A_535 = arith.constant 2.000000e+00 : f32
      %mul3A_536 = arith.mulf %select_n3A_182, %mul3A_535 : f32
      %mul3A_537 = arith.constant 2.000000e+00 : f32
      %mul3A_538 = arith.mulf %select_n3A_187, %mul3A_537 : f32
      %mul3A_539 = arith.mulf %mul3A_536, %mul3A_538 : f32
      %mul3A_540 = arith.constant 2.000000e+00 : f32
      %mul3A_541 = arith.mulf %select_n3A_182, %mul3A_540 : f32
      %mul3A_542 = arith.constant 2.000000e+00 : f32
      %mul3A_543 = arith.mulf %select_n3A_192, %mul3A_542 : f32
      %mul3A_544 = arith.mulf %mul3A_541, %mul3A_543 : f32
      %lt3A_545 = arith.constant 2 : i32
      %lt3A_546 = vector.broadcast %lt3A_545 : i32 to vector<16xi32>
      %lt3A_547 = arith.cmpi slt, %iota3A, %lt3A_546 : vector<16xi32>
      %jit3A_548 = arith.constant 0 : i32
      %jit3A_549 = arith.constant 95 : i32
      %broadcast_in_dim3A_550 = vector.broadcast %jit3A_548 : i32 to vector<16xi32>
      %broadcast_in_dim3A_551 = vector.broadcast %jit3A_549 : i32 to vector<16xi32>
      %select_n3A_552 = arith.select %lt3A_547, %broadcast_in_dim3A_550, %broadcast_in_dim3A_551 : vector<16xi1>, vector<16xi32>
      %jit3A_553 = arith.constant 2 : i32
      %eq3A_554 = arith.constant 0 : i32
      %eq3A_555 = arith.cmpi eq, %jit3A_553, %eq3A_554 : i32
      %jit3A_556 = arith.constant 1 : i32
      %select_n3A_557 = arith.select %eq3A_555, %jit3A_556, %jit3A_553 : i32
      %rem3A_558 = vector.broadcast %select_n3A_557 : i32 to vector<16xi32>
      %rem3A_559 = arith.remsi %iota3A, %rem3A_558 : vector<16xi32>
      %ne3A_560 = arith.constant 0 : i32
      %ne3A_561 = vector.broadcast %ne3A_560 : i32 to vector<16xi32>
      %ne3A_562 = arith.cmpi ne, %rem3A_559, %ne3A_561 : vector<16xi32>
      %lt3A_563 = arith.constant 0 : i32
      %lt3A_564 = vector.broadcast %lt3A_563 : i32 to vector<16xi32>
      %lt3A_565 = arith.cmpi slt, %rem3A_559, %lt3A_564 : vector<16xi32>
      %lt3A_566 = arith.constant 0 : i32
      %lt3A_567 = arith.cmpi slt, %select_n3A_557, %lt3A_566 : i32
      %ne3A_568 = vector.broadcast %lt3A_567 : i1 to vector<16xi1>
      %ne3A_569 = vector.broadcast %ne3A_568 : vector<16xi1> to vector<16xi1>
      %ne3A_570 = arith.xori %lt3A_565, %ne3A_569 : vector<16xi1>
      %and3A_571 = arith.andi %ne3A_570, %ne3A_562 : vector<16xi1>
      %add3A_572 = vector.broadcast %select_n3A_557 : i32 to vector<16xi32>
      %add3A_573 = arith.addi %rem3A_559, %add3A_572 : vector<16xi32>
      %select_n3A_574 = arith.select %and3A_571, %add3A_573, %rem3A_559 : vector<16xi1>, vector<16xi32>
      %eq3A_575 = arith.constant 0 : i32
      %eq3A_576 = vector.broadcast %eq3A_575 : i32 to vector<16xi32>
      %eq3A_577 = arith.cmpi eq, %select_n3A_574, %eq3A_576 : vector<16xi32>
      %jit3A_578 = arith.constant 0 : i32
      %jit3A_579 = arith.constant 95 : i32
      %broadcast_in_dim3A_580 = vector.broadcast %jit3A_578 : i32 to vector<16xi32>
      %broadcast_in_dim3A_581 = vector.broadcast %jit3A_579 : i32 to vector<16xi32>
      %select_n3A_582 = arith.select %eq3A_577, %broadcast_in_dim3A_580, %broadcast_in_dim3A_581 : vector<16xi1>, vector<16xi32>
      %lt3A_583 = arith.constant 2 : i32
      %lt3A_584 = vector.broadcast %lt3A_583 : i32 to vector<16xi32>
      %lt3A_585 = arith.cmpi slt, %iota3A, %lt3A_584 : vector<16xi32>
      %jit3A_586 = arith.constant 0 : i32
      %jit3A_587 = arith.constant 97 : i32
      %broadcast_in_dim3A_588 = vector.broadcast %jit3A_586 : i32 to vector<16xi32>
      %broadcast_in_dim3A_589 = vector.broadcast %jit3A_587 : i32 to vector<16xi32>
      %select_n3A_590 = arith.select %lt3A_585, %broadcast_in_dim3A_588, %broadcast_in_dim3A_589 : vector<16xi1>, vector<16xi32>
      %jit3A_591 = arith.constant 2 : i32
      %eq3A_592 = arith.constant 0 : i32
      %eq3A_593 = arith.cmpi eq, %jit3A_591, %eq3A_592 : i32
      %jit3A_594 = arith.constant 1 : i32
      %select_n3A_595 = arith.select %eq3A_593, %jit3A_594, %jit3A_591 : i32
      %rem3A_596 = vector.broadcast %select_n3A_595 : i32 to vector<16xi32>
      %rem3A_597 = arith.remsi %iota3A, %rem3A_596 : vector<16xi32>
      %ne3A_598 = arith.constant 0 : i32
      %ne3A_599 = vector.broadcast %ne3A_598 : i32 to vector<16xi32>
      %ne3A_600 = arith.cmpi ne, %rem3A_597, %ne3A_599 : vector<16xi32>
      %lt3A_601 = arith.constant 0 : i32
      %lt3A_602 = vector.broadcast %lt3A_601 : i32 to vector<16xi32>
      %lt3A_603 = arith.cmpi slt, %rem3A_597, %lt3A_602 : vector<16xi32>
      %lt3A_604 = arith.constant 0 : i32
      %lt3A_605 = arith.cmpi slt, %select_n3A_595, %lt3A_604 : i32
      %ne3A_606 = vector.broadcast %lt3A_605 : i1 to vector<16xi1>
      %ne3A_607 = vector.broadcast %ne3A_606 : vector<16xi1> to vector<16xi1>
      %ne3A_608 = arith.xori %lt3A_603, %ne3A_607 : vector<16xi1>
      %and3A_609 = arith.andi %ne3A_608, %ne3A_600 : vector<16xi1>
      %add3A_610 = vector.broadcast %select_n3A_595 : i32 to vector<16xi32>
      %add3A_611 = arith.addi %rem3A_597, %add3A_610 : vector<16xi32>
      %select_n3A_612 = arith.select %and3A_609, %add3A_611, %rem3A_597 : vector<16xi1>, vector<16xi32>
      %eq3A_613 = arith.constant 0 : i32
      %eq3A_614 = vector.broadcast %eq3A_613 : i32 to vector<16xi32>
      %eq3A_615 = arith.cmpi eq, %select_n3A_612, %eq3A_614 : vector<16xi32>
      %jit3A_616 = arith.constant 0 : i32
      %jit3A_617 = arith.constant 97 : i32
      %broadcast_in_dim3A_618 = vector.broadcast %jit3A_616 : i32 to vector<16xi32>
      %broadcast_in_dim3A_619 = vector.broadcast %jit3A_617 : i32 to vector<16xi32>
      %select_n3A_620 = arith.select %eq3A_615, %broadcast_in_dim3A_618, %broadcast_in_dim3A_619 : vector<16xi1>, vector<16xi32>
      %eq3A_621 = arith.constant 0 : i32
      %eq3A_622 = vector.broadcast %eq3A_621 : i32 to vector<16xi32>
      %eq3A_623 = arith.cmpi eq, %iota3A, %eq3A_622 : vector<16xi32>
      %eq3A_624 = arith.constant 1 : i32
      %eq3A_625 = vector.broadcast %eq3A_624 : i32 to vector<16xi32>
      %eq3A_626 = arith.cmpi eq, %iota3A, %eq3A_625 : vector<16xi32>
      %eq3A_627 = arith.constant 2 : i32
      %eq3A_628 = vector.broadcast %eq3A_627 : i32 to vector<16xi32>
      %eq3A_629 = arith.cmpi eq, %iota3A, %eq3A_628 : vector<16xi32>
      %broadcast_in_dim3A_630 = vector.broadcast %mul3A_539 : f32 to vector<16xf32>
      %broadcast_in_dim3A_631 = vector.broadcast %mul3A_544 : f32 to vector<16xf32>
      %select_n3A_632 = arith.select %eq3A_629, %broadcast_in_dim3A_630, %broadcast_in_dim3A_631 : vector<16xi1>, vector<16xf32>
      %broadcast_in_dim3A_633 = vector.broadcast %mul3A_534 : f32 to vector<16xf32>
      %select_n3A_634 = arith.select %eq3A_626, %broadcast_in_dim3A_633, %select_n3A_632 : vector<16xi1>, vector<16xf32>
      %broadcast_in_dim3A_635 = vector.broadcast %mul3A_529 : f32 to vector<16xf32>
      %select_n3A_636 = arith.select %eq3A_623, %broadcast_in_dim3A_635, %select_n3A_634 : vector<16xi1>, vector<16xf32>
      %gather3A_637 = tpu.vector_load_idx %arg4[%select_n3A_552, %select_n3A_582] : memref<96x96xf32, #tpu.memory_space<vmem>>[vector<16xi32>, vector<16xi32>], vector<16xf32>,
      %mul3A_638 = arith.mulf %gather3A_637, %select_n3A_636 : vector<16xf32>
      %lt3A_639 = arith.constant 4 : i32
      %lt3A_640 = vector.broadcast %lt3A_639 : i32 to vector<16xi32>
      %lt3A_641 = arith.cmpi slt, %iota3A, %lt3A_640 : vector<16xi32>
      tpu.vector_store_idx %arg6[%select_n3A_590, %select_n3A_620], %mul3A_638 masked %lt3A_641 : memref<98x98xf32, #tpu.memory_space<vmem>>[vector<16xi32>, vector<16xi32>], vector<16xf32>, vector<16xi1>
      %add3A_642 = arith.addi %add3A_4, %add3A_72 : i32
      %jit3A_643 = arith.constant 96 : i32
      %div3A_644 = arith.divsi %add3A_642, %jit3A_643 : i32
      %sign3A_645 = arith.constant 0 : i32
      %sign3A_646 = arith.cmpi sgt, %add3A_642, %sign3A_645 : i32
      %sign3A_647 = arith.extui %sign3A_646 : i1 to i32
      %sign3A_648 = arith.constant 0 : i32
      %sign3A_649 = arith.cmpi slt, %add3A_642, %sign3A_648 : i32
      %sign3A_650 = arith.extui %sign3A_649 : i1 to i32
      %sign3A_651 = arith.subi %sign3A_647, %sign3A_650 : i32
      %sign3A_652 = arith.constant 0 : i32
      %sign3A_653 = arith.cmpi sgt, %jit3A_643, %sign3A_652 : i32
      %sign3A_654 = arith.extui %sign3A_653 : i1 to i32
      %sign3A_655 = arith.constant 0 : i32
      %sign3A_656 = arith.cmpi slt, %jit3A_643, %sign3A_655 : i32
      %sign3A_657 = arith.extui %sign3A_656 : i1 to i32
      %sign3A_658 = arith.subi %sign3A_654, %sign3A_657 : i32
      %ne3A_659 = arith.cmpi ne, %sign3A_651, %sign3A_658 : i32
      %rem3A_660 = arith.remsi %add3A_642, %jit3A_643 : i32
      %ne3A_661 = arith.constant 0 : i32
      %ne3A_662 = arith.cmpi ne, %rem3A_660, %ne3A_661 : i32
      %and3A_663 = arith.andi %ne3A_659, %ne3A_662 : i1
      %sub3A_664 = arith.constant 1 : i32
      %sub3A_665 = arith.subi %div3A_644, %sub3A_664 : i32
      %select_n3A_666 = arith.select %and3A_663, %sub3A_665, %div3A_644 : i32
      %sub3A_667 = arith.constant 40 : i32
      %sub3A_668 = arith.subi %select_n3A_666, %sub3A_667 : i32
      %jit3A_669 = arith.constant 96 : i32
      %eq3A_670 = arith.constant 0 : i32
      %eq3A_671 = arith.cmpi eq, %jit3A_669, %eq3A_670 : i32
      %jit3A_672 = arith.constant 1 : i32
      %select_n3A_673 = arith.select %eq3A_671, %jit3A_672, %jit3A_669 : i32
      %rem3A_674 = arith.remsi %add3A_642, %select_n3A_673 : i32
      %ne3A_675 = arith.constant 0 : i32
      %ne3A_676 = arith.cmpi ne, %rem3A_674, %ne3A_675 : i32
      %lt3A_677 = arith.constant 0 : i32
      %lt3A_678 = arith.cmpi slt, %rem3A_674, %lt3A_677 : i32
      %lt3A_679 = arith.constant 0 : i32
      %lt3A_680 = arith.cmpi slt, %select_n3A_673, %lt3A_679 : i32
      %ne3A_681 = arith.xori %lt3A_678, %lt3A_680 : i1
      %and3A_682 = arith.andi %ne3A_681, %ne3A_676 : i1
      %add3A_683 = arith.addi %rem3A_674, %select_n3A_673 : i32
      %select_n3A_684 = arith.select %and3A_682, %add3A_683, %rem3A_674 : i32
      %dma_start3A_685 = arith.constant 0 : i32
      %dma_start3A_686 = arith.constant 0 : i32
      %dma_start3A_687 = tpu.memref_slice %arg3[%sub3A_668, %select_n3A_684, %dma_start3A_685, %dma_start3A_686] : memref<24x96x98x98xf32, #tpu.memory_space<hbm>> -> memref<1x1x98x98xf32, #tpu.memory_space<hbm>>
      %dma_start3A_688 = tpu.memref_squeeze %dma_start3A_687 : memref<1x1x98x98xf32, #tpu.memory_space<hbm>> -> memref<98x98xf32, #tpu.memory_space<hbm>>
      %dma_start3A_689 = arith.constant 0 : i32
      %dma_start3A_690 = arith.constant 0 : i32
      %dma_start3A_691 = tpu.memref_slice %arg3[%sub3A_668, %select_n3A_684, %dma_start3A_689, %dma_start3A_690] : memref<24x96x98x98xf32, #tpu.memory_space<hbm>> -> memref<1x1x98x98xf32, #tpu.memory_space<hbm>>
      %dma_start3A_692 = tpu.memref_squeeze %dma_start3A_691 : memref<1x1x98x98xf32, #tpu.memory_space<hbm>> -> memref<98x98xf32, #tpu.memory_space<hbm>>
      tpu.enqueue_dma source(%arg6 : memref<98x98xf32, #tpu.memory_space<vmem>>) target(%dma_start3A_692 : memref<98x98xf32, #tpu.memory_space<hbm>>) target_semaphore(%arg10 : memref<!tpu.dma_semaphore, #tpu.memory_space<semaphore_mem>>)
      %mul3A_693 = arith.constant 2 : i32
      %mul3A_694 = arith.muli %mul3A_693, %scan3A_68 : i32
      %add3A_695 = arith.constant 1 : i32
      %add3A_696 = arith.addi %mul3A_694, %add3A_695 : i32
      %add3A_697 = arith.constant 1 : i32
      %add3A_698 = arith.addi %add3A_696, %add3A_697 : i32
      %lt3A_699 = arith.constant 72 : i32
      %lt3A_700 = arith.cmpi slt, %add3A_698, %lt3A_699 : i32
      %convert_element_type3A_701 = arith.extui %lt3A_700 : i1 to i32
      %cond3A_702 = arith.constant 0 : i32
      %cond3A_703 = arith.cmpi ne, %convert_element_type3A_701, %cond3A_702 : i32
      scf.if %cond3A_703 {
        %add3A_1323 = arith.constant 1 : i32
        %add3A_1324 = arith.addi %add3A_696, %add3A_1323 : i32
        %add3A_1325 = arith.addi %add3A_4, %add3A_1324 : i32
        %jit3A_1326 = arith.constant 96 : i32
        %div3A_1327 = arith.divsi %add3A_1325, %jit3A_1326 : i32
        %sign3A_1328 = arith.constant 0 : i32
        %sign3A_1329 = arith.cmpi sgt, %add3A_1325, %sign3A_1328 : i32
        %sign3A_1330 = arith.extui %sign3A_1329 : i1 to i32
        %sign3A_1331 = arith.constant 0 : i32
        %sign3A_1332 = arith.cmpi slt, %add3A_1325, %sign3A_1331 : i32
        %sign3A_1333 = arith.extui %sign3A_1332 : i1 to i32
        %sign3A_1334 = arith.subi %sign3A_1330, %sign3A_1333 : i32
        %sign3A_1335 = arith.constant 0 : i32
        %sign3A_1336 = arith.cmpi sgt, %jit3A_1326, %sign3A_1335 : i32
        %sign3A_1337 = arith.extui %sign3A_1336 : i1 to i32
        %sign3A_1338 = arith.constant 0 : i32
        %sign3A_1339 = arith.cmpi slt, %jit3A_1326, %sign3A_1338 : i32
        %sign3A_1340 = arith.extui %sign3A_1339 : i1 to i32
        %sign3A_1341 = arith.subi %sign3A_1337, %sign3A_1340 : i32
        %ne3A_1342 = arith.cmpi ne, %sign3A_1334, %sign3A_1341 : i32
        %rem3A_1343 = arith.remsi %add3A_1325, %jit3A_1326 : i32
        %ne3A_1344 = arith.constant 0 : i32
        %ne3A_1345 = arith.cmpi ne, %rem3A_1343, %ne3A_1344 : i32
        %and3A_1346 = arith.andi %ne3A_1342, %ne3A_1345 : i1
        %sub3A_1347 = arith.constant 1 : i32
        %sub3A_1348 = arith.subi %div3A_1327, %sub3A_1347 : i32
        %select_n3A_1349 = arith.select %and3A_1346, %sub3A_1348, %div3A_1327 : i32
        %jit3A_1350 = arith.constant 96 : i32
        %eq3A_1351 = arith.constant 0 : i32
        %eq3A_1352 = arith.cmpi eq, %jit3A_1350, %eq3A_1351 : i32
        %jit3A_1353 = arith.constant 1 : i32
        %select_n3A_1354 = arith.select %eq3A_1352, %jit3A_1353, %jit3A_1350 : i32
        %rem3A_1355 = arith.remsi %add3A_1325, %select_n3A_1354 : i32
        %ne3A_1356 = arith.constant 0 : i32
        %ne3A_1357 = arith.cmpi ne, %rem3A_1355, %ne3A_1356 : i32
        %lt3A_1358 = arith.constant 0 : i32
        %lt3A_1359 = arith.cmpi slt, %rem3A_1355, %lt3A_1358 : i32
        %lt3A_1360 = arith.constant 0 : i32
        %lt3A_1361 = arith.cmpi slt, %select_n3A_1354, %lt3A_1360 : i32
        %ne3A_1362 = arith.xori %lt3A_1359, %lt3A_1361 : i1
        %and3A_1363 = arith.andi %ne3A_1362, %ne3A_1357 : i1
        %add3A_1364 = arith.addi %rem3A_1355, %select_n3A_1354 : i32
        %select_n3A_1365 = arith.select %and3A_1363, %add3A_1364, %rem3A_1355 : i32
        %dma_start3A_1366 = arith.constant 0 : i32
        %dma_start3A_1367 = arith.constant 0 : i32
        %dma_start3A_1368 = tpu.memref_slice %arg2[%select_n3A_1349, %select_n3A_1365, %dma_start3A_1366, %dma_start3A_1367] : memref<64x96x96x96xf32, #tpu.memory_space<hbm>> -> memref<1x1x96x96xf32, #tpu.memory_space<hbm>>
        %dma_start3A_1369 = tpu.memref_squeeze %dma_start3A_1368 : memref<1x1x96x96xf32, #tpu.memory_space<hbm>> -> memref<96x96xf32, #tpu.memory_space<hbm>>
        %dma_start3A_1370 = arith.constant 0 : i32
        %dma_start3A_1371 = arith.constant 0 : i32
        %dma_start3A_1372 = tpu.memref_slice %arg2[%select_n3A_1349, %select_n3A_1365, %dma_start3A_1370, %dma_start3A_1371] : memref<64x96x96x96xf32, #tpu.memory_space<hbm>> -> memref<1x1x96x96xf32, #tpu.memory_space<hbm>>
        %dma_start3A_1373 = tpu.memref_squeeze %dma_start3A_1372 : memref<1x1x96x96xf32, #tpu.memory_space<hbm>> -> memref<96x96xf32, #tpu.memory_space<hbm>>
        tpu.enqueue_dma source(%dma_start3A_1373 : memref<96x96xf32, #tpu.memory_space<hbm>>) target(%arg4 : memref<96x96xf32, #tpu.memory_space<vmem>>) target_semaphore(%arg8 : memref<!tpu.dma_semaphore, #tpu.memory_space<semaphore_mem>>)
      } else {
      }
      %ge3A_704 = arith.constant 2 : i32
      %ge3A_705 = arith.cmpi sge, %add3A_696, %ge3A_704 : i32
      %convert_element_type3A_706 = arith.extui %ge3A_705 : i1 to i32
      %cond3A_707 = arith.constant 0 : i32
      %cond3A_708 = arith.cmpi ne, %convert_element_type3A_706, %cond3A_707 : i32
      scf.if %cond3A_708 {
        %dma_wait3A_1323 = arith.constant 0 : i32
        %dma_wait3A_1324 = arith.constant 0 : i32
        %dma_wait3A_1325 = arith.constant 0 : i32
        %dma_wait3A_1326 = arith.constant 0 : i32
        %dma_wait3A_1327 = tpu.memref_slice %arg3[%dma_wait3A_1323, %dma_wait3A_1324, %dma_wait3A_1325, %dma_wait3A_1326] : memref<24x96x98x98xf32, #tpu.memory_space<hbm>> -> memref<1x1x98x98xf32, #tpu.memory_space<hbm>>
        %dma_wait3A_1328 = tpu.memref_squeeze %dma_wait3A_1327 : memref<1x1x98x98xf32, #tpu.memory_space<hbm>> -> memref<98x98xf32, #tpu.memory_space<hbm>>
        %dma_wait3A_1329 = arith.constant 0 : i32
        %dma_wait3A_1330 = arith.constant 0 : i32
        %dma_wait3A_1331 = tpu.memref_slice %arg3[%dma_wait3A_1323, %dma_wait3A_1324, %dma_wait3A_1329, %dma_wait3A_1330] : memref<24x96x98x98xf32, #tpu.memory_space<hbm>> -> memref<1x1x98x98xf32, #tpu.memory_space<hbm>>
        %dma_wait3A_1332 = tpu.memref_squeeze %dma_wait3A_1331 : memref<1x1x98x98xf32, #tpu.memory_space<hbm>> -> memref<98x98xf32, #tpu.memory_space<hbm>>
        tpu.wait_dma2 semaphore(%arg11 : memref<!tpu.dma_semaphore, #tpu.memory_space<semaphore_mem>>) src(%arg7 : memref<98x98xf32, #tpu.memory_space<vmem>>) dst(%dma_wait3A_1332 : memref<98x98xf32, #tpu.memory_space<hbm>>)
      } else {
      }
      %dma_wait3A_709 = arith.constant 0 : i32
      %dma_wait3A_710 = arith.constant 0 : i32
      %dma_wait3A_711 = arith.constant 0 : i32
      %dma_wait3A_712 = arith.constant 0 : i32
      %dma_wait3A_713 = tpu.memref_slice %arg2[%dma_wait3A_709, %dma_wait3A_710, %dma_wait3A_711, %dma_wait3A_712] : memref<64x96x96x96xf32, #tpu.memory_space<hbm>> -> memref<1x1x96x96xf32, #tpu.memory_space<hbm>>
      %dma_wait3A_714 = tpu.memref_squeeze %dma_wait3A_713 : memref<1x1x96x96xf32, #tpu.memory_space<hbm>> -> memref<96x96xf32, #tpu.memory_space<hbm>>
      %dma_wait3A_715 = arith.constant 0 : i32
      %dma_wait3A_716 = arith.constant 0 : i32
      %dma_wait3A_717 = tpu.memref_slice %arg2[%dma_wait3A_709, %dma_wait3A_710, %dma_wait3A_715, %dma_wait3A_716] : memref<64x96x96x96xf32, #tpu.memory_space<hbm>> -> memref<1x1x96x96xf32, #tpu.memory_space<hbm>>
      %dma_wait3A_718 = tpu.memref_squeeze %dma_wait3A_717 : memref<1x1x96x96xf32, #tpu.memory_space<hbm>> -> memref<96x96xf32, #tpu.memory_space<hbm>>
      tpu.wait_dma2 semaphore(%arg9 : memref<!tpu.dma_semaphore, #tpu.memory_space<semaphore_mem>>) src(%dma_wait3A_718 : memref<96x96xf32, #tpu.memory_space<hbm>>) dst(%arg5 : memref<96x96xf32, #tpu.memory_space<vmem>>)
      %add3A_719 = arith.addi %add3A_4, %add3A_696 : i32
      %jit3A_720 = arith.constant 96 : i32
      %div3A_721 = arith.divsi %add3A_719, %jit3A_720 : i32
      %sign3A_722 = arith.constant 0 : i32
      %sign3A_723 = arith.cmpi sgt, %add3A_719, %sign3A_722 : i32
      %sign3A_724 = arith.extui %sign3A_723 : i1 to i32
      %sign3A_725 = arith.constant 0 : i32
      %sign3A_726 = arith.cmpi slt, %add3A_719, %sign3A_725 : i32
      %sign3A_727 = arith.extui %sign3A_726 : i1 to i32
      %sign3A_728 = arith.subi %sign3A_724, %sign3A_727 : i32
      %sign3A_729 = arith.constant 0 : i32
      %sign3A_730 = arith.cmpi sgt, %jit3A_720, %sign3A_729 : i32
      %sign3A_731 = arith.extui %sign3A_730 : i1 to i32
      %sign3A_732 = arith.constant 0 : i32
      %sign3A_733 = arith.cmpi slt, %jit3A_720, %sign3A_732 : i32
      %sign3A_734 = arith.extui %sign3A_733 : i1 to i32
      %sign3A_735 = arith.subi %sign3A_731, %sign3A_734 : i32
      %ne3A_736 = arith.cmpi ne, %sign3A_728, %sign3A_735 : i32
      %rem3A_737 = arith.remsi %add3A_719, %jit3A_720 : i32
      %ne3A_738 = arith.constant 0 : i32
      %ne3A_739 = arith.cmpi ne, %rem3A_737, %ne3A_738 : i32
      %and3A_740 = arith.andi %ne3A_736, %ne3A_739 : i1
      %sub3A_741 = arith.constant 1 : i32
      %sub3A_742 = arith.subi %div3A_721, %sub3A_741 : i32
      %select_n3A_743 = arith.select %and3A_740, %sub3A_742, %div3A_721 : i32
      %jit3A_744 = arith.constant 16 : i32
      %eq3A_745 = arith.constant 0 : i32
      %eq3A_746 = arith.cmpi eq, %jit3A_744, %eq3A_745 : i32
      %jit3A_747 = arith.constant 1 : i32
      %select_n3A_748 = arith.select %eq3A_746, %jit3A_747, %jit3A_744 : i32
      %rem3A_749 = arith.remsi %select_n3A_743, %select_n3A_748 : i32
      %ne3A_750 = arith.constant 0 : i32
      %ne3A_751 = arith.cmpi ne, %rem3A_749, %ne3A_750 : i32
      %lt3A_752 = arith.constant 0 : i32
      %lt3A_753 = arith.cmpi slt, %rem3A_749, %lt3A_752 : i32
      %lt3A_754 = arith.constant 0 : i32
      %lt3A_755 = arith.cmpi slt, %select_n3A_748, %lt3A_754 : i32
      %ne3A_756 = arith.xori %lt3A_753, %lt3A_755 : i1
      %and3A_757 = arith.andi %ne3A_756, %ne3A_751 : i1
      %add3A_758 = arith.addi %rem3A_749, %select_n3A_748 : i32
      %select_n3A_759 = arith.select %and3A_757, %add3A_758, %rem3A_749 : i32
      %jit3A_760 = arith.constant 4 : i32
      %div3A_761 = arith.divsi %select_n3A_759, %jit3A_760 : i32
      %sign3A_762 = arith.constant 0 : i32
      %sign3A_763 = arith.cmpi sgt, %select_n3A_759, %sign3A_762 : i32
      %sign3A_764 = arith.extui %sign3A_763 : i1 to i32
      %sign3A_765 = arith.constant 0 : i32
      %sign3A_766 = arith.cmpi slt, %select_n3A_759, %sign3A_765 : i32
      %sign3A_767 = arith.extui %sign3A_766 : i1 to i32
      %sign3A_768 = arith.subi %sign3A_764, %sign3A_767 : i32
      %sign3A_769 = arith.constant 0 : i32
      %sign3A_770 = arith.cmpi sgt, %jit3A_760, %sign3A_769 : i32
      %sign3A_771 = arith.extui %sign3A_770 : i1 to i32
      %sign3A_772 = arith.constant 0 : i32
      %sign3A_773 = arith.cmpi slt, %jit3A_760, %sign3A_772 : i32
      %sign3A_774 = arith.extui %sign3A_773 : i1 to i32
      %sign3A_775 = arith.subi %sign3A_771, %sign3A_774 : i32
      %ne3A_776 = arith.cmpi ne, %sign3A_768, %sign3A_775 : i32
      %rem3A_777 = arith.remsi %select_n3A_759, %jit3A_760 : i32
      %ne3A_778 = arith.constant 0 : i32
      %ne3A_779 = arith.cmpi ne, %rem3A_777, %ne3A_778 : i32
      %and3A_780 = arith.andi %ne3A_776, %ne3A_779 : i1
      %sub3A_781 = arith.constant 1 : i32
      %sub3A_782 = arith.subi %div3A_761, %sub3A_781 : i32
      %select_n3A_783 = arith.select %and3A_780, %sub3A_782, %div3A_761 : i32
      %jit3A_784 = arith.constant 4 : i32
      %eq3A_785 = arith.constant 0 : i32
      %eq3A_786 = arith.cmpi eq, %jit3A_784, %eq3A_785 : i32
      %jit3A_787 = arith.constant 1 : i32
      %select_n3A_788 = arith.select %eq3A_786, %jit3A_787, %jit3A_784 : i32
      %rem3A_789 = arith.remsi %select_n3A_743, %select_n3A_788 : i32
      %ne3A_790 = arith.constant 0 : i32
      %ne3A_791 = arith.cmpi ne, %rem3A_789, %ne3A_790 : i32
      %lt3A_792 = arith.constant 0 : i32
      %lt3A_793 = arith.cmpi slt, %rem3A_789, %lt3A_792 : i32
      %lt3A_794 = arith.constant 0 : i32
      %lt3A_795 = arith.cmpi slt, %select_n3A_788, %lt3A_794 : i32
      %ne3A_796 = arith.xori %lt3A_793, %lt3A_795 : i1
      %and3A_797 = arith.andi %ne3A_796, %ne3A_791 : i1
      %add3A_798 = arith.addi %rem3A_789, %select_n3A_788 : i32
      %select_n3A_799 = arith.select %and3A_797, %add3A_798, %rem3A_789 : i32
      %eq3A_800 = arith.constant 0 : i32
      %eq3A_801 = arith.cmpi eq, %select_n3A_783, %eq3A_800 : i32
      %jit3A_802 = arith.constant 0.000000e+00 : f32
      %jit3A_803 = arith.constant 5.000000e-01 : f32
      %select_n3A_804 = arith.select %eq3A_801, %jit3A_802, %jit3A_803 : f32
      %eq3A_805 = arith.constant 3 : i32
      %eq3A_806 = arith.cmpi eq, %select_n3A_783, %eq3A_805 : i32
      %jit3A_807 = arith.constant 0.000000e+00 : f32
      %jit3A_808 = arith.constant 5.000000e-01 : f32
      %select_n3A_809 = arith.select %eq3A_806, %jit3A_807, %jit3A_808 : f32
      %eq3A_810 = arith.constant 0 : i32
      %eq3A_811 = arith.cmpi eq, %select_n3A_799, %eq3A_810 : i32
      %jit3A_812 = arith.constant 0.000000e+00 : f32
      %jit3A_813 = arith.constant 5.000000e-01 : f32
      %select_n3A_814 = arith.select %eq3A_811, %jit3A_812, %jit3A_813 : f32
      %eq3A_815 = arith.constant 3 : i32
      %eq3A_816 = arith.cmpi eq, %select_n3A_799, %eq3A_815 : i32
      %jit3A_817 = arith.constant 0.000000e+00 : f32
      %jit3A_818 = arith.constant 5.000000e-01 : f32
      %select_n3A_819 = arith.select %eq3A_816, %jit3A_817, %jit3A_818 : f32
      %iota3A_820 = tpu.iota {dimensions = array<i32: 0>} : vector<16xi32>
      %broadcast_in_dim3A_821 = arith.constant 0 : i32
      %broadcast_in_dim3A_822 = vector.broadcast %broadcast_in_dim3A_821 : i32 to vector<16xi32>
      %broadcast_in_dim3A_823 = arith.constant 1 : i32
      %broadcast_in_dim3A_824 = vector.broadcast %broadcast_in_dim3A_823 : i32 to vector<16xi32>
      %broadcast_in_dim3A_825 = arith.constant 94 : i32
      %broadcast_in_dim3A_826 = vector.broadcast %broadcast_in_dim3A_825 : i32 to vector<16xi32>
      %broadcast_in_dim3A_827 = arith.constant 95 : i32
      %broadcast_in_dim3A_828 = vector.broadcast %broadcast_in_dim3A_827 : i32 to vector<16xi32>
      %scan3A_829 = arith.constant 0 : i32
      %scan3A_830 = arith.constant 0 : i32
      %scan3A_831 = arith.constant 96 : i32
      %scan3A_832 = arith.addi %scan3A_830, %scan3A_831 : i32
      %scan3A_833 = arith.constant 2 : i32
      scf.for %scan3A_1323 = %scan3A_830 to %scan3A_832 step %scan3A_833  : i32 {
        %broadcast_in_dim3A_1324 = vector.broadcast %scan3A_1323 : i32 to vector<16xi32>
        %add3A_1325 = arith.constant 0 : i32
        %add3A_1326 = vector.broadcast %add3A_1325 : i32 to vector<16xi32>
        %add3A_1327 = arith.addi %iota3A_820, %add3A_1326 : vector<16xi32>
        %add3A_1328 = arith.constant 1 : i32
        %add3A_1329 = vector.broadcast %add3A_1328 : i32 to vector<16xi32>
        %add3A_1330 = arith.addi %broadcast_in_dim3A_1324, %add3A_1329 : vector<16xi32>
        %add3A_1331 = arith.constant 1 : i32
        %add3A_1332 = vector.broadcast %add3A_1331 : i32 to vector<16xi32>
        %add3A_1333 = arith.addi %add3A_1327, %add3A_1332 : vector<16xi32>
        %gather3A_1334 = tpu.vector_load_idx %arg5[%broadcast_in_dim3A_1324, %add3A_1327] : memref<96x96xf32, #tpu.memory_space<vmem>>[vector<16xi32>, vector<16xi32>], vector<16xf32>,
        tpu.vector_store_idx %arg7[%add3A_1330, %add3A_1333], %gather3A_1334 : memref<98x98xf32, #tpu.memory_space<vmem>>[vector<16xi32>, vector<16xi32>], vector<16xf32>,
        %add3A_1335 = arith.constant 16 : i32
        %add3A_1336 = vector.broadcast %add3A_1335 : i32 to vector<16xi32>
        %add3A_1337 = arith.addi %iota3A_820, %add3A_1336 : vector<16xi32>
        %add3A_1338 = arith.constant 1 : i32
        %add3A_1339 = vector.broadcast %add3A_1338 : i32 to vector<16xi32>
        %add3A_1340 = arith.addi %broadcast_in_dim3A_1324, %add3A_1339 : vector<16xi32>
        %add3A_1341 = arith.constant 1 : i32
        %add3A_1342 = vector.broadcast %add3A_1341 : i32 to vector<16xi32>
        %add3A_1343 = arith.addi %add3A_1337, %add3A_1342 : vector<16xi32>
        %gather3A_1344 = tpu.vector_load_idx %arg5[%broadcast_in_dim3A_1324, %add3A_1337] : memref<96x96xf32, #tpu.memory_space<vmem>>[vector<16xi32>, vector<16xi32>], vector<16xf32>,
        tpu.vector_store_idx %arg7[%add3A_1340, %add3A_1343], %gather3A_1344 : memref<98x98xf32, #tpu.memory_space<vmem>>[vector<16xi32>, vector<16xi32>], vector<16xf32>,
        %add3A_1345 = arith.constant 32 : i32
        %add3A_1346 = vector.broadcast %add3A_1345 : i32 to vector<16xi32>
        %add3A_1347 = arith.addi %iota3A_820, %add3A_1346 : vector<16xi32>
        %add3A_1348 = arith.constant 1 : i32
        %add3A_1349 = vector.broadcast %add3A_1348 : i32 to vector<16xi32>
        %add3A_1350 = arith.addi %broadcast_in_dim3A_1324, %add3A_1349 : vector<16xi32>
        %add3A_1351 = arith.constant 1 : i32
        %add3A_1352 = vector.broadcast %add3A_1351 : i32 to vector<16xi32>
        %add3A_1353 = arith.addi %add3A_1347, %add3A_1352 : vector<16xi32>
        %gather3A_1354 = tpu.vector_load_idx %arg5[%broadcast_in_dim3A_1324, %add3A_1347] : memref<96x96xf32, #tpu.memory_space<vmem>>[vector<16xi32>, vector<16xi32>], vector<16xf32>,
        tpu.vector_store_idx %arg7[%add3A_1350, %add3A_1353], %gather3A_1354 : memref<98x98xf32, #tpu.memory_space<vmem>>[vector<16xi32>, vector<16xi32>], vector<16xf32>,
        %add3A_1355 = arith.constant 48 : i32
        %add3A_1356 = vector.broadcast %add3A_1355 : i32 to vector<16xi32>
        %add3A_1357 = arith.addi %iota3A_820, %add3A_1356 : vector<16xi32>
        %add3A_1358 = arith.constant 1 : i32
        %add3A_1359 = vector.broadcast %add3A_1358 : i32 to vector<16xi32>
        %add3A_1360 = arith.addi %broadcast_in_dim3A_1324, %add3A_1359 : vector<16xi32>
        %add3A_1361 = arith.constant 1 : i32
        %add3A_1362 = vector.broadcast %add3A_1361 : i32 to vector<16xi32>
        %add3A_1363 = arith.addi %add3A_1357, %add3A_1362 : vector<16xi32>
        %gather3A_1364 = tpu.vector_load_idx %arg5[%broadcast_in_dim3A_1324, %add3A_1357] : memref<96x96xf32, #tpu.memory_space<vmem>>[vector<16xi32>, vector<16xi32>], vector<16xf32>,
        tpu.vector_store_idx %arg7[%add3A_1360, %add3A_1363], %gather3A_1364 : memref<98x98xf32, #tpu.memory_space<vmem>>[vector<16xi32>, vector<16xi32>], vector<16xf32>,
        %add3A_1365 = arith.constant 64 : i32
        %add3A_1366 = vector.broadcast %add3A_1365 : i32 to vector<16xi32>
        %add3A_1367 = arith.addi %iota3A_820, %add3A_1366 : vector<16xi32>
        %add3A_1368 = arith.constant 1 : i32
        %add3A_1369 = vector.broadcast %add3A_1368 : i32 to vector<16xi32>
        %add3A_1370 = arith.addi %broadcast_in_dim3A_1324, %add3A_1369 : vector<16xi32>
        %add3A_1371 = arith.constant 1 : i32
        %add3A_1372 = vector.broadcast %add3A_1371 : i32 to vector<16xi32>
        %add3A_1373 = arith.addi %add3A_1367, %add3A_1372 : vector<16xi32>
        %gather3A_1374 = tpu.vector_load_idx %arg5[%broadcast_in_dim3A_1324, %add3A_1367] : memref<96x96xf32, #tpu.memory_space<vmem>>[vector<16xi32>, vector<16xi32>], vector<16xf32>,
        tpu.vector_store_idx %arg7[%add3A_1370, %add3A_1373], %gather3A_1374 : memref<98x98xf32, #tpu.memory_space<vmem>>[vector<16xi32>, vector<16xi32>], vector<16xf32>,
        %add3A_1375 = arith.constant 80 : i32
        %add3A_1376 = vector.broadcast %add3A_1375 : i32 to vector<16xi32>
        %add3A_1377 = arith.addi %iota3A_820, %add3A_1376 : vector<16xi32>
        %add3A_1378 = arith.constant 1 : i32
        %add3A_1379 = vector.broadcast %add3A_1378 : i32 to vector<16xi32>
        %add3A_1380 = arith.addi %broadcast_in_dim3A_1324, %add3A_1379 : vector<16xi32>
        %add3A_1381 = arith.constant 1 : i32
        %add3A_1382 = vector.broadcast %add3A_1381 : i32 to vector<16xi32>
        %add3A_1383 = arith.addi %add3A_1377, %add3A_1382 : vector<16xi32>
        %gather3A_1384 = tpu.vector_load_idx %arg5[%broadcast_in_dim3A_1324, %add3A_1377] : memref<96x96xf32, #tpu.memory_space<vmem>>[vector<16xi32>, vector<16xi32>], vector<16xf32>,
        tpu.vector_store_idx %arg7[%add3A_1380, %add3A_1383], %gather3A_1384 : memref<98x98xf32, #tpu.memory_space<vmem>>[vector<16xi32>, vector<16xi32>], vector<16xf32>,
        %scan3A_1385 = arith.constant 1 : i32
        %scan3A_1386 = arith.addi %scan3A_1323, %scan3A_1385 : i32
        %broadcast_in_dim3A_1387 = vector.broadcast %scan3A_1386 : i32 to vector<16xi32>
        %add3A_1388 = arith.constant 0 : i32
        %add3A_1389 = vector.broadcast %add3A_1388 : i32 to vector<16xi32>
        %add3A_1390 = arith.addi %iota3A_820, %add3A_1389 : vector<16xi32>
        %add3A_1391 = arith.constant 1 : i32
        %add3A_1392 = vector.broadcast %add3A_1391 : i32 to vector<16xi32>
        %add3A_1393 = arith.addi %broadcast_in_dim3A_1387, %add3A_1392 : vector<16xi32>
        %add3A_1394 = arith.constant 1 : i32
        %add3A_1395 = vector.broadcast %add3A_1394 : i32 to vector<16xi32>
        %add3A_1396 = arith.addi %add3A_1390, %add3A_1395 : vector<16xi32>
        %gather3A_1397 = tpu.vector_load_idx %arg5[%broadcast_in_dim3A_1387, %add3A_1390] : memref<96x96xf32, #tpu.memory_space<vmem>>[vector<16xi32>, vector<16xi32>], vector<16xf32>,
        tpu.vector_store_idx %arg7[%add3A_1393, %add3A_1396], %gather3A_1397 : memref<98x98xf32, #tpu.memory_space<vmem>>[vector<16xi32>, vector<16xi32>], vector<16xf32>,
        %add3A_1398 = arith.constant 16 : i32
        %add3A_1399 = vector.broadcast %add3A_1398 : i32 to vector<16xi32>
        %add3A_1400 = arith.addi %iota3A_820, %add3A_1399 : vector<16xi32>
        %add3A_1401 = arith.constant 1 : i32
        %add3A_1402 = vector.broadcast %add3A_1401 : i32 to vector<16xi32>
        %add3A_1403 = arith.addi %broadcast_in_dim3A_1387, %add3A_1402 : vector<16xi32>
        %add3A_1404 = arith.constant 1 : i32
        %add3A_1405 = vector.broadcast %add3A_1404 : i32 to vector<16xi32>
        %add3A_1406 = arith.addi %add3A_1400, %add3A_1405 : vector<16xi32>
        %gather3A_1407 = tpu.vector_load_idx %arg5[%broadcast_in_dim3A_1387, %add3A_1400] : memref<96x96xf32, #tpu.memory_space<vmem>>[vector<16xi32>, vector<16xi32>], vector<16xf32>,
        tpu.vector_store_idx %arg7[%add3A_1403, %add3A_1406], %gather3A_1407 : memref<98x98xf32, #tpu.memory_space<vmem>>[vector<16xi32>, vector<16xi32>], vector<16xf32>,
        %add3A_1408 = arith.constant 32 : i32
        %add3A_1409 = vector.broadcast %add3A_1408 : i32 to vector<16xi32>
        %add3A_1410 = arith.addi %iota3A_820, %add3A_1409 : vector<16xi32>
        %add3A_1411 = arith.constant 1 : i32
        %add3A_1412 = vector.broadcast %add3A_1411 : i32 to vector<16xi32>
        %add3A_1413 = arith.addi %broadcast_in_dim3A_1387, %add3A_1412 : vector<16xi32>
        %add3A_1414 = arith.constant 1 : i32
        %add3A_1415 = vector.broadcast %add3A_1414 : i32 to vector<16xi32>
        %add3A_1416 = arith.addi %add3A_1410, %add3A_1415 : vector<16xi32>
        %gather3A_1417 = tpu.vector_load_idx %arg5[%broadcast_in_dim3A_1387, %add3A_1410] : memref<96x96xf32, #tpu.memory_space<vmem>>[vector<16xi32>, vector<16xi32>], vector<16xf32>,
        tpu.vector_store_idx %arg7[%add3A_1413, %add3A_1416], %gather3A_1417 : memref<98x98xf32, #tpu.memory_space<vmem>>[vector<16xi32>, vector<16xi32>], vector<16xf32>,
        %add3A_1418 = arith.constant 48 : i32
        %add3A_1419 = vector.broadcast %add3A_1418 : i32 to vector<16xi32>
        %add3A_1420 = arith.addi %iota3A_820, %add3A_1419 : vector<16xi32>
        %add3A_1421 = arith.constant 1 : i32
        %add3A_1422 = vector.broadcast %add3A_1421 : i32 to vector<16xi32>
        %add3A_1423 = arith.addi %broadcast_in_dim3A_1387, %add3A_1422 : vector<16xi32>
        %add3A_1424 = arith.constant 1 : i32
        %add3A_1425 = vector.broadcast %add3A_1424 : i32 to vector<16xi32>
        %add3A_1426 = arith.addi %add3A_1420, %add3A_1425 : vector<16xi32>
        %gather3A_1427 = tpu.vector_load_idx %arg5[%broadcast_in_dim3A_1387, %add3A_1420] : memref<96x96xf32, #tpu.memory_space<vmem>>[vector<16xi32>, vector<16xi32>], vector<16xf32>,
        tpu.vector_store_idx %arg7[%add3A_1423, %add3A_1426], %gather3A_1427 : memref<98x98xf32, #tpu.memory_space<vmem>>[vector<16xi32>, vector<16xi32>], vector<16xf32>,
        %add3A_1428 = arith.constant 64 : i32
        %add3A_1429 = vector.broadcast %add3A_1428 : i32 to vector<16xi32>
        %add3A_1430 = arith.addi %iota3A_820, %add3A_1429 : vector<16xi32>
        %add3A_1431 = arith.constant 1 : i32
        %add3A_1432 = vector.broadcast %add3A_1431 : i32 to vector<16xi32>
        %add3A_1433 = arith.addi %broadcast_in_dim3A_1387, %add3A_1432 : vector<16xi32>
        %add3A_1434 = arith.constant 1 : i32
        %add3A_1435 = vector.broadcast %add3A_1434 : i32 to vector<16xi32>
        %add3A_1436 = arith.addi %add3A_1430, %add3A_1435 : vector<16xi32>
        %gather3A_1437 = tpu.vector_load_idx %arg5[%broadcast_in_dim3A_1387, %add3A_1430] : memref<96x96xf32, #tpu.memory_space<vmem>>[vector<16xi32>, vector<16xi32>], vector<16xf32>,
        tpu.vector_store_idx %arg7[%add3A_1433, %add3A_1436], %gather3A_1437 : memref<98x98xf32, #tpu.memory_space<vmem>>[vector<16xi32>, vector<16xi32>], vector<16xf32>,
        %add3A_1438 = arith.constant 80 : i32
        %add3A_1439 = vector.broadcast %add3A_1438 : i32 to vector<16xi32>
        %add3A_1440 = arith.addi %iota3A_820, %add3A_1439 : vector<16xi32>
        %add3A_1441 = arith.constant 1 : i32
        %add3A_1442 = vector.broadcast %add3A_1441 : i32 to vector<16xi32>
        %add3A_1443 = arith.addi %broadcast_in_dim3A_1387, %add3A_1442 : vector<16xi32>
        %add3A_1444 = arith.constant 1 : i32
        %add3A_1445 = vector.broadcast %add3A_1444 : i32 to vector<16xi32>
        %add3A_1446 = arith.addi %add3A_1440, %add3A_1445 : vector<16xi32>
        %gather3A_1447 = tpu.vector_load_idx %arg5[%broadcast_in_dim3A_1387, %add3A_1440] : memref<96x96xf32, #tpu.memory_space<vmem>>[vector<16xi32>, vector<16xi32>], vector<16xf32>,
        tpu.vector_store_idx %arg7[%add3A_1443, %add3A_1446], %gather3A_1447 : memref<98x98xf32, #tpu.memory_space<vmem>>[vector<16xi32>, vector<16xi32>], vector<16xf32>,
      }
      %scan3A_834 = arith.constant 96 : i32
      %broadcast_in_dim3A_835 = arith.constant 0 : i32
      %broadcast_in_dim3A_836 = vector.broadcast %broadcast_in_dim3A_835 : i32 to vector<16xi32>
      %add3A_837 = arith.constant 0 : i32
      %add3A_838 = vector.broadcast %add3A_837 : i32 to vector<16xi32>
      %add3A_839 = arith.addi %iota3A_820, %add3A_838 : vector<16xi32>
      %add3A_840 = arith.constant 1 : i32
      %add3A_841 = vector.broadcast %add3A_840 : i32 to vector<16xi32>
      %add3A_842 = arith.addi %add3A_839, %add3A_841 : vector<16xi32>
      %gather3A_843 = tpu.vector_load_idx %arg5[%broadcast_in_dim3A_836, %add3A_839] : memref<96x96xf32, #tpu.memory_space<vmem>>[vector<16xi32>, vector<16xi32>], vector<16xf32>,
      %add3A_844 = arith.constant 1 : i32
      %add3A_845 = vector.broadcast %add3A_844 : i32 to vector<16xi32>
      %add3A_846 = arith.addi %broadcast_in_dim3A_836, %add3A_845 : vector<16xi32>
      %gather3A_847 = tpu.vector_load_idx %arg5[%add3A_846, %add3A_839] : memref<96x96xf32, #tpu.memory_space<vmem>>[vector<16xi32>, vector<16xi32>], vector<16xf32>,
      %add3A_848 = arith.addf %gather3A_843, %gather3A_847 : vector<16xf32>
      %mul3A_849 = vector.broadcast %select_n3A_804 : f32 to vector<16xf32>
      %mul3A_850 = arith.mulf %add3A_848, %mul3A_849 : vector<16xf32>
      tpu.vector_store_idx %arg7[%broadcast_in_dim3A_836, %add3A_842], %mul3A_850 : memref<98x98xf32, #tpu.memory_space<vmem>>[vector<16xi32>, vector<16xi32>], vector<16xf32>,
      %add3A_851 = arith.constant 97 : i32
      %add3A_852 = vector.broadcast %add3A_851 : i32 to vector<16xi32>
      %add3A_853 = arith.addi %broadcast_in_dim3A_836, %add3A_852 : vector<16xi32>
      %add3A_854 = arith.constant 1 : i32
      %add3A_855 = vector.broadcast %add3A_854 : i32 to vector<16xi32>
      %add3A_856 = arith.addi %add3A_839, %add3A_855 : vector<16xi32>
      %add3A_857 = arith.constant 94 : i32
      %add3A_858 = vector.broadcast %add3A_857 : i32 to vector<16xi32>
      %add3A_859 = arith.addi %broadcast_in_dim3A_836, %add3A_858 : vector<16xi32>
      %gather3A_860 = tpu.vector_load_idx %arg5[%add3A_859, %add3A_839] : memref<96x96xf32, #tpu.memory_space<vmem>>[vector<16xi32>, vector<16xi32>], vector<16xf32>,
      %add3A_861 = arith.constant 95 : i32
      %add3A_862 = vector.broadcast %add3A_861 : i32 to vector<16xi32>
      %add3A_863 = arith.addi %broadcast_in_dim3A_836, %add3A_862 : vector<16xi32>
      %gather3A_864 = tpu.vector_load_idx %arg5[%add3A_863, %add3A_839] : memref<96x96xf32, #tpu.memory_space<vmem>>[vector<16xi32>, vector<16xi32>], vector<16xf32>,
      %add3A_865 = arith.addf %gather3A_860, %gather3A_864 : vector<16xf32>
      %mul3A_866 = vector.broadcast %select_n3A_809 : f32 to vector<16xf32>
      %mul3A_867 = arith.mulf %add3A_865, %mul3A_866 : vector<16xf32>
      tpu.vector_store_idx %arg7[%add3A_853, %add3A_856], %mul3A_867 : memref<98x98xf32, #tpu.memory_space<vmem>>[vector<16xi32>, vector<16xi32>], vector<16xf32>,
      %add3A_868 = arith.constant 16 : i32
      %add3A_869 = vector.broadcast %add3A_868 : i32 to vector<16xi32>
      %add3A_870 = arith.addi %iota3A_820, %add3A_869 : vector<16xi32>
      %add3A_871 = arith.constant 1 : i32
      %add3A_872 = vector.broadcast %add3A_871 : i32 to vector<16xi32>
      %add3A_873 = arith.addi %add3A_870, %add3A_872 : vector<16xi32>
      %gather3A_874 = tpu.vector_load_idx %arg5[%broadcast_in_dim3A_836, %add3A_870] : memref<96x96xf32, #tpu.memory_space<vmem>>[vector<16xi32>, vector<16xi32>], vector<16xf32>,
      %add3A_875 = arith.constant 1 : i32
      %add3A_876 = vector.broadcast %add3A_875 : i32 to vector<16xi32>
      %add3A_877 = arith.addi %broadcast_in_dim3A_836, %add3A_876 : vector<16xi32>
      %gather3A_878 = tpu.vector_load_idx %arg5[%add3A_877, %add3A_870] : memref<96x96xf32, #tpu.memory_space<vmem>>[vector<16xi32>, vector<16xi32>], vector<16xf32>,
      %add3A_879 = arith.addf %gather3A_874, %gather3A_878 : vector<16xf32>
      %mul3A_880 = vector.broadcast %select_n3A_804 : f32 to vector<16xf32>
      %mul3A_881 = arith.mulf %add3A_879, %mul3A_880 : vector<16xf32>
      tpu.vector_store_idx %arg7[%broadcast_in_dim3A_836, %add3A_873], %mul3A_881 : memref<98x98xf32, #tpu.memory_space<vmem>>[vector<16xi32>, vector<16xi32>], vector<16xf32>,
      %add3A_882 = arith.constant 97 : i32
      %add3A_883 = vector.broadcast %add3A_882 : i32 to vector<16xi32>
      %add3A_884 = arith.addi %broadcast_in_dim3A_836, %add3A_883 : vector<16xi32>
      %add3A_885 = arith.constant 1 : i32
      %add3A_886 = vector.broadcast %add3A_885 : i32 to vector<16xi32>
      %add3A_887 = arith.addi %add3A_870, %add3A_886 : vector<16xi32>
      %add3A_888 = arith.constant 94 : i32
      %add3A_889 = vector.broadcast %add3A_888 : i32 to vector<16xi32>
      %add3A_890 = arith.addi %broadcast_in_dim3A_836, %add3A_889 : vector<16xi32>
      %gather3A_891 = tpu.vector_load_idx %arg5[%add3A_890, %add3A_870] : memref<96x96xf32, #tpu.memory_space<vmem>>[vector<16xi32>, vector<16xi32>], vector<16xf32>,
      %add3A_892 = arith.constant 95 : i32
      %add3A_893 = vector.broadcast %add3A_892 : i32 to vector<16xi32>
      %add3A_894 = arith.addi %broadcast_in_dim3A_836, %add3A_893 : vector<16xi32>
      %gather3A_895 = tpu.vector_load_idx %arg5[%add3A_894, %add3A_870] : memref<96x96xf32, #tpu.memory_space<vmem>>[vector<16xi32>, vector<16xi32>], vector<16xf32>,
      %add3A_896 = arith.addf %gather3A_891, %gather3A_895 : vector<16xf32>
      %mul3A_897 = vector.broadcast %select_n3A_809 : f32 to vector<16xf32>
      %mul3A_898 = arith.mulf %add3A_896, %mul3A_897 : vector<16xf32>
      tpu.vector_store_idx %arg7[%add3A_884, %add3A_887], %mul3A_898 : memref<98x98xf32, #tpu.memory_space<vmem>>[vector<16xi32>, vector<16xi32>], vector<16xf32>,
      %add3A_899 = arith.constant 32 : i32
      %add3A_900 = vector.broadcast %add3A_899 : i32 to vector<16xi32>
      %add3A_901 = arith.addi %iota3A_820, %add3A_900 : vector<16xi32>
      %add3A_902 = arith.constant 1 : i32
      %add3A_903 = vector.broadcast %add3A_902 : i32 to vector<16xi32>
      %add3A_904 = arith.addi %add3A_901, %add3A_903 : vector<16xi32>
      %gather3A_905 = tpu.vector_load_idx %arg5[%broadcast_in_dim3A_836, %add3A_901] : memref<96x96xf32, #tpu.memory_space<vmem>>[vector<16xi32>, vector<16xi32>], vector<16xf32>,
      %add3A_906 = arith.constant 1 : i32
      %add3A_907 = vector.broadcast %add3A_906 : i32 to vector<16xi32>
      %add3A_908 = arith.addi %broadcast_in_dim3A_836, %add3A_907 : vector<16xi32>
      %gather3A_909 = tpu.vector_load_idx %arg5[%add3A_908, %add3A_901] : memref<96x96xf32, #tpu.memory_space<vmem>>[vector<16xi32>, vector<16xi32>], vector<16xf32>,
      %add3A_910 = arith.addf %gather3A_905, %gather3A_909 : vector<16xf32>
      %mul3A_911 = vector.broadcast %select_n3A_804 : f32 to vector<16xf32>
      %mul3A_912 = arith.mulf %add3A_910, %mul3A_911 : vector<16xf32>
      tpu.vector_store_idx %arg7[%broadcast_in_dim3A_836, %add3A_904], %mul3A_912 : memref<98x98xf32, #tpu.memory_space<vmem>>[vector<16xi32>, vector<16xi32>], vector<16xf32>,
      %add3A_913 = arith.constant 97 : i32
      %add3A_914 = vector.broadcast %add3A_913 : i32 to vector<16xi32>
      %add3A_915 = arith.addi %broadcast_in_dim3A_836, %add3A_914 : vector<16xi32>
      %add3A_916 = arith.constant 1 : i32
      %add3A_917 = vector.broadcast %add3A_916 : i32 to vector<16xi32>
      %add3A_918 = arith.addi %add3A_901, %add3A_917 : vector<16xi32>
      %add3A_919 = arith.constant 94 : i32
      %add3A_920 = vector.broadcast %add3A_919 : i32 to vector<16xi32>
      %add3A_921 = arith.addi %broadcast_in_dim3A_836, %add3A_920 : vector<16xi32>
      %gather3A_922 = tpu.vector_load_idx %arg5[%add3A_921, %add3A_901] : memref<96x96xf32, #tpu.memory_space<vmem>>[vector<16xi32>, vector<16xi32>], vector<16xf32>,
      %add3A_923 = arith.constant 95 : i32
      %add3A_924 = vector.broadcast %add3A_923 : i32 to vector<16xi32>
      %add3A_925 = arith.addi %broadcast_in_dim3A_836, %add3A_924 : vector<16xi32>
      %gather3A_926 = tpu.vector_load_idx %arg5[%add3A_925, %add3A_901] : memref<96x96xf32, #tpu.memory_space<vmem>>[vector<16xi32>, vector<16xi32>], vector<16xf32>,
      %add3A_927 = arith.addf %gather3A_922, %gather3A_926 : vector<16xf32>
      %mul3A_928 = vector.broadcast %select_n3A_809 : f32 to vector<16xf32>
      %mul3A_929 = arith.mulf %add3A_927, %mul3A_928 : vector<16xf32>
      tpu.vector_store_idx %arg7[%add3A_915, %add3A_918], %mul3A_929 : memref<98x98xf32, #tpu.memory_space<vmem>>[vector<16xi32>, vector<16xi32>], vector<16xf32>,
      %add3A_930 = arith.constant 48 : i32
      %add3A_931 = vector.broadcast %add3A_930 : i32 to vector<16xi32>
      %add3A_932 = arith.addi %iota3A_820, %add3A_931 : vector<16xi32>
      %add3A_933 = arith.constant 1 : i32
      %add3A_934 = vector.broadcast %add3A_933 : i32 to vector<16xi32>
      %add3A_935 = arith.addi %add3A_932, %add3A_934 : vector<16xi32>
      %gather3A_936 = tpu.vector_load_idx %arg5[%broadcast_in_dim3A_836, %add3A_932] : memref<96x96xf32, #tpu.memory_space<vmem>>[vector<16xi32>, vector<16xi32>], vector<16xf32>,
      %add3A_937 = arith.constant 1 : i32
      %add3A_938 = vector.broadcast %add3A_937 : i32 to vector<16xi32>
      %add3A_939 = arith.addi %broadcast_in_dim3A_836, %add3A_938 : vector<16xi32>
      %gather3A_940 = tpu.vector_load_idx %arg5[%add3A_939, %add3A_932] : memref<96x96xf32, #tpu.memory_space<vmem>>[vector<16xi32>, vector<16xi32>], vector<16xf32>,
      %add3A_941 = arith.addf %gather3A_936, %gather3A_940 : vector<16xf32>
      %mul3A_942 = vector.broadcast %select_n3A_804 : f32 to vector<16xf32>
      %mul3A_943 = arith.mulf %add3A_941, %mul3A_942 : vector<16xf32>
      tpu.vector_store_idx %arg7[%broadcast_in_dim3A_836, %add3A_935], %mul3A_943 : memref<98x98xf32, #tpu.memory_space<vmem>>[vector<16xi32>, vector<16xi32>], vector<16xf32>,
      %add3A_944 = arith.constant 97 : i32
      %add3A_945 = vector.broadcast %add3A_944 : i32 to vector<16xi32>
      %add3A_946 = arith.addi %broadcast_in_dim3A_836, %add3A_945 : vector<16xi32>
      %add3A_947 = arith.constant 1 : i32
      %add3A_948 = vector.broadcast %add3A_947 : i32 to vector<16xi32>
      %add3A_949 = arith.addi %add3A_932, %add3A_948 : vector<16xi32>
      %add3A_950 = arith.constant 94 : i32
      %add3A_951 = vector.broadcast %add3A_950 : i32 to vector<16xi32>
      %add3A_952 = arith.addi %broadcast_in_dim3A_836, %add3A_951 : vector<16xi32>
      %gather3A_953 = tpu.vector_load_idx %arg5[%add3A_952, %add3A_932] : memref<96x96xf32, #tpu.memory_space<vmem>>[vector<16xi32>, vector<16xi32>], vector<16xf32>,
      %add3A_954 = arith.constant 95 : i32
      %add3A_955 = vector.broadcast %add3A_954 : i32 to vector<16xi32>
      %add3A_956 = arith.addi %broadcast_in_dim3A_836, %add3A_955 : vector<16xi32>
      %gather3A_957 = tpu.vector_load_idx %arg5[%add3A_956, %add3A_932] : memref<96x96xf32, #tpu.memory_space<vmem>>[vector<16xi32>, vector<16xi32>], vector<16xf32>,
      %add3A_958 = arith.addf %gather3A_953, %gather3A_957 : vector<16xf32>
      %mul3A_959 = vector.broadcast %select_n3A_809 : f32 to vector<16xf32>
      %mul3A_960 = arith.mulf %add3A_958, %mul3A_959 : vector<16xf32>
      tpu.vector_store_idx %arg7[%add3A_946, %add3A_949], %mul3A_960 : memref<98x98xf32, #tpu.memory_space<vmem>>[vector<16xi32>, vector<16xi32>], vector<16xf32>,
      %add3A_961 = arith.constant 64 : i32
      %add3A_962 = vector.broadcast %add3A_961 : i32 to vector<16xi32>
      %add3A_963 = arith.addi %iota3A_820, %add3A_962 : vector<16xi32>
      %add3A_964 = arith.constant 1 : i32
      %add3A_965 = vector.broadcast %add3A_964 : i32 to vector<16xi32>
      %add3A_966 = arith.addi %add3A_963, %add3A_965 : vector<16xi32>
      %gather3A_967 = tpu.vector_load_idx %arg5[%broadcast_in_dim3A_836, %add3A_963] : memref<96x96xf32, #tpu.memory_space<vmem>>[vector<16xi32>, vector<16xi32>], vector<16xf32>,
      %add3A_968 = arith.constant 1 : i32
      %add3A_969 = vector.broadcast %add3A_968 : i32 to vector<16xi32>
      %add3A_970 = arith.addi %broadcast_in_dim3A_836, %add3A_969 : vector<16xi32>
      %gather3A_971 = tpu.vector_load_idx %arg5[%add3A_970, %add3A_963] : memref<96x96xf32, #tpu.memory_space<vmem>>[vector<16xi32>, vector<16xi32>], vector<16xf32>,
      %add3A_972 = arith.addf %gather3A_967, %gather3A_971 : vector<16xf32>
      %mul3A_973 = vector.broadcast %select_n3A_804 : f32 to vector<16xf32>
      %mul3A_974 = arith.mulf %add3A_972, %mul3A_973 : vector<16xf32>
      tpu.vector_store_idx %arg7[%broadcast_in_dim3A_836, %add3A_966], %mul3A_974 : memref<98x98xf32, #tpu.memory_space<vmem>>[vector<16xi32>, vector<16xi32>], vector<16xf32>,
      %add3A_975 = arith.constant 97 : i32
      %add3A_976 = vector.broadcast %add3A_975 : i32 to vector<16xi32>
      %add3A_977 = arith.addi %broadcast_in_dim3A_836, %add3A_976 : vector<16xi32>
      %add3A_978 = arith.constant 1 : i32
      %add3A_979 = vector.broadcast %add3A_978 : i32 to vector<16xi32>
      %add3A_980 = arith.addi %add3A_963, %add3A_979 : vector<16xi32>
      %add3A_981 = arith.constant 94 : i32
      %add3A_982 = vector.broadcast %add3A_981 : i32 to vector<16xi32>
      %add3A_983 = arith.addi %broadcast_in_dim3A_836, %add3A_982 : vector<16xi32>
      %gather3A_984 = tpu.vector_load_idx %arg5[%add3A_983, %add3A_963] : memref<96x96xf32, #tpu.memory_space<vmem>>[vector<16xi32>, vector<16xi32>], vector<16xf32>,
      %add3A_985 = arith.constant 95 : i32
      %add3A_986 = vector.broadcast %add3A_985 : i32 to vector<16xi32>
      %add3A_987 = arith.addi %broadcast_in_dim3A_836, %add3A_986 : vector<16xi32>
      %gather3A_988 = tpu.vector_load_idx %arg5[%add3A_987, %add3A_963] : memref<96x96xf32, #tpu.memory_space<vmem>>[vector<16xi32>, vector<16xi32>], vector<16xf32>,
      %add3A_989 = arith.addf %gather3A_984, %gather3A_988 : vector<16xf32>
      %mul3A_990 = vector.broadcast %select_n3A_809 : f32 to vector<16xf32>
      %mul3A_991 = arith.mulf %add3A_989, %mul3A_990 : vector<16xf32>
      tpu.vector_store_idx %arg7[%add3A_977, %add3A_980], %mul3A_991 : memref<98x98xf32, #tpu.memory_space<vmem>>[vector<16xi32>, vector<16xi32>], vector<16xf32>,
      %add3A_992 = arith.constant 80 : i32
      %add3A_993 = vector.broadcast %add3A_992 : i32 to vector<16xi32>
      %add3A_994 = arith.addi %iota3A_820, %add3A_993 : vector<16xi32>
      %add3A_995 = arith.constant 1 : i32
      %add3A_996 = vector.broadcast %add3A_995 : i32 to vector<16xi32>
      %add3A_997 = arith.addi %add3A_994, %add3A_996 : vector<16xi32>
      %gather3A_998 = tpu.vector_load_idx %arg5[%broadcast_in_dim3A_836, %add3A_994] : memref<96x96xf32, #tpu.memory_space<vmem>>[vector<16xi32>, vector<16xi32>], vector<16xf32>,
      %add3A_999 = arith.constant 1 : i32
      %add3A_1000 = vector.broadcast %add3A_999 : i32 to vector<16xi32>
      %add3A_1001 = arith.addi %broadcast_in_dim3A_836, %add3A_1000 : vector<16xi32>
      %gather3A_1002 = tpu.vector_load_idx %arg5[%add3A_1001, %add3A_994] : memref<96x96xf32, #tpu.memory_space<vmem>>[vector<16xi32>, vector<16xi32>], vector<16xf32>,
      %add3A_1003 = arith.addf %gather3A_998, %gather3A_1002 : vector<16xf32>
      %mul3A_1004 = vector.broadcast %select_n3A_804 : f32 to vector<16xf32>
      %mul3A_1005 = arith.mulf %add3A_1003, %mul3A_1004 : vector<16xf32>
      tpu.vector_store_idx %arg7[%broadcast_in_dim3A_836, %add3A_997], %mul3A_1005 : memref<98x98xf32, #tpu.memory_space<vmem>>[vector<16xi32>, vector<16xi32>], vector<16xf32>,
      %add3A_1006 = arith.constant 97 : i32
      %add3A_1007 = vector.broadcast %add3A_1006 : i32 to vector<16xi32>
      %add3A_1008 = arith.addi %broadcast_in_dim3A_836, %add3A_1007 : vector<16xi32>
      %add3A_1009 = arith.constant 1 : i32
      %add3A_1010 = vector.broadcast %add3A_1009 : i32 to vector<16xi32>
      %add3A_1011 = arith.addi %add3A_994, %add3A_1010 : vector<16xi32>
      %add3A_1012 = arith.constant 94 : i32
      %add3A_1013 = vector.broadcast %add3A_1012 : i32 to vector<16xi32>
      %add3A_1014 = arith.addi %broadcast_in_dim3A_836, %add3A_1013 : vector<16xi32>
      %gather3A_1015 = tpu.vector_load_idx %arg5[%add3A_1014, %add3A_994] : memref<96x96xf32, #tpu.memory_space<vmem>>[vector<16xi32>, vector<16xi32>], vector<16xf32>,
      %add3A_1016 = arith.constant 95 : i32
      %add3A_1017 = vector.broadcast %add3A_1016 : i32 to vector<16xi32>
      %add3A_1018 = arith.addi %broadcast_in_dim3A_836, %add3A_1017 : vector<16xi32>
      %gather3A_1019 = tpu.vector_load_idx %arg5[%add3A_1018, %add3A_994] : memref<96x96xf32, #tpu.memory_space<vmem>>[vector<16xi32>, vector<16xi32>], vector<16xf32>,
      %add3A_1020 = arith.addf %gather3A_1015, %gather3A_1019 : vector<16xf32>
      %mul3A_1021 = vector.broadcast %select_n3A_809 : f32 to vector<16xf32>
      %mul3A_1022 = arith.mulf %add3A_1020, %mul3A_1021 : vector<16xf32>
      tpu.vector_store_idx %arg7[%add3A_1008, %add3A_1011], %mul3A_1022 : memref<98x98xf32, #tpu.memory_space<vmem>>[vector<16xi32>, vector<16xi32>], vector<16xf32>,
      %add3A_1023 = arith.constant 0 : i32
      %add3A_1024 = vector.broadcast %add3A_1023 : i32 to vector<16xi32>
      %add3A_1025 = arith.addi %iota3A_820, %add3A_1024 : vector<16xi32>
      %add3A_1026 = arith.constant 1 : i32
      %add3A_1027 = vector.broadcast %add3A_1026 : i32 to vector<16xi32>
      %add3A_1028 = arith.addi %add3A_1025, %add3A_1027 : vector<16xi32>
      %gather3A_1029 = tpu.vector_load_idx %arg5[%add3A_1025, %broadcast_in_dim3A_822] : memref<96x96xf32, #tpu.memory_space<vmem>>[vector<16xi32>, vector<16xi32>], vector<16xf32>,
      %gather3A_1030 = tpu.vector_load_idx %arg5[%add3A_1025, %broadcast_in_dim3A_824] : memref<96x96xf32, #tpu.memory_space<vmem>>[vector<16xi32>, vector<16xi32>], vector<16xf32>,
      %add3A_1031 = arith.addf %gather3A_1029, %gather3A_1030 : vector<16xf32>
      %mul3A_1032 = vector.broadcast %select_n3A_814 : f32 to vector<16xf32>
      %mul3A_1033 = arith.mulf %add3A_1031, %mul3A_1032 : vector<16xf32>
      tpu.vector_store_idx %arg7[%add3A_1028, %broadcast_in_dim3A_836], %mul3A_1033 : memref<98x98xf32, #tpu.memory_space<vmem>>[vector<16xi32>, vector<16xi32>], vector<16xf32>,
      %add3A_1034 = arith.constant 1 : i32
      %add3A_1035 = vector.broadcast %add3A_1034 : i32 to vector<16xi32>
      %add3A_1036 = arith.addi %add3A_1025, %add3A_1035 : vector<16xi32>
      %add3A_1037 = arith.constant 97 : i32
      %add3A_1038 = vector.broadcast %add3A_1037 : i32 to vector<16xi32>
      %add3A_1039 = arith.addi %broadcast_in_dim3A_836, %add3A_1038 : vector<16xi32>
      %gather3A_1040 = tpu.vector_load_idx %arg5[%add3A_1025, %broadcast_in_dim3A_826] : memref<96x96xf32, #tpu.memory_space<vmem>>[vector<16xi32>, vector<16xi32>], vector<16xf32>,
      %gather3A_1041 = tpu.vector_load_idx %arg5[%add3A_1025, %broadcast_in_dim3A_828] : memref<96x96xf32, #tpu.memory_space<vmem>>[vector<16xi32>, vector<16xi32>], vector<16xf32>,
      %add3A_1042 = arith.addf %gather3A_1040, %gather3A_1041 : vector<16xf32>
      %mul3A_1043 = vector.broadcast %select_n3A_819 : f32 to vector<16xf32>
      %mul3A_1044 = arith.mulf %add3A_1042, %mul3A_1043 : vector<16xf32>
      tpu.vector_store_idx %arg7[%add3A_1036, %add3A_1039], %mul3A_1044 : memref<98x98xf32, #tpu.memory_space<vmem>>[vector<16xi32>, vector<16xi32>], vector<16xf32>,
      %add3A_1045 = arith.constant 16 : i32
      %add3A_1046 = vector.broadcast %add3A_1045 : i32 to vector<16xi32>
      %add3A_1047 = arith.addi %iota3A_820, %add3A_1046 : vector<16xi32>
      %add3A_1048 = arith.constant 1 : i32
      %add3A_1049 = vector.broadcast %add3A_1048 : i32 to vector<16xi32>
      %add3A_1050 = arith.addi %add3A_1047, %add3A_1049 : vector<16xi32>
      %gather3A_1051 = tpu.vector_load_idx %arg5[%add3A_1047, %broadcast_in_dim3A_822] : memref<96x96xf32, #tpu.memory_space<vmem>>[vector<16xi32>, vector<16xi32>], vector<16xf32>,
      %gather3A_1052 = tpu.vector_load_idx %arg5[%add3A_1047, %broadcast_in_dim3A_824] : memref<96x96xf32, #tpu.memory_space<vmem>>[vector<16xi32>, vector<16xi32>], vector<16xf32>,
      %add3A_1053 = arith.addf %gather3A_1051, %gather3A_1052 : vector<16xf32>
      %mul3A_1054 = vector.broadcast %select_n3A_814 : f32 to vector<16xf32>
      %mul3A_1055 = arith.mulf %add3A_1053, %mul3A_1054 : vector<16xf32>
      tpu.vector_store_idx %arg7[%add3A_1050, %broadcast_in_dim3A_836], %mul3A_1055 : memref<98x98xf32, #tpu.memory_space<vmem>>[vector<16xi32>, vector<16xi32>], vector<16xf32>,
      %add3A_1056 = arith.constant 1 : i32
      %add3A_1057 = vector.broadcast %add3A_1056 : i32 to vector<16xi32>
      %add3A_1058 = arith.addi %add3A_1047, %add3A_1057 : vector<16xi32>
      %add3A_1059 = arith.constant 97 : i32
      %add3A_1060 = vector.broadcast %add3A_1059 : i32 to vector<16xi32>
      %add3A_1061 = arith.addi %broadcast_in_dim3A_836, %add3A_1060 : vector<16xi32>
      %gather3A_1062 = tpu.vector_load_idx %arg5[%add3A_1047, %broadcast_in_dim3A_826] : memref<96x96xf32, #tpu.memory_space<vmem>>[vector<16xi32>, vector<16xi32>], vector<16xf32>,
      %gather3A_1063 = tpu.vector_load_idx %arg5[%add3A_1047, %broadcast_in_dim3A_828] : memref<96x96xf32, #tpu.memory_space<vmem>>[vector<16xi32>, vector<16xi32>], vector<16xf32>,
      %add3A_1064 = arith.addf %gather3A_1062, %gather3A_1063 : vector<16xf32>
      %mul3A_1065 = vector.broadcast %select_n3A_819 : f32 to vector<16xf32>
      %mul3A_1066 = arith.mulf %add3A_1064, %mul3A_1065 : vector<16xf32>
      tpu.vector_store_idx %arg7[%add3A_1058, %add3A_1061], %mul3A_1066 : memref<98x98xf32, #tpu.memory_space<vmem>>[vector<16xi32>, vector<16xi32>], vector<16xf32>,
      %add3A_1067 = arith.constant 32 : i32
      %add3A_1068 = vector.broadcast %add3A_1067 : i32 to vector<16xi32>
      %add3A_1069 = arith.addi %iota3A_820, %add3A_1068 : vector<16xi32>
      %add3A_1070 = arith.constant 1 : i32
      %add3A_1071 = vector.broadcast %add3A_1070 : i32 to vector<16xi32>
      %add3A_1072 = arith.addi %add3A_1069, %add3A_1071 : vector<16xi32>
      %gather3A_1073 = tpu.vector_load_idx %arg5[%add3A_1069, %broadcast_in_dim3A_822] : memref<96x96xf32, #tpu.memory_space<vmem>>[vector<16xi32>, vector<16xi32>], vector<16xf32>,
      %gather3A_1074 = tpu.vector_load_idx %arg5[%add3A_1069, %broadcast_in_dim3A_824] : memref<96x96xf32, #tpu.memory_space<vmem>>[vector<16xi32>, vector<16xi32>], vector<16xf32>,
      %add3A_1075 = arith.addf %gather3A_1073, %gather3A_1074 : vector<16xf32>
      %mul3A_1076 = vector.broadcast %select_n3A_814 : f32 to vector<16xf32>
      %mul3A_1077 = arith.mulf %add3A_1075, %mul3A_1076 : vector<16xf32>
      tpu.vector_store_idx %arg7[%add3A_1072, %broadcast_in_dim3A_836], %mul3A_1077 : memref<98x98xf32, #tpu.memory_space<vmem>>[vector<16xi32>, vector<16xi32>], vector<16xf32>,
      %add3A_1078 = arith.constant 1 : i32
      %add3A_1079 = vector.broadcast %add3A_1078 : i32 to vector<16xi32>
      %add3A_1080 = arith.addi %add3A_1069, %add3A_1079 : vector<16xi32>
      %add3A_1081 = arith.constant 97 : i32
      %add3A_1082 = vector.broadcast %add3A_1081 : i32 to vector<16xi32>
      %add3A_1083 = arith.addi %broadcast_in_dim3A_836, %add3A_1082 : vector<16xi32>
      %gather3A_1084 = tpu.vector_load_idx %arg5[%add3A_1069, %broadcast_in_dim3A_826] : memref<96x96xf32, #tpu.memory_space<vmem>>[vector<16xi32>, vector<16xi32>], vector<16xf32>,
      %gather3A_1085 = tpu.vector_load_idx %arg5[%add3A_1069, %broadcast_in_dim3A_828] : memref<96x96xf32, #tpu.memory_space<vmem>>[vector<16xi32>, vector<16xi32>], vector<16xf32>,
      %add3A_1086 = arith.addf %gather3A_1084, %gather3A_1085 : vector<16xf32>
      %mul3A_1087 = vector.broadcast %select_n3A_819 : f32 to vector<16xf32>
      %mul3A_1088 = arith.mulf %add3A_1086, %mul3A_1087 : vector<16xf32>
      tpu.vector_store_idx %arg7[%add3A_1080, %add3A_1083], %mul3A_1088 : memref<98x98xf32, #tpu.memory_space<vmem>>[vector<16xi32>, vector<16xi32>], vector<16xf32>,
      %add3A_1089 = arith.constant 48 : i32
      %add3A_1090 = vector.broadcast %add3A_1089 : i32 to vector<16xi32>
      %add3A_1091 = arith.addi %iota3A_820, %add3A_1090 : vector<16xi32>
      %add3A_1092 = arith.constant 1 : i32
      %add3A_1093 = vector.broadcast %add3A_1092 : i32 to vector<16xi32>
      %add3A_1094 = arith.addi %add3A_1091, %add3A_1093 : vector<16xi32>
      %gather3A_1095 = tpu.vector_load_idx %arg5[%add3A_1091, %broadcast_in_dim3A_822] : memref<96x96xf32, #tpu.memory_space<vmem>>[vector<16xi32>, vector<16xi32>], vector<16xf32>,
      %gather3A_1096 = tpu.vector_load_idx %arg5[%add3A_1091, %broadcast_in_dim3A_824] : memref<96x96xf32, #tpu.memory_space<vmem>>[vector<16xi32>, vector<16xi32>], vector<16xf32>,
      %add3A_1097 = arith.addf %gather3A_1095, %gather3A_1096 : vector<16xf32>
      %mul3A_1098 = vector.broadcast %select_n3A_814 : f32 to vector<16xf32>
      %mul3A_1099 = arith.mulf %add3A_1097, %mul3A_1098 : vector<16xf32>
      tpu.vector_store_idx %arg7[%add3A_1094, %broadcast_in_dim3A_836], %mul3A_1099 : memref<98x98xf32, #tpu.memory_space<vmem>>[vector<16xi32>, vector<16xi32>], vector<16xf32>,
      %add3A_1100 = arith.constant 1 : i32
      %add3A_1101 = vector.broadcast %add3A_1100 : i32 to vector<16xi32>
      %add3A_1102 = arith.addi %add3A_1091, %add3A_1101 : vector<16xi32>
      %add3A_1103 = arith.constant 97 : i32
      %add3A_1104 = vector.broadcast %add3A_1103 : i32 to vector<16xi32>
      %add3A_1105 = arith.addi %broadcast_in_dim3A_836, %add3A_1104 : vector<16xi32>
      %gather3A_1106 = tpu.vector_load_idx %arg5[%add3A_1091, %broadcast_in_dim3A_826] : memref<96x96xf32, #tpu.memory_space<vmem>>[vector<16xi32>, vector<16xi32>], vector<16xf32>,
      %gather3A_1107 = tpu.vector_load_idx %arg5[%add3A_1091, %broadcast_in_dim3A_828] : memref<96x96xf32, #tpu.memory_space<vmem>>[vector<16xi32>, vector<16xi32>], vector<16xf32>,
      %add3A_1108 = arith.addf %gather3A_1106, %gather3A_1107 : vector<16xf32>
      %mul3A_1109 = vector.broadcast %select_n3A_819 : f32 to vector<16xf32>
      %mul3A_1110 = arith.mulf %add3A_1108, %mul3A_1109 : vector<16xf32>
      tpu.vector_store_idx %arg7[%add3A_1102, %add3A_1105], %mul3A_1110 : memref<98x98xf32, #tpu.memory_space<vmem>>[vector<16xi32>, vector<16xi32>], vector<16xf32>,
      %add3A_1111 = arith.constant 64 : i32
      %add3A_1112 = vector.broadcast %add3A_1111 : i32 to vector<16xi32>
      %add3A_1113 = arith.addi %iota3A_820, %add3A_1112 : vector<16xi32>
      %add3A_1114 = arith.constant 1 : i32
      %add3A_1115 = vector.broadcast %add3A_1114 : i32 to vector<16xi32>
      %add3A_1116 = arith.addi %add3A_1113, %add3A_1115 : vector<16xi32>
      %gather3A_1117 = tpu.vector_load_idx %arg5[%add3A_1113, %broadcast_in_dim3A_822] : memref<96x96xf32, #tpu.memory_space<vmem>>[vector<16xi32>, vector<16xi32>], vector<16xf32>,
      %gather3A_1118 = tpu.vector_load_idx %arg5[%add3A_1113, %broadcast_in_dim3A_824] : memref<96x96xf32, #tpu.memory_space<vmem>>[vector<16xi32>, vector<16xi32>], vector<16xf32>,
      %add3A_1119 = arith.addf %gather3A_1117, %gather3A_1118 : vector<16xf32>
      %mul3A_1120 = vector.broadcast %select_n3A_814 : f32 to vector<16xf32>
      %mul3A_1121 = arith.mulf %add3A_1119, %mul3A_1120 : vector<16xf32>
      tpu.vector_store_idx %arg7[%add3A_1116, %broadcast_in_dim3A_836], %mul3A_1121 : memref<98x98xf32, #tpu.memory_space<vmem>>[vector<16xi32>, vector<16xi32>], vector<16xf32>,
      %add3A_1122 = arith.constant 1 : i32
      %add3A_1123 = vector.broadcast %add3A_1122 : i32 to vector<16xi32>
      %add3A_1124 = arith.addi %add3A_1113, %add3A_1123 : vector<16xi32>
      %add3A_1125 = arith.constant 97 : i32
      %add3A_1126 = vector.broadcast %add3A_1125 : i32 to vector<16xi32>
      %add3A_1127 = arith.addi %broadcast_in_dim3A_836, %add3A_1126 : vector<16xi32>
      %gather3A_1128 = tpu.vector_load_idx %arg5[%add3A_1113, %broadcast_in_dim3A_826] : memref<96x96xf32, #tpu.memory_space<vmem>>[vector<16xi32>, vector<16xi32>], vector<16xf32>,
      %gather3A_1129 = tpu.vector_load_idx %arg5[%add3A_1113, %broadcast_in_dim3A_828] : memref<96x96xf32, #tpu.memory_space<vmem>>[vector<16xi32>, vector<16xi32>], vector<16xf32>,
      %add3A_1130 = arith.addf %gather3A_1128, %gather3A_1129 : vector<16xf32>
      %mul3A_1131 = vector.broadcast %select_n3A_819 : f32 to vector<16xf32>
      %mul3A_1132 = arith.mulf %add3A_1130, %mul3A_1131 : vector<16xf32>
      tpu.vector_store_idx %arg7[%add3A_1124, %add3A_1127], %mul3A_1132 : memref<98x98xf32, #tpu.memory_space<vmem>>[vector<16xi32>, vector<16xi32>], vector<16xf32>,
      %add3A_1133 = arith.constant 80 : i32
      %add3A_1134 = vector.broadcast %add3A_1133 : i32 to vector<16xi32>
      %add3A_1135 = arith.addi %iota3A_820, %add3A_1134 : vector<16xi32>
      %add3A_1136 = arith.constant 1 : i32
      %add3A_1137 = vector.broadcast %add3A_1136 : i32 to vector<16xi32>
      %add3A_1138 = arith.addi %add3A_1135, %add3A_1137 : vector<16xi32>
      %gather3A_1139 = tpu.vector_load_idx %arg5[%add3A_1135, %broadcast_in_dim3A_822] : memref<96x96xf32, #tpu.memory_space<vmem>>[vector<16xi32>, vector<16xi32>], vector<16xf32>,
      %gather3A_1140 = tpu.vector_load_idx %arg5[%add3A_1135, %broadcast_in_dim3A_824] : memref<96x96xf32, #tpu.memory_space<vmem>>[vector<16xi32>, vector<16xi32>], vector<16xf32>,
      %add3A_1141 = arith.addf %gather3A_1139, %gather3A_1140 : vector<16xf32>
      %mul3A_1142 = vector.broadcast %select_n3A_814 : f32 to vector<16xf32>
      %mul3A_1143 = arith.mulf %add3A_1141, %mul3A_1142 : vector<16xf32>
      tpu.vector_store_idx %arg7[%add3A_1138, %broadcast_in_dim3A_836], %mul3A_1143 : memref<98x98xf32, #tpu.memory_space<vmem>>[vector<16xi32>, vector<16xi32>], vector<16xf32>,
      %add3A_1144 = arith.constant 1 : i32
      %add3A_1145 = vector.broadcast %add3A_1144 : i32 to vector<16xi32>
      %add3A_1146 = arith.addi %add3A_1135, %add3A_1145 : vector<16xi32>
      %add3A_1147 = arith.constant 97 : i32
      %add3A_1148 = vector.broadcast %add3A_1147 : i32 to vector<16xi32>
      %add3A_1149 = arith.addi %broadcast_in_dim3A_836, %add3A_1148 : vector<16xi32>
      %gather3A_1150 = tpu.vector_load_idx %arg5[%add3A_1135, %broadcast_in_dim3A_826] : memref<96x96xf32, #tpu.memory_space<vmem>>[vector<16xi32>, vector<16xi32>], vector<16xf32>,
      %gather3A_1151 = tpu.vector_load_idx %arg5[%add3A_1135, %broadcast_in_dim3A_828] : memref<96x96xf32, #tpu.memory_space<vmem>>[vector<16xi32>, vector<16xi32>], vector<16xf32>,
      %add3A_1152 = arith.addf %gather3A_1150, %gather3A_1151 : vector<16xf32>
      %mul3A_1153 = vector.broadcast %select_n3A_819 : f32 to vector<16xf32>
      %mul3A_1154 = arith.mulf %add3A_1152, %mul3A_1153 : vector<16xf32>
      tpu.vector_store_idx %arg7[%add3A_1146, %add3A_1149], %mul3A_1154 : memref<98x98xf32, #tpu.memory_space<vmem>>[vector<16xi32>, vector<16xi32>], vector<16xf32>,
      %mul3A_1155 = arith.constant 2.000000e+00 : f32
      %mul3A_1156 = arith.mulf %select_n3A_804, %mul3A_1155 : f32
      %mul3A_1157 = arith.constant 2.000000e+00 : f32
      %mul3A_1158 = arith.mulf %select_n3A_814, %mul3A_1157 : f32
      %mul3A_1159 = arith.mulf %mul3A_1156, %mul3A_1158 : f32
      %mul3A_1160 = arith.constant 2.000000e+00 : f32
      %mul3A_1161 = arith.mulf %select_n3A_804, %mul3A_1160 : f32
      %mul3A_1162 = arith.constant 2.000000e+00 : f32
      %mul3A_1163 = arith.mulf %select_n3A_819, %mul3A_1162 : f32
      %mul3A_1164 = arith.mulf %mul3A_1161, %mul3A_1163 : f32
      %mul3A_1165 = arith.constant 2.000000e+00 : f32
      %mul3A_1166 = arith.mulf %select_n3A_809, %mul3A_1165 : f32
      %mul3A_1167 = arith.constant 2.000000e+00 : f32
      %mul3A_1168 = arith.mulf %select_n3A_814, %mul3A_1167 : f32
      %mul3A_1169 = arith.mulf %mul3A_1166, %mul3A_1168 : f32
      %mul3A_1170 = arith.constant 2.000000e+00 : f32
      %mul3A_1171 = arith.mulf %select_n3A_809, %mul3A_1170 : f32
      %mul3A_1172 = arith.constant 2.000000e+00 : f32
      %mul3A_1173 = arith.mulf %select_n3A_819, %mul3A_1172 : f32
      %mul3A_1174 = arith.mulf %mul3A_1171, %mul3A_1173 : f32
      %lt3A_1175 = arith.constant 2 : i32
      %lt3A_1176 = vector.broadcast %lt3A_1175 : i32 to vector<16xi32>
      %lt3A_1177 = arith.cmpi slt, %iota3A_820, %lt3A_1176 : vector<16xi32>
      %jit3A_1178 = arith.constant 0 : i32
      %jit3A_1179 = arith.constant 95 : i32
      %broadcast_in_dim3A_1180 = vector.broadcast %jit3A_1178 : i32 to vector<16xi32>
      %broadcast_in_dim3A_1181 = vector.broadcast %jit3A_1179 : i32 to vector<16xi32>
      %select_n3A_1182 = arith.select %lt3A_1177, %broadcast_in_dim3A_1180, %broadcast_in_dim3A_1181 : vector<16xi1>, vector<16xi32>
      %jit3A_1183 = arith.constant 2 : i32
      %eq3A_1184 = arith.constant 0 : i32
      %eq3A_1185 = arith.cmpi eq, %jit3A_1183, %eq3A_1184 : i32
      %jit3A_1186 = arith.constant 1 : i32
      %select_n3A_1187 = arith.select %eq3A_1185, %jit3A_1186, %jit3A_1183 : i32
      %rem3A_1188 = vector.broadcast %select_n3A_1187 : i32 to vector<16xi32>
      %rem3A_1189 = arith.remsi %iota3A_820, %rem3A_1188 : vector<16xi32>
      %ne3A_1190 = arith.constant 0 : i32
      %ne3A_1191 = vector.broadcast %ne3A_1190 : i32 to vector<16xi32>
      %ne3A_1192 = arith.cmpi ne, %rem3A_1189, %ne3A_1191 : vector<16xi32>
      %lt3A_1193 = arith.constant 0 : i32
      %lt3A_1194 = vector.broadcast %lt3A_1193 : i32 to vector<16xi32>
      %lt3A_1195 = arith.cmpi slt, %rem3A_1189, %lt3A_1194 : vector<16xi32>
      %lt3A_1196 = arith.constant 0 : i32
      %lt3A_1197 = arith.cmpi slt, %select_n3A_1187, %lt3A_1196 : i32
      %ne3A_1198 = vector.broadcast %lt3A_1197 : i1 to vector<16xi1>
      %ne3A_1199 = vector.broadcast %ne3A_1198 : vector<16xi1> to vector<16xi1>
      %ne3A_1200 = arith.xori %lt3A_1195, %ne3A_1199 : vector<16xi1>
      %and3A_1201 = arith.andi %ne3A_1200, %ne3A_1192 : vector<16xi1>
      %add3A_1202 = vector.broadcast %select_n3A_1187 : i32 to vector<16xi32>
      %add3A_1203 = arith.addi %rem3A_1189, %add3A_1202 : vector<16xi32>
      %select_n3A_1204 = arith.select %and3A_1201, %add3A_1203, %rem3A_1189 : vector<16xi1>, vector<16xi32>
      %eq3A_1205 = arith.constant 0 : i32
      %eq3A_1206 = vector.broadcast %eq3A_1205 : i32 to vector<16xi32>
      %eq3A_1207 = arith.cmpi eq, %select_n3A_1204, %eq3A_1206 : vector<16xi32>
      %jit3A_1208 = arith.constant 0 : i32
      %jit3A_1209 = arith.constant 95 : i32
      %broadcast_in_dim3A_1210 = vector.broadcast %jit3A_1208 : i32 to vector<16xi32>
      %broadcast_in_dim3A_1211 = vector.broadcast %jit3A_1209 : i32 to vector<16xi32>
      %select_n3A_1212 = arith.select %eq3A_1207, %broadcast_in_dim3A_1210, %broadcast_in_dim3A_1211 : vector<16xi1>, vector<16xi32>
      %lt3A_1213 = arith.constant 2 : i32
      %lt3A_1214 = vector.broadcast %lt3A_1213 : i32 to vector<16xi32>
      %lt3A_1215 = arith.cmpi slt, %iota3A_820, %lt3A_1214 : vector<16xi32>
      %jit3A_1216 = arith.constant 0 : i32
      %jit3A_1217 = arith.constant 97 : i32
      %broadcast_in_dim3A_1218 = vector.broadcast %jit3A_1216 : i32 to vector<16xi32>
      %broadcast_in_dim3A_1219 = vector.broadcast %jit3A_1217 : i32 to vector<16xi32>
      %select_n3A_1220 = arith.select %lt3A_1215, %broadcast_in_dim3A_1218, %broadcast_in_dim3A_1219 : vector<16xi1>, vector<16xi32>
      %jit3A_1221 = arith.constant 2 : i32
      %eq3A_1222 = arith.constant 0 : i32
      %eq3A_1223 = arith.cmpi eq, %jit3A_1221, %eq3A_1222 : i32
      %jit3A_1224 = arith.constant 1 : i32
      %select_n3A_1225 = arith.select %eq3A_1223, %jit3A_1224, %jit3A_1221 : i32
      %rem3A_1226 = vector.broadcast %select_n3A_1225 : i32 to vector<16xi32>
      %rem3A_1227 = arith.remsi %iota3A_820, %rem3A_1226 : vector<16xi32>
      %ne3A_1228 = arith.constant 0 : i32
      %ne3A_1229 = vector.broadcast %ne3A_1228 : i32 to vector<16xi32>
      %ne3A_1230 = arith.cmpi ne, %rem3A_1227, %ne3A_1229 : vector<16xi32>
      %lt3A_1231 = arith.constant 0 : i32
      %lt3A_1232 = vector.broadcast %lt3A_1231 : i32 to vector<16xi32>
      %lt3A_1233 = arith.cmpi slt, %rem3A_1227, %lt3A_1232 : vector<16xi32>
      %lt3A_1234 = arith.constant 0 : i32
      %lt3A_1235 = arith.cmpi slt, %select_n3A_1225, %lt3A_1234 : i32
      %ne3A_1236 = vector.broadcast %lt3A_1235 : i1 to vector<16xi1>
      %ne3A_1237 = vector.broadcast %ne3A_1236 : vector<16xi1> to vector<16xi1>
      %ne3A_1238 = arith.xori %lt3A_1233, %ne3A_1237 : vector<16xi1>
      %and3A_1239 = arith.andi %ne3A_1238, %ne3A_1230 : vector<16xi1>
      %add3A_1240 = vector.broadcast %select_n3A_1225 : i32 to vector<16xi32>
      %add3A_1241 = arith.addi %rem3A_1227, %add3A_1240 : vector<16xi32>
      %select_n3A_1242 = arith.select %and3A_1239, %add3A_1241, %rem3A_1227 : vector<16xi1>, vector<16xi32>
      %eq3A_1243 = arith.constant 0 : i32
      %eq3A_1244 = vector.broadcast %eq3A_1243 : i32 to vector<16xi32>
      %eq3A_1245 = arith.cmpi eq, %select_n3A_1242, %eq3A_1244 : vector<16xi32>
      %jit3A_1246 = arith.constant 0 : i32
      %jit3A_1247 = arith.constant 97 : i32
      %broadcast_in_dim3A_1248 = vector.broadcast %jit3A_1246 : i32 to vector<16xi32>
      %broadcast_in_dim3A_1249 = vector.broadcast %jit3A_1247 : i32 to vector<16xi32>
      %select_n3A_1250 = arith.select %eq3A_1245, %broadcast_in_dim3A_1248, %broadcast_in_dim3A_1249 : vector<16xi1>, vector<16xi32>
      %eq3A_1251 = arith.constant 0 : i32
      %eq3A_1252 = vector.broadcast %eq3A_1251 : i32 to vector<16xi32>
      %eq3A_1253 = arith.cmpi eq, %iota3A_820, %eq3A_1252 : vector<16xi32>
      %eq3A_1254 = arith.constant 1 : i32
      %eq3A_1255 = vector.broadcast %eq3A_1254 : i32 to vector<16xi32>
      %eq3A_1256 = arith.cmpi eq, %iota3A_820, %eq3A_1255 : vector<16xi32>
      %eq3A_1257 = arith.constant 2 : i32
      %eq3A_1258 = vector.broadcast %eq3A_1257 : i32 to vector<16xi32>
      %eq3A_1259 = arith.cmpi eq, %iota3A_820, %eq3A_1258 : vector<16xi32>
      %broadcast_in_dim3A_1260 = vector.broadcast %mul3A_1169 : f32 to vector<16xf32>
      %broadcast_in_dim3A_1261 = vector.broadcast %mul3A_1174 : f32 to vector<16xf32>
      %select_n3A_1262 = arith.select %eq3A_1259, %broadcast_in_dim3A_1260, %broadcast_in_dim3A_1261 : vector<16xi1>, vector<16xf32>
      %broadcast_in_dim3A_1263 = vector.broadcast %mul3A_1164 : f32 to vector<16xf32>
      %select_n3A_1264 = arith.select %eq3A_1256, %broadcast_in_dim3A_1263, %select_n3A_1262 : vector<16xi1>, vector<16xf32>
      %broadcast_in_dim3A_1265 = vector.broadcast %mul3A_1159 : f32 to vector<16xf32>
      %select_n3A_1266 = arith.select %eq3A_1253, %broadcast_in_dim3A_1265, %select_n3A_1264 : vector<16xi1>, vector<16xf32>
      %gather3A_1267 = tpu.vector_load_idx %arg5[%select_n3A_1182, %select_n3A_1212] : memref<96x96xf32, #tpu.memory_space<vmem>>[vector<16xi32>, vector<16xi32>], vector<16xf32>,
      %mul3A_1268 = arith.mulf %gather3A_1267, %select_n3A_1266 : vector<16xf32>
      %lt3A_1269 = arith.constant 4 : i32
      %lt3A_1270 = vector.broadcast %lt3A_1269 : i32 to vector<16xi32>
      %lt3A_1271 = arith.cmpi slt, %iota3A_820, %lt3A_1270 : vector<16xi32>
      tpu.vector_store_idx %arg7[%select_n3A_1220, %select_n3A_1250], %mul3A_1268 masked %lt3A_1271 : memref<98x98xf32, #tpu.memory_space<vmem>>[vector<16xi32>, vector<16xi32>], vector<16xf32>, vector<16xi1>
      %add3A_1272 = arith.addi %add3A_4, %add3A_696 : i32
      %jit3A_1273 = arith.constant 96 : i32
      %div3A_1274 = arith.divsi %add3A_1272, %jit3A_1273 : i32
      %sign3A_1275 = arith.constant 0 : i32
      %sign3A_1276 = arith.cmpi sgt, %add3A_1272, %sign3A_1275 : i32
      %sign3A_1277 = arith.extui %sign3A_1276 : i1 to i32
      %sign3A_1278 = arith.constant 0 : i32
      %sign3A_1279 = arith.cmpi slt, %add3A_1272, %sign3A_1278 : i32
      %sign3A_1280 = arith.extui %sign3A_1279 : i1 to i32
      %sign3A_1281 = arith.subi %sign3A_1277, %sign3A_1280 : i32
      %sign3A_1282 = arith.constant 0 : i32
      %sign3A_1283 = arith.cmpi sgt, %jit3A_1273, %sign3A_1282 : i32
      %sign3A_1284 = arith.extui %sign3A_1283 : i1 to i32
      %sign3A_1285 = arith.constant 0 : i32
      %sign3A_1286 = arith.cmpi slt, %jit3A_1273, %sign3A_1285 : i32
      %sign3A_1287 = arith.extui %sign3A_1286 : i1 to i32
      %sign3A_1288 = arith.subi %sign3A_1284, %sign3A_1287 : i32
      %ne3A_1289 = arith.cmpi ne, %sign3A_1281, %sign3A_1288 : i32
      %rem3A_1290 = arith.remsi %add3A_1272, %jit3A_1273 : i32
      %ne3A_1291 = arith.constant 0 : i32
      %ne3A_1292 = arith.cmpi ne, %rem3A_1290, %ne3A_1291 : i32
      %and3A_1293 = arith.andi %ne3A_1289, %ne3A_1292 : i1
      %sub3A_1294 = arith.constant 1 : i32
      %sub3A_1295 = arith.subi %div3A_1274, %sub3A_1294 : i32
      %select_n3A_1296 = arith.select %and3A_1293, %sub3A_1295, %div3A_1274 : i32
      %sub3A_1297 = arith.constant 40 : i32
      %sub3A_1298 = arith.subi %select_n3A_1296, %sub3A_1297 : i32
      %jit3A_1299 = arith.constant 96 : i32
      %eq3A_1300 = arith.constant 0 : i32
      %eq3A_1301 = arith.cmpi eq, %jit3A_1299, %eq3A_1300 : i32
      %jit3A_1302 = arith.constant 1 : i32
      %select_n3A_1303 = arith.select %eq3A_1301, %jit3A_1302, %jit3A_1299 : i32
      %rem3A_1304 = arith.remsi %add3A_1272, %select_n3A_1303 : i32
      %ne3A_1305 = arith.constant 0 : i32
      %ne3A_1306 = arith.cmpi ne, %rem3A_1304, %ne3A_1305 : i32
      %lt3A_1307 = arith.constant 0 : i32
      %lt3A_1308 = arith.cmpi slt, %rem3A_1304, %lt3A_1307 : i32
      %lt3A_1309 = arith.constant 0 : i32
      %lt3A_1310 = arith.cmpi slt, %select_n3A_1303, %lt3A_1309 : i32
      %ne3A_1311 = arith.xori %lt3A_1308, %lt3A_1310 : i1
      %and3A_1312 = arith.andi %ne3A_1311, %ne3A_1306 : i1
      %add3A_1313 = arith.addi %rem3A_1304, %select_n3A_1303 : i32
      %select_n3A_1314 = arith.select %and3A_1312, %add3A_1313, %rem3A_1304 : i32
      %dma_start3A_1315 = arith.constant 0 : i32
      %dma_start3A_1316 = arith.constant 0 : i32
      %dma_start3A_1317 = tpu.memref_slice %arg3[%sub3A_1298, %select_n3A_1314, %dma_start3A_1315, %dma_start3A_1316] : memref<24x96x98x98xf32, #tpu.memory_space<hbm>> -> memref<1x1x98x98xf32, #tpu.memory_space<hbm>>
      %dma_start3A_1318 = tpu.memref_squeeze %dma_start3A_1317 : memref<1x1x98x98xf32, #tpu.memory_space<hbm>> -> memref<98x98xf32, #tpu.memory_space<hbm>>
      %dma_start3A_1319 = arith.constant 0 : i32
      %dma_start3A_1320 = arith.constant 0 : i32
      %dma_start3A_1321 = tpu.memref_slice %arg3[%sub3A_1298, %select_n3A_1314, %dma_start3A_1319, %dma_start3A_1320] : memref<24x96x98x98xf32, #tpu.memory_space<hbm>> -> memref<1x1x98x98xf32, #tpu.memory_space<hbm>>
      %dma_start3A_1322 = tpu.memref_squeeze %dma_start3A_1321 : memref<1x1x98x98xf32, #tpu.memory_space<hbm>> -> memref<98x98xf32, #tpu.memory_space<hbm>>
      tpu.enqueue_dma source(%arg7 : memref<98x98xf32, #tpu.memory_space<vmem>>) target(%dma_start3A_1322 : memref<98x98xf32, #tpu.memory_space<hbm>>) target_semaphore(%arg11 : memref<!tpu.dma_semaphore, #tpu.memory_space<semaphore_mem>>)
    }
    %scan3A_48 = arith.constant 36 : i32
    %dma_wait3A = arith.constant 0 : i32
    %dma_wait3A_49 = arith.constant 0 : i32
    %dma_wait3A_50 = arith.constant 0 : i32
    %dma_wait3A_51 = arith.constant 0 : i32
    %dma_wait3A_52 = tpu.memref_slice %arg3[%dma_wait3A, %dma_wait3A_49, %dma_wait3A_50, %dma_wait3A_51] : memref<24x96x98x98xf32, #tpu.memory_space<hbm>> -> memref<1x1x98x98xf32, #tpu.memory_space<hbm>>
    %dma_wait3A_53 = tpu.memref_squeeze %dma_wait3A_52 : memref<1x1x98x98xf32, #tpu.memory_space<hbm>> -> memref<98x98xf32, #tpu.memory_space<hbm>>
    %dma_wait3A_54 = arith.constant 0 : i32
    %dma_wait3A_55 = arith.constant 0 : i32
    %dma_wait3A_56 = tpu.memref_slice %arg3[%dma_wait3A, %dma_wait3A_49, %dma_wait3A_54, %dma_wait3A_55] : memref<24x96x98x98xf32, #tpu.memory_space<hbm>> -> memref<1x1x98x98xf32, #tpu.memory_space<hbm>>
    %dma_wait3A_57 = tpu.memref_squeeze %dma_wait3A_56 : memref<1x1x98x98xf32, #tpu.memory_space<hbm>> -> memref<98x98xf32, #tpu.memory_space<hbm>>
    tpu.wait_dma2 semaphore(%arg10 : memref<!tpu.dma_semaphore, #tpu.memory_space<semaphore_mem>>) src(%arg6 : memref<98x98xf32, #tpu.memory_space<vmem>>) dst(%dma_wait3A_57 : memref<98x98xf32, #tpu.memory_space<hbm>>)
    %dma_wait3A_58 = arith.constant 0 : i32
    %dma_wait3A_59 = arith.constant 0 : i32
    %dma_wait3A_60 = arith.constant 0 : i32
    %dma_wait3A_61 = arith.constant 0 : i32
    %dma_wait3A_62 = tpu.memref_slice %arg3[%dma_wait3A_58, %dma_wait3A_59, %dma_wait3A_60, %dma_wait3A_61] : memref<24x96x98x98xf32, #tpu.memory_space<hbm>> -> memref<1x1x98x98xf32, #tpu.memory_space<hbm>>
    %dma_wait3A_63 = tpu.memref_squeeze %dma_wait3A_62 : memref<1x1x98x98xf32, #tpu.memory_space<hbm>> -> memref<98x98xf32, #tpu.memory_space<hbm>>
    %dma_wait3A_64 = arith.constant 0 : i32
    %dma_wait3A_65 = arith.constant 0 : i32
    %dma_wait3A_66 = tpu.memref_slice %arg3[%dma_wait3A_58, %dma_wait3A_59, %dma_wait3A_64, %dma_wait3A_65] : memref<24x96x98x98xf32, #tpu.memory_space<hbm>> -> memref<1x1x98x98xf32, #tpu.memory_space<hbm>>
    %dma_wait3A_67 = tpu.memref_squeeze %dma_wait3A_66 : memref<1x1x98x98xf32, #tpu.memory_space<hbm>> -> memref<98x98xf32, #tpu.memory_space<hbm>>
    tpu.wait_dma2 semaphore(%arg11 : memref<!tpu.dma_semaphore, #tpu.memory_space<semaphore_mem>>) src(%arg7 : memref<98x98xf32, #tpu.memory_space<vmem>>) dst(%dma_wait3A_67 : memref<98x98xf32, #tpu.memory_space<hbm>>)
    return
  }
}

module attributes {stable_mosaic.version = 14 : i64} {
  func.func @_merge_body(%arg0: i32, %arg1: i32, %arg2: memref<64x98x96x98xf32, #tpu.memory_space<any>>, %arg3: memref<1x96x98x98xf32, #tpu.memory_space<vmem>>, %arg4: memref<1x98x96x98xf32, #tpu.memory_space<vmem>>) attributes {dimension_semantics = [#tpu.dimension_semantics<arbitrary>, #tpu.dimension_semantics<arbitrary>], iteration_bounds = array<i64: 24, 1>, scalar_prefetch = 0 : i64, scratch_operands = 0 : i64, tpu.core_type = #tpu.core_type<tc>, window_params = [{}, {transform_indices = @transform_1, window_bounds = array<i64: 1, 96, 98, 98>}, {transform_indices = @transform_2, window_bounds = array<i64: 1, 98, 96, 98>}]} {
    %get3A = arith.constant 0 : index
    %get3A_0 = arith.constant 0 : index
    %get3A_1 = arith.constant 0 : index
    %get3A_2 = arith.constant 0 : index
    %get3A_3 = vector.load %arg3[%get3A, %get3A_0, %get3A_1, %get3A_2] : memref<1x96x98x98xf32, #tpu.memory_space<vmem>>, vector<1x96x98x98xf32>
    %transpose3A = tpu.transpose %get3A_3, [0, 2, 1, 3] : vector<1x96x98x98xf32> -> vector<1x98x96x98xf32>
    %swap3A = arith.constant 0 : index
    %swap3A_4 = arith.constant 0 : index
    %swap3A_5 = arith.constant 0 : index
    %swap3A_6 = arith.constant 0 : index
    %swap3A_7 = vector.load %arg4[%swap3A, %swap3A_4, %swap3A_5, %swap3A_6] : memref<1x98x96x98xf32, #tpu.memory_space<vmem>>, vector<1x98x96x98xf32>
    tpu.vector_store %arg4[%swap3A, %swap3A_4, %swap3A_5, %swap3A_6], %transpose3A {strides = array<i32>} : memref<1x98x96x98xf32, #tpu.memory_space<vmem>>, vector<1x98x96x98xf32>,
    return
  }
  func.func @transform_1(%arg0: i32, %arg1: i32) -> (i32, i32, i32, i32) {
    %c0_i32 = arith.constant 0 : i32
    %c0_i32_0 = arith.constant 0 : i32
    %c0_i32_1 = arith.constant 0 : i32
    return %arg0, %arg1, %c0_i32, %c0_i32_0 : i32, i32, i32, i32
  }
  func.func @transform_2(%arg0: i32, %arg1: i32) -> (i32, i32, i32, i32) {
    %add3A = arith.constant 40 : i32
    %add3A_0 = arith.addi %arg0, %add3A : i32
    %c0_i32 = arith.constant 0 : i32
    %c0_i32_1 = arith.constant 0 : i32
    %c0_i32_2 = arith.constant 0 : i32
    return %add3A_0, %c0_i32, %arg1, %c0_i32_1 : i32, i32, i32, i32
  }
}

module attributes {stable_mosaic.version = 14 : i64} {
  func.func @_tc_body(%arg0: i32, %arg1: i32, %arg2: memref<1x96x96x96xf32, #tpu.memory_space<vmem>>, %arg3: memref<1x98x96x98xf32, #tpu.memory_space<vmem>>) attributes {dimension_semantics = [#tpu.dimension_semantics<parallel>, #tpu.dimension_semantics<parallel>], iteration_bounds = array<i64: 40, 1>, scalar_prefetch = 0 : i64, scratch_operands = 0 : i64, tpu.core_type = #tpu.core_type<tc>, window_params = [{transform_indices = @transform_0, window_bounds = array<i64: 1, 96, 96, 96>}, {transform_indices = @transform_1, window_bounds = array<i64: 1, 98, 96, 98>}]} {
    %jit3A = arith.constant 16 : i32
    %eq3A = arith.constant 0 : i32
    %eq3A_0 = arith.cmpi eq, %jit3A, %eq3A : i32
    %jit3A_1 = arith.constant 1 : i32
    %select_n3A = arith.select %eq3A_0, %jit3A_1, %jit3A : i32
    %rem3A = arith.remsi %arg0, %select_n3A : i32
    %ne3A = arith.constant 0 : i32
    %ne3A_2 = arith.cmpi ne, %rem3A, %ne3A : i32
    %lt3A = arith.constant 0 : i32
    %lt3A_3 = arith.cmpi slt, %rem3A, %lt3A : i32
    %lt3A_4 = arith.constant 0 : i32
    %lt3A_5 = arith.cmpi slt, %select_n3A, %lt3A_4 : i32
    %ne3A_6 = arith.xori %lt3A_3, %lt3A_5 : i1
    %and3A = arith.andi %ne3A_6, %ne3A_2 : i1
    %add3A = arith.addi %rem3A, %select_n3A : i32
    %select_n3A_7 = arith.select %and3A, %add3A, %rem3A : i32
    %jit3A_8 = arith.constant 4 : i32
    %div3A = arith.divsi %select_n3A_7, %jit3A_8 : i32
    %sign3A = arith.constant 0 : i32
    %sign3A_9 = arith.cmpi sgt, %select_n3A_7, %sign3A : i32
    %sign3A_10 = arith.extui %sign3A_9 : i1 to i32
    %sign3A_11 = arith.constant 0 : i32
    %sign3A_12 = arith.cmpi slt, %select_n3A_7, %sign3A_11 : i32
    %sign3A_13 = arith.extui %sign3A_12 : i1 to i32
    %sign3A_14 = arith.subi %sign3A_10, %sign3A_13 : i32
    %sign3A_15 = arith.constant 0 : i32
    %sign3A_16 = arith.cmpi sgt, %jit3A_8, %sign3A_15 : i32
    %sign3A_17 = arith.extui %sign3A_16 : i1 to i32
    %sign3A_18 = arith.constant 0 : i32
    %sign3A_19 = arith.cmpi slt, %jit3A_8, %sign3A_18 : i32
    %sign3A_20 = arith.extui %sign3A_19 : i1 to i32
    %sign3A_21 = arith.subi %sign3A_17, %sign3A_20 : i32
    %ne3A_22 = arith.cmpi ne, %sign3A_14, %sign3A_21 : i32
    %rem3A_23 = arith.remsi %select_n3A_7, %jit3A_8 : i32
    %ne3A_24 = arith.constant 0 : i32
    %ne3A_25 = arith.cmpi ne, %rem3A_23, %ne3A_24 : i32
    %and3A_26 = arith.andi %ne3A_22, %ne3A_25 : i1
    %sub3A = arith.constant 1 : i32
    %sub3A_27 = arith.subi %div3A, %sub3A : i32
    %select_n3A_28 = arith.select %and3A_26, %sub3A_27, %div3A : i32
    %jit3A_29 = arith.constant 4 : i32
    %eq3A_30 = arith.constant 0 : i32
    %eq3A_31 = arith.cmpi eq, %jit3A_29, %eq3A_30 : i32
    %jit3A_32 = arith.constant 1 : i32
    %select_n3A_33 = arith.select %eq3A_31, %jit3A_32, %jit3A_29 : i32
    %rem3A_34 = arith.remsi %arg0, %select_n3A_33 : i32
    %ne3A_35 = arith.constant 0 : i32
    %ne3A_36 = arith.cmpi ne, %rem3A_34, %ne3A_35 : i32
    %lt3A_37 = arith.constant 0 : i32
    %lt3A_38 = arith.cmpi slt, %rem3A_34, %lt3A_37 : i32
    %lt3A_39 = arith.constant 0 : i32
    %lt3A_40 = arith.cmpi slt, %select_n3A_33, %lt3A_39 : i32
    %ne3A_41 = arith.xori %lt3A_38, %lt3A_40 : i1
    %and3A_42 = arith.andi %ne3A_41, %ne3A_36 : i1
    %add3A_43 = arith.addi %rem3A_34, %select_n3A_33 : i32
    %select_n3A_44 = arith.select %and3A_42, %add3A_43, %rem3A_34 : i32
    %eq3A_45 = arith.constant 0 : i32
    %eq3A_46 = arith.cmpi eq, %select_n3A_28, %eq3A_45 : i32
    %jit3A_47 = arith.constant 0.000000e+00 : f32
    %jit3A_48 = arith.constant 5.000000e-01 : f32
    %select_n3A_49 = arith.select %eq3A_46, %jit3A_47, %jit3A_48 : f32
    %eq3A_50 = arith.constant 3 : i32
    %eq3A_51 = arith.cmpi eq, %select_n3A_28, %eq3A_50 : i32
    %jit3A_52 = arith.constant 0.000000e+00 : f32
    %jit3A_53 = arith.constant 5.000000e-01 : f32
    %select_n3A_54 = arith.select %eq3A_51, %jit3A_52, %jit3A_53 : f32
    %eq3A_55 = arith.constant 0 : i32
    %eq3A_56 = arith.cmpi eq, %select_n3A_44, %eq3A_55 : i32
    %jit3A_57 = arith.constant 0.000000e+00 : f32
    %jit3A_58 = arith.constant 5.000000e-01 : f32
    %select_n3A_59 = arith.select %eq3A_56, %jit3A_57, %jit3A_58 : f32
    %eq3A_60 = arith.constant 3 : i32
    %eq3A_61 = arith.cmpi eq, %select_n3A_44, %eq3A_60 : i32
    %jit3A_62 = arith.constant 0.000000e+00 : f32
    %jit3A_63 = arith.constant 5.000000e-01 : f32
    %select_n3A_64 = arith.select %eq3A_61, %jit3A_62, %jit3A_63 : f32
    %get3A = arith.constant 0 : index
    %get3A_65 = arith.constant 0 : index
    %get3A_66 = arith.constant 0 : index
    %get3A_67 = arith.constant 0 : index
    %get3A_68 = vector.load %arg2[%get3A, %get3A_65, %get3A_66, %get3A_67] : memref<1x96x96x96xf32, #tpu.memory_space<vmem>>, vector<1x96x96x96xf32>
    %get3A_69 = vector.shape_cast %get3A_68 : vector<1x96x96x96xf32> to vector<96x96x96xf32>
    %slice3A = vector.extract_strided_slice %get3A_69 {offsets = [0, 0, 0], sizes = [96, 96, 1], strides = [1, 1, 1]} : vector<96x96x96xf32> to vector<96x96x1xf32>
    %squeeze3A = vector.shape_cast %slice3A : vector<96x96x1xf32> to vector<96x96xf32>
    %slice3A_70 = vector.extract_strided_slice %get3A_69 {offsets = [0, 0, 1], sizes = [96, 96, 1], strides = [1, 1, 1]} : vector<96x96x96xf32> to vector<96x96x1xf32>
    %squeeze3A_71 = vector.shape_cast %slice3A_70 : vector<96x96x1xf32> to vector<96x96xf32>
    %add3A_72 = arith.addf %squeeze3A, %squeeze3A_71 : vector<96x96xf32>
    %mul3A = vector.broadcast %select_n3A_59 : f32 to vector<96x96xf32>
    %mul3A_73 = arith.mulf %add3A_72, %mul3A : vector<96x96xf32>
    %slice3A_74 = vector.extract_strided_slice %get3A_69 {offsets = [0, 0, 94], sizes = [96, 96, 1], strides = [1, 1, 1]} : vector<96x96x96xf32> to vector<96x96x1xf32>
    %squeeze3A_75 = vector.shape_cast %slice3A_74 : vector<96x96x1xf32> to vector<96x96xf32>
    %slice3A_76 = vector.extract_strided_slice %get3A_69 {offsets = [0, 0, 95], sizes = [96, 96, 1], strides = [1, 1, 1]} : vector<96x96x96xf32> to vector<96x96x1xf32>
    %squeeze3A_77 = vector.shape_cast %slice3A_76 : vector<96x96x1xf32> to vector<96x96xf32>
    %add3A_78 = arith.addf %squeeze3A_75, %squeeze3A_77 : vector<96x96xf32>
    %mul3A_79 = vector.broadcast %select_n3A_64 : f32 to vector<96x96xf32>
    %mul3A_80 = arith.mulf %add3A_78, %mul3A_79 : vector<96x96xf32>
    %broadcast_in_dim3A = vector.shape_cast %mul3A_73 : vector<96x96xf32> to vector<96x96x1xf32>
    %broadcast_in_dim3A_81 = vector.shape_cast %mul3A_80 : vector<96x96xf32> to vector<96x96x1xf32>
    %concatenate3A = tpu.concatenate %broadcast_in_dim3A, %get3A_69, %broadcast_in_dim3A_81 in 2 : vector<96x96x1xf32>, vector<96x96x96xf32>, vector<96x96x1xf32> -> vector<96x96x98xf32>
    %transpose3A = tpu.transpose %concatenate3A, [1, 0, 2] : vector<96x96x98xf32> -> vector<96x96x98xf32>
    %swap3A = arith.constant 0 : index
    %swap3A_82 = arith.constant 1 : index
    %swap3A_83 = arith.constant 0 : index
    %swap3A_84 = arith.constant 0 : index
    %swap3A_85 = vector.load %arg3[%swap3A, %swap3A_82, %swap3A_83, %swap3A_84] : memref<1x98x96x98xf32, #tpu.memory_space<vmem>>, vector<1x96x96x98xf32>
    %swap3A_86 = vector.shape_cast %swap3A_85 : vector<1x96x96x98xf32> to vector<96x96x98xf32>
    %swap3A_87 = vector.shape_cast %transpose3A : vector<96x96x98xf32> to vector<1x96x96x98xf32>
    tpu.vector_store %arg3[%swap3A, %swap3A_82, %swap3A_83, %swap3A_84], %swap3A_87 {strides = array<i32>} : memref<1x98x96x98xf32, #tpu.memory_space<vmem>>, vector<1x96x96x98xf32>,
    %mul3A_88 = arith.constant 2.000000e+00 : f32
    %mul3A_89 = arith.mulf %select_n3A_49, %mul3A_88 : f32
    %mul3A_90 = arith.constant 2.000000e+00 : f32
    %mul3A_91 = arith.mulf %select_n3A_59, %mul3A_90 : f32
    %mul3A_92 = arith.mulf %mul3A_89, %mul3A_91 : f32
    %mul3A_93 = arith.constant 2.000000e+00 : f32
    %mul3A_94 = arith.mulf %select_n3A_49, %mul3A_93 : f32
    %mul3A_95 = arith.constant 2.000000e+00 : f32
    %mul3A_96 = arith.mulf %select_n3A_64, %mul3A_95 : f32
    %mul3A_97 = arith.mulf %mul3A_94, %mul3A_96 : f32
    %mul3A_98 = arith.constant 2.000000e+00 : f32
    %mul3A_99 = arith.mulf %select_n3A_54, %mul3A_98 : f32
    %mul3A_100 = arith.constant 2.000000e+00 : f32
    %mul3A_101 = arith.mulf %select_n3A_59, %mul3A_100 : f32
    %mul3A_102 = arith.mulf %mul3A_99, %mul3A_101 : f32
    %mul3A_103 = arith.constant 2.000000e+00 : f32
    %mul3A_104 = arith.mulf %select_n3A_54, %mul3A_103 : f32
    %mul3A_105 = arith.constant 2.000000e+00 : f32
    %mul3A_106 = arith.mulf %select_n3A_64, %mul3A_105 : f32
    %mul3A_107 = arith.mulf %mul3A_104, %mul3A_106 : f32
    %slice3A_108 = vector.extract_strided_slice %get3A_69 {offsets = [0, 0, 0], sizes = [96, 1, 1], strides = [1, 1, 1]} : vector<96x96x96xf32> to vector<96x1x1xf32>
    %squeeze3A_109 = vector.shape_cast %slice3A_108 : vector<96x1x1xf32> to vector<96xf32>
    %mul3A_110 = vector.broadcast %mul3A_92 : f32 to vector<96xf32>
    %mul3A_111 = arith.mulf %squeeze3A_109, %mul3A_110 : vector<96xf32>
    %broadcast_in_dim3A_112 = vector.shape_cast %mul3A_111 : vector<96xf32> to vector<96x1xf32>
    %slice3A_113 = vector.extract_strided_slice %get3A_69 {offsets = [0, 0, 0], sizes = [96, 1, 96], strides = [1, 1, 1]} : vector<96x96x96xf32> to vector<96x1x96xf32>
    %squeeze3A_114 = vector.shape_cast %slice3A_113 : vector<96x1x96xf32> to vector<96x96xf32>
    %slice3A_115 = vector.extract_strided_slice %get3A_69 {offsets = [0, 1, 0], sizes = [96, 1, 96], strides = [1, 1, 1]} : vector<96x96x96xf32> to vector<96x1x96xf32>
    %squeeze3A_116 = vector.shape_cast %slice3A_115 : vector<96x1x96xf32> to vector<96x96xf32>
    %add3A_117 = arith.addf %squeeze3A_114, %squeeze3A_116 : vector<96x96xf32>
    %mul3A_118 = vector.broadcast %select_n3A_49 : f32 to vector<96x96xf32>
    %mul3A_119 = arith.mulf %add3A_117, %mul3A_118 : vector<96x96xf32>
    %slice3A_120 = vector.extract_strided_slice %get3A_69 {offsets = [0, 0, 95], sizes = [96, 1, 1], strides = [1, 1, 1]} : vector<96x96x96xf32> to vector<96x1x1xf32>
    %squeeze3A_121 = vector.shape_cast %slice3A_120 : vector<96x1x1xf32> to vector<96xf32>
    %mul3A_122 = vector.broadcast %mul3A_97 : f32 to vector<96xf32>
    %mul3A_123 = arith.mulf %squeeze3A_121, %mul3A_122 : vector<96xf32>
    %broadcast_in_dim3A_124 = vector.shape_cast %mul3A_123 : vector<96xf32> to vector<96x1xf32>
    %concatenate3A_125 = tpu.concatenate %broadcast_in_dim3A_112, %mul3A_119, %broadcast_in_dim3A_124 in 1 : vector<96x1xf32>, vector<96x96xf32>, vector<96x1xf32> -> vector<96x98xf32>
    %slice3A_126 = vector.extract_strided_slice %get3A_69 {offsets = [0, 95, 0], sizes = [96, 1, 1], strides = [1, 1, 1]} : vector<96x96x96xf32> to vector<96x1x1xf32>
    %squeeze3A_127 = vector.shape_cast %slice3A_126 : vector<96x1x1xf32> to vector<96xf32>
    %mul3A_128 = vector.broadcast %mul3A_102 : f32 to vector<96xf32>
    %mul3A_129 = arith.mulf %squeeze3A_127, %mul3A_128 : vector<96xf32>
    %broadcast_in_dim3A_130 = vector.shape_cast %mul3A_129 : vector<96xf32> to vector<96x1xf32>
    %slice3A_131 = vector.extract_strided_slice %get3A_69 {offsets = [0, 94, 0], sizes = [96, 1, 96], strides = [1, 1, 1]} : vector<96x96x96xf32> to vector<96x1x96xf32>
    %squeeze3A_132 = vector.shape_cast %slice3A_131 : vector<96x1x96xf32> to vector<96x96xf32>
    %slice3A_133 = vector.extract_strided_slice %get3A_69 {offsets = [0, 95, 0], sizes = [96, 1, 96], strides = [1, 1, 1]} : vector<96x96x96xf32> to vector<96x1x96xf32>
    %squeeze3A_134 = vector.shape_cast %slice3A_133 : vector<96x1x96xf32> to vector<96x96xf32>
    %add3A_135 = arith.addf %squeeze3A_132, %squeeze3A_134 : vector<96x96xf32>
    %mul3A_136 = vector.broadcast %select_n3A_54 : f32 to vector<96x96xf32>
    %mul3A_137 = arith.mulf %add3A_135, %mul3A_136 : vector<96x96xf32>
    %slice3A_138 = vector.extract_strided_slice %get3A_69 {offsets = [0, 95, 95], sizes = [96, 1, 1], strides = [1, 1, 1]} : vector<96x96x96xf32> to vector<96x1x1xf32>
    %squeeze3A_139 = vector.shape_cast %slice3A_138 : vector<96x1x1xf32> to vector<96xf32>
    %mul3A_140 = vector.broadcast %mul3A_107 : f32 to vector<96xf32>
    %mul3A_141 = arith.mulf %squeeze3A_139, %mul3A_140 : vector<96xf32>
    %broadcast_in_dim3A_142 = vector.shape_cast %mul3A_141 : vector<96xf32> to vector<96x1xf32>
    %concatenate3A_143 = tpu.concatenate %broadcast_in_dim3A_130, %mul3A_137, %broadcast_in_dim3A_142 in 1 : vector<96x1xf32>, vector<96x96xf32>, vector<96x1xf32> -> vector<96x98xf32>
    %swap3A_144 = arith.constant 0 : index
    %swap3A_145 = arith.constant 0 : index
    %swap3A_146 = arith.constant 0 : index
    %swap3A_147 = arith.constant 0 : index
    %swap3A_148 = vector.load %arg3[%swap3A_144, %swap3A_145, %swap3A_146, %swap3A_147] : memref<1x98x96x98xf32, #tpu.memory_space<vmem>>, vector<1x1x96x98xf32>
    %swap3A_149 = vector.shape_cast %swap3A_148 : vector<1x1x96x98xf32> to vector<96x98xf32>
    %swap3A_150 = vector.shape_cast %concatenate3A_125 : vector<96x98xf32> to vector<1x1x96x98xf32>
    tpu.vector_store %arg3[%swap3A_144, %swap3A_145, %swap3A_146, %swap3A_147], %swap3A_150 {strides = array<i32>} : memref<1x98x96x98xf32, #tpu.memory_space<vmem>>, vector<1x1x96x98xf32>,
    %swap3A_151 = arith.constant 0 : index
    %swap3A_152 = arith.constant 97 : index
    %swap3A_153 = arith.constant 0 : index
    %swap3A_154 = arith.constant 0 : index
    %swap3A_155 = vector.load %arg3[%swap3A_151, %swap3A_152, %swap3A_153, %swap3A_154] : memref<1x98x96x98xf32, #tpu.memory_space<vmem>>, vector<1x1x96x98xf32>
    %swap3A_156 = vector.shape_cast %swap3A_155 : vector<1x1x96x98xf32> to vector<96x98xf32>
    %swap3A_157 = vector.shape_cast %concatenate3A_143 : vector<96x98xf32> to vector<1x1x96x98xf32>
    tpu.vector_store %arg3[%swap3A_151, %swap3A_152, %swap3A_153, %swap3A_154], %swap3A_157 {strides = array<i32>} : memref<1x98x96x98xf32, #tpu.memory_space<vmem>>, vector<1x1x96x98xf32>,
    return
  }
  func.func @transform_0(%arg0: i32, %arg1: i32) -> (i32, i32, i32, i32) {
    %c0_i32 = arith.constant 0 : i32
    %c0_i32_0 = arith.constant 0 : i32
    %c0_i32_1 = arith.constant 0 : i32
    return %arg0, %arg1, %c0_i32, %c0_i32_0 : i32, i32, i32, i32
  }
  func.func @transform_1(%arg0: i32, %arg1: i32) -> (i32, i32, i32, i32) {
    %c0_i32 = arith.constant 0 : i32
    %c0_i32_0 = arith.constant 0 : i32
    %c0_i32_1 = arith.constant 0 : i32
    return %arg0, %c0_i32, %arg1, %c0_i32_0 : i32, i32, i32, i32
  }
}

</mosaic_0001>

<sc_bundles>
// kernel: kernel.5.cloned.1.call-start
scs
__scs_entry_jumppad:
0x0: {  	(pc) =	sbr.rel $0x88, $3  }
0x1: {  	(tag) =	ssettag $0x0;
	lr =	simm.s32 $0x1  }
0x2: {  	[smem:$0x3FA0] =	sst lr;
	_ =	strace $0xD0000000  }
0x3: {  	_ = 	snop  }
0x4: {  	_ = 	snop  }
0x5: {  	_ = 	snop  }
0x6: {  	_ = 	snop  }
0x7: {  	_ = 	snop  }
__scs_overlays_trampoline_lowered:
0x8: {  	[smem:$0x3FAF] =	sst s0  }
0x9: {  	[smem:$0x3FB0] =	sst s1  }
0xa: {  	[smem:$0x3FB1] =	sst s2  }
0xb: {  	[smem:$0x3FB2] =	sst s3  }
0xc: {  	[smem:$0x3FB3] =	sst s4  }
0xd: {  	[smem:$0x3FB4] =	sst s5  }
0xe: {  	[smem:$0x3FB5] =	sst s6  }
0xf: {  	[smem:$0x3FB6] =	sst s7  }
0x10: {  	[smem:$0x3FB7] =	sst s8  }
0x11: {  	[smem:$0x3FB8] =	sst s9;
	s0 =	simm.s32 @!p0 $0x0  }
0x12: {  	s1 =	sld [smem:$0x3F9E];
	s0 =	simm.s32 @p0 $0x1  }
0x13: {  	[smem:$0x3FB9] =	sst s0;
	s0 =	simm.s32 @!p1 $0x0  }
0x14: {  	s2 =	sld [smem:$0x3F9D];
	s0 =	simm.s32 @p1 $0x1  }
0x15: {  	[smem:$0x3FBA] =	sst s0;
	s0 =	simm.s32 @!p2 $0x0  }
0x16: {  	s3 =	sld [smem:$0x3FDB];
	s0 =	simm.s32 @p2 $0x1  }
0x17: {  	s4 =	simm.s32 $0x1BF5;
	[smem:$0x3FBC] =	sst s0  }
0x18: {  	s0 =	sld [smem:$0x3F9F];
	_ =	swait.ge [sflag:s4], $0x0  }
0x19: {  	s7 =	sld [smem:$0x3FA0]  }
0x1a: {  	s8 =	sadd.s32 $0xFFFFE003, lr  }
0x1b: {  	s9 =	sadd.s32 $0xFFFFFEF7, lr;
	s5 =	simm.s32 $0xFFFFFFFF;
	p2 =	slt.u32 s8, $0xFFFFF086  }
0x1c: {  	p1 =	slt.u32 s9, $0xF7A;
	s5 =	simm.s32 @!p2 $0x0  }
0x1d: {  	s5 =	simm.s32 @p1 $0x1;
	p0 =	seq.s32 s7, s2  }
0x1e: {  	s7 =	smul.u32 @!p0 $0xF7A, s2;
	p2 =	seq.s32 @!p0 s5, $0x0  }
0x1f: {  	s9 =	smul.u32 $0xF7A, s1;
	s8 =	simm.s32 @!p0 $0x1BF5;
	p2 =	por !p2, p0  }
0x20: {  	[sflag:s8] =	ssyncset.s32 @!p0 $0xFFFFF086;
	s6 =	sadd.s32 @!p0 s3, s7;
	s7 =	simm.s32 @!p0 $0x108  }
0x21: {  	s3 =	sadd.s32 s3, s9;
	s6 =	sadd.s32 @!p0 $0x88, s6;
	s7 =	simm.s32 @p2 $0x1082  }
0x22: {  	[simem:s7], [sflag:s8] =	dma.local @!p0 [hbm:s6], $0xF7A  }
0x23: {  	s9 =	sor.u32 $0xD0000000, s2;
	s6 =	simm.s32 $0x108;
	_ =	swait.ge @!p0 [sflag:s8], $0x0  }
0x24: {  	s3 =	sadd.s32 $0x88, s3;
	s6 =	simm.s32 @!p1 $0x1082;
	[sflag:s4] =	ssyncset.s32 $0xFFFFF086  }
0x25: {  	[simem:s6], [sflag:s4] =	dma.local [hbm:s3], $0xF7A  }
0x26: {  	[smem:$0x3FA0] =	sst s1;
	(tag) =	ssettag s2;
	_ =	strace s9  }
0x27: {  	s1 =	sld [smem:$0x3FB0]  }
0x28: {  	s2 =	sld [smem:$0x3FB1]  }
0x29: {  	s4 =	sld [smem:$0x3FB3]  }
0x2a: {  	p0 =	seq.s32 s5, $0x0;
	s5 =	sld [smem:$0x3FB4]  }
0x2b: {  	s6 =	sld [smem:$0x3FB5]  }
0x2c: {  	s7 =	sld [smem:$0x3FB6]  }
0x2d: {  	s3 =	simm.s32 $0x108;
	s8 =	sld [smem:$0x3FB7]  }
0x2e: {  	s3 =	simm.s32 @!p0 $0x1082;
	s9 =	sld [smem:$0x3FB8]  }
0x2f: {  	lr =	sadd.s32 s0, s3;
	s0 =	sld [smem:$0x3FAF]  }
0x30: {  	s3 =	sld [smem:$0x3FB2]  }
0x31: {  	[smem:$0x3FBB] =	sst s10  }
0x32: {  	s10 =	sld [smem:$0x3FB9];
	_ =	sdelay $0x3  }
0x33: {  	p0 =	seq.s32 s10, $0x1;
	s10 =	sld [smem:$0x3FBB];
	_ =	sdelay $0x3  }
0x34: {  	[smem:$0x3FBB] =	sst s10  }
0x35: {  	s10 =	sld [smem:$0x3FBA];
	_ =	sdelay $0x3  }
0x36: {  	p1 =	seq.s32 s10, $0x1;
	s10 =	sld [smem:$0x3FBB];
	_ =	sdelay $0x3  }
0x37: {  	[smem:$0x3FBB] =	sst s10  }
0x38: {  	s10 =	sld [smem:$0x3FBC]  }
0x39: {  	_ = 	snop;
	(pc) =	sbr.ind lr, $3  }
0x3a: {  	_ = 	snop  }
0x3b: {  	_ = 	snop  }
0x3c: {  	p2 =	seq.s32 s10, $0x1;
	s10 =	sld [smem:$0x3FBB]  }
0x3d: {  	_ =	shalt  }
0x3e: {  	_ =	shalt  }
0x3f: {  	_ =	shalt  }
0x40: {  	_ =	shalt  }
0x41: {  	_ =	shalt  }
0x42: {  	_ =	shalt  }
0x43: {  	_ =	shalt  }
0x44: {  	_ =	shalt  }
0x45: {  	_ =	shalt  }
0x46: {  	_ =	shalt  }
0x47: {  	_ =	shalt  }
0x48: {  	_ =	shalt  }
0x49: {  	_ =	shalt  }
0x4a: {  	_ =	shalt  }
0x4b: {  	_ =	shalt  }
0x4c: {  	_ =	shalt  }
0x4d: {  	_ =	shalt  }
0x4e: {  	_ =	shalt  }
0x4f: {  	_ =	shalt  }
0x50: {  	_ =	shalt  }
0x51: {  	_ =	shalt  }
0x52: {  	_ =	shalt  }
0x53: {  	_ =	shalt  }
0x54: {  	_ =	shalt  }
0x55: {  	_ =	shalt  }
0x56: {  	_ =	shalt  }
0x57: {  	_ =	shalt  }
0x58: {  	_ =	shalt  }
0x59: {  	_ =	shalt  }
0x5a: {  	_ =	shalt  }
0x5b: {  	_ =	shalt  }
0x5c: {  	_ =	shalt  }
0x5d: {  	_ =	shalt  }
0x5e: {  	_ =	shalt  }
0x5f: {  	_ =	shalt  }
0x60: {  	_ =	shalt  }
0x61: {  	_ =	shalt  }
0x62: {  	_ =	shalt  }
0x63: {  	_ =	shalt  }
0x64: {  	_ =	shalt  }
0x65: {  	_ =	shalt  }
0x66: {  	_ =	shalt  }
0x67: {  	_ =	shalt  }
0x68: {  	_ =	shalt  }
0x69: {  	_ =	shalt  }
0x6a: {  	_ =	shalt  }
0x6b: {  	_ =	shalt  }
0x6c: {  	_ =	shalt  }
0x6d: {  	_ =	shalt  }
0x6e: {  	_ =	shalt  }
0x6f: {  	_ =	shalt  }
0x70: {  	_ =	shalt  }
0x71: {  	_ =	shalt  }
0x72: {  	_ =	shalt  }
0x73: {  	_ =	shalt  }
0x74: {  	_ =	shalt  }
0x75: {  	_ =	shalt  }
0x76: {  	_ =	shalt  }
0x77: {  	_ =	shalt  }
0x78: {  	_ =	shalt  }
0x79: {  	_ =	shalt  }
0x7a: {  	_ =	shalt  }
0x7b: {  	_ =	shalt  }
0x7c: {  	_ =	shalt  }
0x7d: {  	_ =	shalt  }
0x7e: {  	_ =	shalt  }
0x7f: {  	_ =	shalt  }
0x80: {  	_ =	shalt  }
0x81: {  	_ =	shalt  }
0x82: {  	_ =	shalt  }
0x83: {  	_ =	shalt  }
0x84: {  	_ =	shalt  }
0x85: {  	_ =	shalt  }
0x86: {  	_ =	shalt  }
0x87: {  	_ =	shalt  }
.Lfunc_end0:
.L_simem_size_0:
called_computation_lowered:
.L_overlay_start_0:
0x88: {  	s2 =	sld [smem:$0x3FD9]  }
0x89: {  	s3 =	sld [smem:$0x3FFE];
	_ =	sdelay $0x1  }
0x8a: {  	s1 =	srdreg.scid  }
0x8b: {  	s0 =	sand.u32 $0x1, s1  }
0x8c: {  	s17 =	sshll.u32 s0, $0xA;
	s2 =	sadd.s32 s3, s2  }
0x8d: {  	s2 =	sadd.s32 s2, s17  }
0x8e: {  	[smem:$0x3FC7] =	sst s2  }
0x8f: {  	_ = 	snop  }
0x90: {  	s2 =	sld [smem:$0x3FC9];
	(tm) =	ssettm $0x1  }
0x91: {  	s18 =	sld [smem:$0x3FFB];
	_ =	sdelay $0x3  }
0x92: {  	_ =	strace s18  }
0x93: {  	s3 =	sld [smem:$0x3FFC];
	_ =	sdelay $0x3  }
0x94: {  	_ =	strace s3  }
0x95: {  	s3 =	sld [smem:$0x3FFD];
	_ =	sdelay $0x3  }
0x96: {  	_ =	strace s3  }
0x97: {  	_ =	strace $0x8FFFFFFF  }
0x98: {  	s19 =	sld [smem:$0x3FDB];
	_ =	sdelay $0x1  }
0x99: {  	s4 =	simm.s32 $_scs_section_size  }
0x9a: {  	s5 =	simm.s32 $_size__tile_overlayer_lowered;
	s6 =	simm.s32 $_tile_overlayer_lowered  }
0x9b: {  	s22 =	simm.s32 $0x1BFF;
	s21 =	sshll.u32 s6, $0x1;
	s3 =	sadd.s32 s4, s19  }
0x9c: {  	s7 =	simm.s32 $0x0;
	s20 =	sshll.u32 s5, $0x1;
	s5 =	sadd.s32 s21, s3  }
0x9d: {  	[timem:s7], [sflag:s22] =	dma.local [hbm:s5], s20  }
0x9e: {  	_ =	swait.ge [sflag:s22], s20  }
0x9f: {  	s4 =	ssub.s32 $0x0, s20;
	[sflag:s22] =	ssyncset.done $0x0  }
0xa0: {  	[sflag:s22] =	ssyncadd.s32 s4;
	_ =	sdelay $0x1  }
0xa1: {  	s23 =	simm.s32 $0x1B8B  }
0xa2: {  	_ =	swait.ge [sflag:s23], $0x1  }
0xa3: {  	[sflag:s23] =	ssyncset.done $0x0  }
0xa4: {  	s25 =	simm.s32 $0x1B8E;
	s24 =	sld [smem:$0x3FFE];
	[sflag:s23] =	ssyncadd.s32 $0xFFFFFFFF  }
0xa5: {  	s26 =	simm.s32 $execute0_lowered;
	[smem:$0x3FD2] =	sst s25  }
0xa6: {  	s5 =	sshll.u32 s26, $0x1;
	_ =	strace $0x80000046;
	[dreg:$0x1] =	wrdreg $0xFFFFFFFF  }
0xa7: {  	s28 =	simm.s32 $_size_execute0_lowered;
	s3 =	sadd.s32 s3, s5;
	[dreg:$0x0] =	wrdreg $0x0  }
0xa8: {  	s5 =	sshll.u32 s28, $0x1;
	[dreg:$0x2] =	wrdreg s3  }
0xa9: {  	[dreg:$0x3] =	wrdreg s5  }
0xaa: {  	[dreg:$0x4] =	wrdreg $0xC0  }
0xab: {  	_ =	task [dreg:s7], $0x5FFFF  }
0xac: {  	[dreg:$0x1] =	wrdreg $0xFFFFFFFF  }
0xad: {  	[dreg:$0x0] =	wrdreg $0x60  }
0xae: {  	[dreg:$0x2] =	wrdreg s2  }
0xaf: {  	[dreg:$0x3] =	wrdreg s24  }
0xb0: {  	[dreg:$0x4] =	wrdreg $0x9  }
0xb1: {  	_ =	task.clear_ibuf [dreg:s7], $0x5FFFF;
	_ =	strace $0x90000046  }
0xb2: {  	s29 =	simm.s32 $0x9;
	_ =	strace $0x80000048  }
0xb3: {  	_ =	swait.ge [sflag:s29], $0x1  }
0xb4: {  	[sflag:s29] =	ssyncadd.s32 $0xFFFFFFFF  }
0xb5: {  	_ =	strace $0x90000048  }
0xb6: {  	_ =	sfence  }
0xb7: {  	s30 =	sld [smem:$0x0];
	_ =	sdelay $0x2  }
0xb8: {  	s31 =	sshll.u32 s1, $0xD;
	s1 =	sshrl.u32 s1, $0x2  }
0xb9: {  	s3 =	sand.u32 $0x4000, s31;
	s1 =	sadd.s32 s1, s30  }
0xba: {  	s0 =	sor.u32 s3, s0;
	s1 =	sshll.u32 s1, $0x11  }
0xbb: {  	s0 =	sor.u32 s1, s0  }
0xbc: {  	s0 =	sadd.s32 $0x8F2B, s0  }
0xbd: {  	[sflag:s0] =	ssyncadd.remote.s32 $0x1  }
0xbe: {  	_ =	sfence.sel $0xFFFF  }
0xbf: {  	[dreg:$0x0] =	wrdreg $0xFFFFFFFF;
	(pc) =	sbr.abs _section_cstart, $3  }
0xc0: {  	[dreg:$0x1] =	wrdreg $0xFFFFFFFF  }
0xc1: {  	_ =	task.clear_ibuf [dreg:s7], $0x2FFFF;
	_ =	strace $0x9FFFFFFF  }
0xc2: {  	(tm) =	ssettm $0x7FFFFFFF  }
0xc3: {  	_ =	shalt  }
tec
execute0_lowered:
.L_overlay_start_1:
0x0: {  	(tag) =	ssettag $0x1  }
0x1: {  	v0 =	vlaneseq.u32;
	v63 =	vimm.s32 $0x5F00;
	v13 =	vimm.s32 $0x6100  }
0x2: {  	vm0 =	vcmask $0x700;
	vm1 =	vcmask $0xB08;
	vm10 =	vcmask $0x1310  }
0x3: {  	vm11 =	vcmask $0x1B18;
	vm12 =	vcmask $0x2320;
	vm13 =	vcmask $0x2B28  }
0x4: {  	vm14 =	vcmask $0x3330;
	vm15 =	vcmask $0x3B38;
	v1 =	vadd.s32 $0x81, v0  }
0x5: {  	v2 =	vor.u32 $0x10, v0;
	v3 =	vadd.s32 $0x91, v0;
	v4 =	vor.u32 $0x20, v0  }
0x6: {  	v5 =	vadd.s32 $0xA1, v0;
	v6 =	vor.u32 $0x30, v0;
	v7 =	vadd.s32 $0xB1, v0  }
0x7: {  	v8 =	vor.u32 $0x40, v0;
	v9 =	vadd.s32 $0xC1, v0;
	v12 =	vor.u32 $0x2F80, v0  }
0x8: {  	v10 =	vor.u32 $0x50, v0;
	v11 =	vadd.s32 $0xD1, v0;
	v43 =	vadd.s32 $0x3081, v0;
	[tilespmem:$0x1FEB0] =	vst v12  }
0x9: {  	v30 =	vor.u32 $0x80, v0;
	v31 =	vadd.s32 $0x1, v0;
	v44 =	vor.u32 $0x90, v0;
	[tilespmem:$0x1FEC0] =	vst v43  }
0xa: {  	v32 =	vor.u32 $0x2F00, v0;
	v45 =	vadd.s32 $0x11, v0;
	v46 =	vor.u32 $0x2F10, v0;
	[tilespmem:$0x1FED0] =	vst v44  }
0xb: {  	v47 =	vor.u32 $0x2F90, v0;
	v48 =	vadd.s32 $0x3091, v0;
	v49 =	vor.u32 $0xA0, v0;
	[tilespmem:$0x1FEE0] =	vst v45  }
0xc: {  	v50 =	vadd.s32 $0x21, v0;
	v51 =	vor.u32 $0x2F20, v0;
	v52 =	vor.u32 $0x2FA0, v0;
	[tilespmem:$0x1FEF0] =	vst v46  }
0xd: {  	s1 =	srdreg.scid;
	s0 =	stileid.u32;
	v53 =	vadd.s32 $0x30A1, v0;
	v54 =	vor.u32 $0xB0, v0;
	v55 =	vadd.s32 $0x31, v0;
	[tilespmem:$0x1FF00] =	vst v47  }
0xe: {  	v56 =	vor.u32 $0x2F30, v0;
	s5 =	sand.u32 $0x1, s1;
	s29 =	sshll.u32 s0, $0x1;
	v57 =	vor.u32 $0x2FB0, v0;
	v58 =	vadd.s32 $0x30B1, v0;
	[tilespmem:$0x1FF10] =	vst v48  }
0xf: {  	v59 =	vor.u32 $0xC0, v0;
	v60 =	vadd.s32 $0x41, v0;
	v61 =	vor.u32 $0x2F40, v0;
	[tilespmem:$0x1FF20] =	vst v49;
	s1 =	sor.u32 s5, s29  }
0x10: {  	v62 =	vor.u32 $0x2FC0, v0;
	v36 =	vadd.s32 $0x30C1, v0;
	v37 =	vor.u32 $0xD0, v0;
	[tilespmem:$0x1FF30] =	vst v50;
	s7 =	smul.u32 $0x48, s1  }
0x11: {  	v38 =	vmul.u32 $0x80, v0;
	v39 =	vadd.s32 $0x51, v0;
	v40 =	vor.u32 $0x2F50, v0;
	[tilespmem:$0x1FF40] =	vst v51  }
0x12: {  	v41 =	vor.u32 $0x2FD0, v0;
	v42 =	vadd.s32 $0x30D1, v0;
	v13 =	vunpack.c.0.s8.s32 v13;
	[tilespmem:$0x1FF50] =	vst v52;
	s1 =	sadd.s32 $0xF00, s7  }
0x13: {  	[tilespmem:$0x1FF60] =	vst v53;
	v12 =	vunpack.c.0.s8.s32 v63;
	v43 =	vor.u32 $0x1, v38;
	v44 =	vadd.s32 $0x80, v38;
	s2 =	smul.u32 $0xAAB, s1  }
0x14: {  	[tilespmem:$0x1FF70] =	vst v54;
	v45 =	vor.u32 $0x5E, v38;
	v46 =	vor.u32 $0x5F, v38;
	v47 =	vadd.s32 $0xE1, v38  }
0x15: {  	s6 =	rddreg [dreg:$0x1];
	[tilespmem:$0x1FF80] =	vst v55;
	v48 =	vor.u32 $0x800, v38;
	v49 =	vor.u32 $0x801, v38;
	v50 =	vadd.s32 $0x880, v38;
	s3 =	sshrl.u32 s2, $0x12  }
0x16: {  	s11 =	simm.s32 $0x6000;
	s12 =	simm.s32 $0x2;
	[tilespmem:$0x1FF90] =	vst v56;
	v51 =	vor.u32 $0x85E, v38;
	v52 =	vor.u32 $0x85F, v38;
	v53 =	vadd.s32 $0x8E1, v38;
	s4 =	smul.u32 $0x60, s3  }
0x17: {  	s13 =	simm.s32 $0x9400;
	s14 =	simm.s32 $0x3;
	s15 =	simm.s32 $0x4;
	[tilespmem:$0x1FFA0] =	vst v57;
	v54 =	vor.u32 $0x1000, v38;
	v13 =	vnsel vm0, $0x30E1, v13;
	v12 =	vnsel vm0, $0x2FDF, v12  }
0x18: {  	s16 =	simm.s32 $0x0;
	[tilespmem:$0x1FFB0] =	vst v58;
	s10 =	ssub.s32 $0x2, s5;
	v55 =	vor.u32 $0x1001, v38;
	v13 =	vsel vm1, $0x3080, v13;
	v12 =	vsel vm1, $0x2F80, v12;
	s4 =	ssub.s32 s1, s4  }
0x19: {  	[tilespmem:$0x1FFC0] =	vst v59;
	v56 =	vadd.s32 $0x1080, v38;
	s30 =	sshrl.u32 s10, $0x1;
	v13 =	vsel vm10, $0x3080, v13;
	v12 =	vsel vm10, $0x2F80, v12;
	s8 =	smul.u32 $0x120000, s3;
	s9 =	sand.u32 $0xFFF8, s4  }
0x1a: {  	[tilespmem:$0x1FFD0] =	vst v60;
	s5 =	sadd.s32 $0x400, s6;
	v57 =	vor.u32 $0x105E, v38;
	s31 =	ssub.s32 s10, s30;
	v13 =	vsel vm11, $0x3080, v13;
	v12 =	vsel vm11, $0x2F80, v12;
	s9 =	smul.u32 $0x3000, s9  }
0x1b: {  	[tilespmem:$0x1FFE0] =	vst v61;
	v58 =	vor.u32 $0x105F, v38;
	s10 =	simm.s32 $0x1;
	v13 =	vsel vm12, $0x3080, v13;
	s2 =	rddreg [dreg:$0x0];
	v12 =	vsel vm12, $0x2F80, v12;
	s4 =	simm.s32 $0x0  }
0x1c: {  	[tilespmem:$0x1FFF0] =	vst v62;
	v59 =	vadd.s32 $0x10E1, v38;
	s7 =	sadd.s32 $0xF02, s7;
	v13 =	vsel vm13, $0x3080, v13;
	v12 =	vsel vm13, $0x2F80, v12;
	[smem:$0x7FF] =	sst s4;
	s8 =	sadd.s32 s9, s8  }
0x1d: {  	v60 =	vor.u32 $0x1800, v38;
	s3 =	rddreg [dreg:$0x2];
	v13 =	vsel vm14, $0x3080, v13;
	v12 =	vsel vm14, $0x2F80, v12;
	_ =	strace $0x80000047;
	s8 =	sshrl.u32 s8, $0x3  }
0x1e: {  	v61 =	vor.u32 $0x1801, v38;
	v63 =	vsel vm15, $0x3080, v13;
	v62 =	vsel vm15, $0x2F80, v12;
	s9 =	simm.s32 $0x3000;
	s6 =	sadd.s32 s2, s8;
	s8 =	smax.u32 s31, $0x1  }
.LBB2_1:
0x1f: {  	[tilespmem:s4], [sflag:$0x1] =	stream.linear.gather [hbm4b:s6+s4], $0x3000, $0x38;
	[tilespmem:$0xC800] =	vst v63  }
0x20: {  	s17 =	simm.s32 $0x0  }
.LBB2_2:
0x21: {  	s20 =	sshll.u32 s17, $0x1  }
0x22: {  	s18 =	sadd.s32 s20, s1  }
0x23: {  	s19 =	sadd.s32 $0x1, s18  }
0x24: {  	s18 =	smulhi.u32 $0x2AAAAAAB, s19;
	_ =	sdelay $0x1  }
0x25: {  	s18 =	sshrl.u32 s18, $0x4  }
0x26: {  	s21 =	smul.u32 $0x60, s18;
	_ =	sdelay $0x1  }
0x27: {  	s22 =	smul.u32 $0x120000, s18;
	s19 =	ssub.s32 s19, s21  }
0x28: {  	s21 =	smul.u32 $0x3000, s19;
	_ =	sdelay $0x1  }
0x29: {  	s21 =	sadd.s32 s21, s22  }
0x2a: {  	s30 =	simm.s32 $0x0;
	s21 =	sshrl.u32 s21, $0x3  }
0x2b: {  	p0 =	seq.s32 s17, $0x0;
	v12 =	vmov s30;
	s21 =	sadd.s32 s2, s21  }
0x2c: {  	v12 =	vshll.u32 v12, $0x7;
	[tilespmem:s9], [sflag:$0x2] =	stream.linear.gather [hbm4b:s21+s4], $0x3000, $0x38;
	[tilespmem:$0xC800] =	vst v63  }
0x2d: {  	v13 =	vbroadcast v12, $0x0;
	s21 =	simm.s32 @!p0 $0x3  }
0x2e: {  	_ =	swait.ge @!p0 [sflag:s21], $0x3100  }
0x2f: {  	v12 =	vor.u32 v0, v13;
	[sflag:s21] =	ssyncset.done @!p0 $0x0  }
0x30: {  	[sflag:s21] =	ssyncadd.s32 @!p0 $0xFFFFCF00  }
0x31: {  	_ =	swait.ge [sflag:s10], $0x3000  }
0x32: {  	[sflag:s10] =	ssyncset.done $0x0  }
0x33: {  	[sflag:s10] =	ssyncadd.s32 $0xFFFFD000  }
0x34: {  	v14 =	vor.u32 v1, v13;
	v12 =	vld.idx.msk [tilespmem:v12+s4+$0x0], $0xffff  }
0x35: {  	v15 =	vor.u32 v2, v13;
	_ =	sdelay $0x3  }
0x36: {  	[tilespmem:v14+s11+$0x0] =	vst.idx.msk $0xffff, v12  }
0x37: {  	v14 =	vor.u32 v3, v13;
	v12 =	vld.idx.msk [tilespmem:v15+s4+$0x0], $0xffff  }
0x38: {  	v15 =	vor.u32 v4, v13;
	_ =	sdelay $0x3  }
0x39: {  	[tilespmem:v14+s11+$0x0] =	vst.idx.msk $0xffff, v12  }
0x3a: {  	v14 =	vor.u32 v5, v13;
	v12 =	vld.idx.msk [tilespmem:v15+s4+$0x0], $0xffff  }
0x3b: {  	v15 =	vor.u32 v6, v13;
	_ =	sdelay $0x3  }
0x3c: {  	[tilespmem:v14+s11+$0x0] =	vst.idx.msk $0xffff, v12  }
0x3d: {  	v14 =	vor.u32 v7, v13;
	v12 =	vld.idx.msk [tilespmem:v15+s4+$0x0], $0xffff  }
0x3e: {  	v15 =	vor.u32 v8, v13;
	_ =	sdelay $0x3  }
0x3f: {  	[tilespmem:v14+s11+$0x0] =	vst.idx.msk $0xffff, v12  }
0x40: {  	v14 =	vor.u32 v9, v13;
	v12 =	vld.idx.msk [tilespmem:v15+s4+$0x0], $0xffff  }
0x41: {  	v15 =	vor.u32 v10, v13  }
0x42: {  	s31 =	simm.s32 $0x1  }
0x43: {  	v16 =	vmov s31  }
0x44: {  	v16 =	vshll.u32 v16, $0x7  }
0x45: {  	[tilespmem:v14+s11+$0x0] =	vst.idx.msk $0xffff, v12;
	v12 =	vbroadcast v16, $0x0  }
0x46: {  	v13 =	vor.u32 v11, v13;
	v14 =	vld.idx.msk [tilespmem:v15+s4+$0x0], $0xffff  }
0x47: {  	v15 =	vor.u32 v0, v12;
	_ =	sdelay $0x3  }
0x48: {  	[tilespmem:v13+s11+$0x0] =	vst.idx.msk $0xffff, v14  }
0x49: {  	v14 =	vadd.s32 v1, v12;
	v13 =	vld.idx.msk [tilespmem:v15+s4+$0x0], $0xffff  }
0x4a: {  	v15 =	vor.u32 v2, v12;
	_ =	sdelay $0x3  }
0x4b: {  	[tilespmem:v14+s11+$0x0] =	vst.idx.msk $0xffff, v13  }
0x4c: {  	v14 =	vadd.s32 v3, v12;
	v13 =	vld.idx.msk [tilespmem:v15+s4+$0x0], $0xffff  }
0x4d: {  	v15 =	vor.u32 v4, v12;
	_ =	sdelay $0x3  }
0x4e: {  	[tilespmem:v14+s11+$0x0] =	vst.idx.msk $0xffff, v13  }
0x4f: {  	v14 =	vadd.s32 v5, v12;
	v13 =	vld.idx.msk [tilespmem:v15+s4+$0x0], $0xffff  }
0x50: {  	v15 =	vor.u32 v6, v12;
	_ =	sdelay $0x3  }
0x51: {  	[tilespmem:v14+s11+$0x0] =	vst.idx.msk $0xffff, v13  }
0x52: {  	v14 =	vadd.s32 v7, v12;
	v13 =	vld.idx.msk [tilespmem:v15+s4+$0x0], $0xffff  }
0x53: {  	v15 =	vor.u32 v8, v12;
	_ =	sdelay $0x3  }
0x54: {  	[tilespmem:v14+s11+$0x0] =	vst.idx.msk $0xffff, v13  }
0x55: {  	v13 =	vld.idx.msk [tilespmem:v15+s4+$0x0], $0xffff;
	v15 =	vadd.s32 v9, v12  }
0x56: {  	v14 =	vor.u32 v10, v12;
	_ =	sdelay $0x1  }
0x57: {  	s21 =	simm.s32 $0x2  }
0x58: {  	s22 =	simm.s32 $0x4;
	v16 =	vmov s21  }
.LBB2_3:
0x59: {  	p0 =	slt.u32 s22, $0x5E;
	v16 =	vshll.u32 v16, $0x7;
	[tilespmem:v15+s11+$0x0] =	vst.idx.msk $0xffff, v13  }
0x5a: {  	v13 =	vbroadcast v16, $0x0;
	v14 =	vld.idx.msk [tilespmem:v14+s4+$0x0], $0xffff  }
0x5b: {  	v12 =	vadd.s32 v11, v12  }
0x5c: {  	v15 =	vor.u32 v0, v13;
	_ =	sdelay $0x3  }
0x5d: {  	[tilespmem:v12+s11+$0x0] =	vst.idx.msk $0xffff, v14  }
0x5e: {  	v12 =	vld.idx.msk [tilespmem:v15+s4+$0x0], $0xffff  }
0x5f: {  	v14 =	vor.u32 v1, v13  }
0x60: {  	v15 =	vor.u32 v2, v13;
	_ =	sdelay $0x3  }
0x61: {  	[tilespmem:v14+s11+$0x0] =	vst.idx.msk $0xffff, v12  }
0x62: {  	v12 =	vld.idx.msk [tilespmem:v15+s4+$0x0], $0xffff  }
0x63: {  	v14 =	vor.u32 v3, v13  }
0x64: {  	v15 =	vor.u32 v4, v13;
	_ =	sdelay $0x3  }
0x65: {  	[tilespmem:v14+s11+$0x0] =	vst.idx.msk $0xffff, v12  }
0x66: {  	v12 =	vld.idx.msk [tilespmem:v15+s4+$0x0], $0xffff  }
0x67: {  	v14 =	vor.u32 v5, v13  }
0x68: {  	v15 =	vor.u32 v6, v13;
	_ =	sdelay $0x3  }
0x69: {  	[tilespmem:v14+s11+$0x0] =	vst.idx.msk $0xffff, v12  }
0x6a: {  	v12 =	vld.idx.msk [tilespmem:v15+s4+$0x0], $0xffff  }
0x6b: {  	v14 =	vor.u32 v7, v13  }
0x6c: {  	v15 =	vor.u32 v8, v13;
	_ =	sdelay $0x3  }
0x6d: {  	[tilespmem:v14+s11+$0x0] =	vst.idx.msk $0xffff, v12  }
0x6e: {  	v12 =	vld.idx.msk [tilespmem:v15+s4+$0x0], $0xffff  }
0x6f: {  	v14 =	vor.u32 v9, v13  }
0x70: {  	v15 =	vor.u32 v10, v13;
	_ =	sdelay $0x1  }
0x71: {  	s23 =	sadd.s32 $0x1, s21;
	s21 =	smov.u32 s22  }
0x72: {  	v16 =	vmov s23  }
0x73: {  	[tilespmem:v14+s11+$0x0] =	vst.idx.msk $0xffff, v12;
	v12 =	vshll.u32 v16, $0x7  }
0x74: {  	v14 =	vld.idx.msk [tilespmem:v15+s4+$0x0], $0xffff;
	v12 =	vbroadcast v12, $0x0  }
0x75: {  	v13 =	vor.u32 v11, v13  }
0x76: {  	v15 =	vor.u32 v0, v12;
	_ =	sdelay $0x3  }
0x77: {  	[tilespmem:v13+s11+$0x0] =	vst.idx.msk $0xffff, v14  }
0x78: {  	v13 =	vld.idx.msk [tilespmem:v15+s4+$0x0], $0xffff  }
0x79: {  	v14 =	vadd.s32 v1, v12  }
0x7a: {  	v15 =	vor.u32 v2, v12;
	_ =	sdelay $0x3  }
0x7b: {  	[tilespmem:v14+s11+$0x0] =	vst.idx.msk $0xffff, v13  }
0x7c: {  	v13 =	vld.idx.msk [tilespmem:v15+s4+$0x0], $0xffff  }
0x7d: {  	v14 =	vadd.s32 v3, v12  }
0x7e: {  	v15 =	vor.u32 v4, v12;
	_ =	sdelay $0x3  }
0x7f: {  	[tilespmem:v14+s11+$0x0] =	vst.idx.msk $0xffff, v13  }
0x80: {  	v13 =	vld.idx.msk [tilespmem:v15+s4+$0x0], $0xffff  }
0x81: {  	v14 =	vadd.s32 v5, v12  }
0x82: {  	v15 =	vor.u32 v6, v12;
	_ =	sdelay $0x3  }
0x83: {  	[tilespmem:v14+s11+$0x0] =	vst.idx.msk $0xffff, v13  }
0x84: {  	v13 =	vld.idx.msk [tilespmem:v15+s4+$0x0], $0xffff  }
0x85: {  	v14 =	vadd.s32 v7, v12  }
0x86: {  	v15 =	vor.u32 v8, v12;
	_ =	sdelay $0x3  }
0x87: {  	[tilespmem:v14+s11+$0x0] =	vst.idx.msk $0xffff, v13  }
0x88: {  	v13 =	vld.idx.msk [tilespmem:v15+s4+$0x0], $0xffff  }
.Ltmp0:
0x89: {  	v15 =	vadd.s32 v9, v12;
	(pc) =	sbr.rel @p0 .LBB2_3-.Ltmp0, $2  }
0x8a: {  	v14 =	vor.u32 v10, v12;
	_ =	sdelay $0x2  }
0x8b: {  	s22 =	sadd.s32 $0x2, s22;
	v16 =	vmov s21  }
0x8c: {  	_ =	sdelay $0x2  }
0x8d: {  	v16 =	vshll.u32 v16, $0x7  }
0x8e: {  	[tilespmem:v15+s11+$0x0] =	vst.idx.msk $0xffff, v13;
	v13 =	vbroadcast v16, $0x0  }
0x8f: {  	v12 =	vadd.s32 v11, v12;
	v14 =	vld.idx.msk [tilespmem:v14+s4+$0x0], $0xffff  }
0x90: {  	v15 =	vor.u32 v0, v13;
	_ =	sdelay $0x3  }
0x91: {  	[tilespmem:v12+s11+$0x0] =	vst.idx.msk $0xffff, v14  }
0x92: {  	v14 =	vor.u32 v1, v13;
	v12 =	vld.idx.msk [tilespmem:v15+s4+$0x0], $0xffff  }
0x93: {  	v15 =	vor.u32 v2, v13;
	_ =	sdelay $0x3  }
0x94: {  	[tilespmem:v14+s11+$0x0] =	vst.idx.msk $0xffff, v12  }
0x95: {  	v14 =	vor.u32 v3, v13;
	v12 =	vld.idx.msk [tilespmem:v15+s4+$0x0], $0xffff  }
0x96: {  	v15 =	vor.u32 v4, v13;
	_ =	sdelay $0x3  }
0x97: {  	[tilespmem:v14+s11+$0x0] =	vst.idx.msk $0xffff, v12  }
0x98: {  	v14 =	vor.u32 v5, v13;
	v12 =	vld.idx.msk [tilespmem:v15+s4+$0x0], $0xffff  }
0x99: {  	v15 =	vor.u32 v6, v13;
	_ =	sdelay $0x3  }
0x9a: {  	[tilespmem:v14+s11+$0x0] =	vst.idx.msk $0xffff, v12  }
0x9b: {  	v14 =	vor.u32 v7, v13;
	v12 =	vld.idx.msk [tilespmem:v15+s4+$0x0], $0xffff  }
0x9c: {  	v15 =	vor.u32 v8, v13;
	_ =	sdelay $0x3  }
0x9d: {  	[tilespmem:v14+s11+$0x0] =	vst.idx.msk $0xffff, v12  }
0x9e: {  	v14 =	vor.u32 v9, v13;
	v12 =	vld.idx.msk [tilespmem:v15+s4+$0x0], $0xffff  }
0x9f: {  	v15 =	vor.u32 v10, v13  }
0xa0: {  	s21 =	sadd.s32 $0x1, s21  }
0xa1: {  	v16 =	vmov s21  }
0xa2: {  	v16 =	vshll.u32 v16, $0x7  }
0xa3: {  	[tilespmem:v14+s11+$0x0] =	vst.idx.msk $0xffff, v12;
	v12 =	vbroadcast v16, $0x0  }
0xa4: {  	v13 =	vor.u32 v11, v13;
	v14 =	vld.idx.msk [tilespmem:v15+s4+$0x0], $0xffff  }
0xa5: {  	v15 =	vor.u32 v0, v12;
	_ =	sdelay $0x3  }
0xa6: {  	[tilespmem:v13+s11+$0x0] =	vst.idx.msk $0xffff, v14  }
0xa7: {  	v14 =	vadd.s32 v1, v12;
	v13 =	vld.idx.msk [tilespmem:v15+s4+$0x0], $0xffff  }
0xa8: {  	v15 =	vor.u32 v2, v12;
	_ =	sdelay $0x3  }
0xa9: {  	[tilespmem:v14+s11+$0x0] =	vst.idx.msk $0xffff, v13  }
0xaa: {  	v14 =	vadd.s32 v3, v12;
	v13 =	vld.idx.msk [tilespmem:v15+s4+$0x0], $0xffff  }
0xab: {  	v15 =	vor.u32 v4, v12;
	_ =	sdelay $0x3  }
0xac: {  	[tilespmem:v14+s11+$0x0] =	vst.idx.msk $0xffff, v13  }
0xad: {  	v14 =	vadd.s32 v5, v12;
	v13 =	vld.idx.msk [tilespmem:v15+s4+$0x0], $0xffff  }
0xae: {  	v15 =	vor.u32 v6, v12;
	_ =	sdelay $0x3  }
0xaf: {  	[tilespmem:v14+s11+$0x0] =	vst.idx.msk $0xffff, v13  }
0xb0: {  	v14 =	vadd.s32 v7, v12;
	v13 =	vld.idx.msk [tilespmem:v15+s4+$0x0], $0xffff  }
0xb1: {  	v15 =	vor.u32 v8, v12;
	_ =	sdelay $0x3  }
0xb2: {  	[tilespmem:v14+s11+$0x0] =	vst.idx.msk $0xffff, v13  }
0xb3: {  	v14 =	vadd.s32 v9, v12;
	v13 =	vld.idx.msk [tilespmem:v15+s4+$0x0], $0xffff  }
0xb4: {  	v15 =	vor.u32 v10, v12;
	_ =	sdelay $0x3  }
0xb5: {  	[tilespmem:v14+s11+$0x0] =	vst.idx.msk $0xffff, v13  }
0xb6: {  	v12 =	vadd.s32 v11, v12;
	v13 =	vld.idx.msk [tilespmem:v15+s4+$0x0], $0xffff;
	_ =	sdelay $0x4  }
0xb7: {  	[tilespmem:v12+s11+$0x0] =	vst.idx.msk $0xffff, v13  }
0xb8: {  	v12 =	vld.idx.msk [tilespmem:v0+s4+$0x0], $0xffff  }
0xb9: {  	v13 =	vld.idx.msk [tilespmem:v30+s4+$0x0], $0xffff;
	_ =	sdelay $0x1  }
0xba: {  	s31 =	sadd.s32 s1, s20  }
0xbb: {  	s24 =	smulhi.u32 $0x2AAAAAAB, s31;
	_ =	sdelay $0x1  }
0xbc: {  	s22 =	sshrl.u32 s24, $0x6;
	v12 =	vadd.f32 v13, v12;
	v13 =	vld [tilespmem:$0x1FEB0]  }
0xbd: {  	s23 =	sand.u32 $0x3, s22  }
0xbe: {  	s22 =	simm.f32 $0.0e+00;
	p0 =	seq.s32 s23, $0x0  }
0xbf: {  	s22 =	simm.s32 @!p0 $0x3F000000  }
0xc0: {  	v12 =	vmul.f32 s22, v12;
	_ =	sdelay $0x1  }
0xc1: {  	[tilespmem:v31+s11+$0x0] =	vst.idx.msk $0xffff, v12  }
0xc2: {  	v12 =	vld.idx.msk [tilespmem:v32+s4+$0x0], $0xffff  }
0xc3: {  	v13 =	vld.idx.msk [tilespmem:v13+s4+$0x0], $0xffff;
	_ =	sdelay $0x4  }
0xc4: {  	v12 =	vadd.f32 v13, v12;
	v13 =	vld [tilespmem:$0x1FEC0];
	_ =	sdelay $0x3  }
0xc5: {  	p0 =	seq.s32 s23, $0x3;
	s23 =	simm.f32 $0.0e+00  }
0xc6: {  	s23 =	simm.s32 @!p0 $0x3F000000  }
0xc7: {  	v12 =	vmul.f32 s23, v12;
	_ =	sdelay $0x1  }
0xc8: {  	[tilespmem:v13+s11+$0x0] =	vst.idx.msk $0xffff, v12;
	v13 =	vld [tilespmem:$0x1FED0];
	_ =	sdelay $0x6  }
0xc9: {  	v12 =	vld.idx.msk [tilespmem:v2+s4+$0x0], $0xffff  }
0xca: {  	v13 =	vld.idx.msk [tilespmem:v13+s4+$0x0], $0xffff;
	_ =	sdelay $0x4  }
0xcb: {  	v12 =	vadd.f32 v13, v12;
	v13 =	vld [tilespmem:$0x1FEE0];
	_ =	sdelay $0x5  }
0xcc: {  	v12 =	vmul.f32 s22, v12;
	_ =	sdelay $0x1  }
0xcd: {  	[tilespmem:v13+s11+$0x0] =	vst.idx.msk $0xffff, v12;
	v12 =	vld [tilespmem:$0x1FEF0]  }
0xce: {  	v13 =	vld [tilespmem:$0x1FF00];
	_ =	sdelay $0x6  }
0xcf: {  	v12 =	vld.idx.msk [tilespmem:v12+s4+$0x0], $0xffff  }
0xd0: {  	v13 =	vld.idx.msk [tilespmem:v13+s4+$0x0], $0xffff;
	_ =	sdelay $0x4  }
0xd1: {  	v12 =	vadd.f32 v13, v12;
	v13 =	vld [tilespmem:$0x1FF10];
	_ =	sdelay $0x5  }
0xd2: {  	v12 =	vmul.f32 s23, v12;
	_ =	sdelay $0x1  }
0xd3: {  	[tilespmem:v13+s11+$0x0] =	vst.idx.msk $0xffff, v12;
	v13 =	vld [tilespmem:$0x1FF20];
	_ =	sdelay $0x6  }
0xd4: {  	v12 =	vld.idx.msk [tilespmem:v4+s4+$0x0], $0xffff  }
0xd5: {  	v13 =	vld.idx.msk [tilespmem:v13+s4+$0x0], $0xffff;
	_ =	sdelay $0x4  }
0xd6: {  	v12 =	vadd.f32 v13, v12;
	v13 =	vld [tilespmem:$0x1FF30];
	_ =	sdelay $0x5  }
0xd7: {  	v12 =	vmul.f32 s22, v12;
	_ =	sdelay $0x1  }
0xd8: {  	[tilespmem:v13+s11+$0x0] =	vst.idx.msk $0xffff, v12;
	v12 =	vld [tilespmem:$0x1FF40]  }
0xd9: {  	v13 =	vld [tilespmem:$0x1FF50];
	_ =	sdelay $0x6  }
0xda: {  	v12 =	vld.idx.msk [tilespmem:v12+s4+$0x0], $0xffff  }
0xdb: {  	v13 =	vld.idx.msk [tilespmem:v13+s4+$0x0], $0xffff;
	_ =	sdelay $0x4  }
0xdc: {  	v12 =	vadd.f32 v13, v12;
	v13 =	vld [tilespmem:$0x1FF60];
	_ =	sdelay $0x5  }
0xdd: {  	v12 =	vmul.f32 s23, v12;
	_ =	sdelay $0x1  }
0xde: {  	[tilespmem:v13+s11+$0x0] =	vst.idx.msk $0xffff, v12;
	v13 =	vld [tilespmem:$0x1FF70];
	_ =	sdelay $0x6  }
0xdf: {  	v12 =	vld.idx.msk [tilespmem:v6+s4+$0x0], $0xffff  }
0xe0: {  	v13 =	vld.idx.msk [tilespmem:v13+s4+$0x0], $0xffff;
	_ =	sdelay $0x4  }
0xe1: {  	v12 =	vadd.f32 v13, v12;
	v13 =	vld [tilespmem:$0x1FF80];
	_ =	sdelay $0x5  }
0xe2: {  	v12 =	vmul.f32 s22, v12;
	_ =	sdelay $0x1  }
0xe3: {  	[tilespmem:v13+s11+$0x0] =	vst.idx.msk $0xffff, v12;
	v12 =	vld [tilespmem:$0x1FF90]  }
0xe4: {  	v13 =	vld [tilespmem:$0x1FFA0];
	_ =	sdelay $0x6  }
0xe5: {  	v12 =	vld.idx.msk [tilespmem:v12+s4+$0x0], $0xffff  }
0xe6: {  	v13 =	vld.idx.msk [tilespmem:v13+s4+$0x0], $0xffff;
	_ =	sdelay $0x4  }
0xe7: {  	v12 =	vadd.f32 v13, v12;
	v13 =	vld [tilespmem:$0x1FFB0];
	_ =	sdelay $0x5  }
0xe8: {  	v12 =	vmul.f32 s23, v12;
	_ =	sdelay $0x1  }
0xe9: {  	[tilespmem:v13+s11+$0x0] =	vst.idx.msk $0xffff, v12;
	v13 =	vld [tilespmem:$0x1FFC0];
	_ =	sdelay $0x6  }
0xea: {  	v12 =	vld.idx.msk [tilespmem:v8+s4+$0x0], $0xffff  }
0xeb: {  	v13 =	vld.idx.msk [tilespmem:v13+s4+$0x0], $0xffff;
	_ =	sdelay $0x4  }
0xec: {  	v12 =	vadd.f32 v13, v12;
	v13 =	vld [tilespmem:$0x1FFD0];
	_ =	sdelay $0x5  }
0xed: {  	v12 =	vmul.f32 s22, v12;
	_ =	sdelay $0x1  }
0xee: {  	[tilespmem:v13+s11+$0x0] =	vst.idx.msk $0xffff, v12;
	v12 =	vld [tilespmem:$0x1FFE0]  }
0xef: {  	v13 =	vld [tilespmem:$0x1FFF0];
	_ =	sdelay $0x6  }
0xf0: {  	v12 =	vld.idx.msk [tilespmem:v12+s4+$0x0], $0xffff  }
0xf1: {  	v13 =	vld.idx.msk [tilespmem:v13+s4+$0x0], $0xffff;
	_ =	sdelay $0x4  }
0xf2: {  	v12 =	vadd.f32 v13, v12;
	_ =	sdelay $0x1  }
0xf3: {  	v12 =	vmul.f32 s23, v12;
	_ =	sdelay $0x1  }
0xf4: {  	[tilespmem:v36+s11+$0x0] =	vst.idx.msk $0xffff, v12  }
0xf5: {  	v12 =	vld.idx.msk [tilespmem:v10+s4+$0x0], $0xffff  }
0xf6: {  	v13 =	vld.idx.msk [tilespmem:v37+s4+$0x0], $0xffff;
	_ =	sdelay $0x4  }
0xf7: {  	v12 =	vadd.f32 v13, v12;
	_ =	sdelay $0x1  }
0xf8: {  	v12 =	vmul.f32 s22, v12;
	_ =	sdelay $0x1  }
0xf9: {  	[tilespmem:v39+s11+$0x0] =	vst.idx.msk $0xffff, v12  }
0xfa: {  	v12 =	vld.idx.msk [tilespmem:v40+s4+$0x0], $0xffff  }
0xfb: {  	v13 =	vld.idx.msk [tilespmem:v41+s4+$0x0], $0xffff;
	_ =	sdelay $0x4  }
0xfc: {  	v12 =	vadd.f32 v13, v12;
	_ =	sdelay $0x1  }
0xfd: {  	v12 =	vmul.f32 s23, v12;
	_ =	sdelay $0x1  }
0xfe: {  	[tilespmem:v42+s11+$0x0] =	vst.idx.msk $0xffff, v12  }
0xff: {  	v12 =	vld.idx.msk [tilespmem:v38+s4+$0x0], $0xffff  }
0x100: {  	v13 =	vld.idx.msk [tilespmem:v43+s4+$0x0], $0xffff;
	_ =	sdelay $0x2  }
0x101: {  	s24 =	sshrl.u32 s24, $0x4  }
0x102: {  	s26 =	sand.u32 $0x3, s24  }
0x103: {  	s25 =	simm.f32 $0.0e+00;
	p0 =	seq.s32 s26, $0x0;
	v12 =	vadd.f32 v13, v12  }
0x104: {  	s25 =	simm.s32 @!p0 $0x3F000000  }
0x105: {  	v12 =	vmul.f32 s25, v12;
	_ =	sdelay $0x1  }
0x106: {  	[tilespmem:v44+s11+$0x0] =	vst.idx.msk $0xffff, v12  }
0x107: {  	v12 =	vld.idx.msk [tilespmem:v45+s4+$0x0], $0xffff  }
0x108: {  	v13 =	vld.idx.msk [tilespmem:v46+s4+$0x0], $0xffff;
	_ =	sdelay $0x4  }
0x109: {  	p0 =	seq.s32 s26, $0x3;
	s26 =	simm.f32 $0.0e+00;
	v12 =	vadd.f32 v13, v12  }
0x10a: {  	s26 =	simm.s32 @!p0 $0x3F000000  }
0x10b: {  	v12 =	vmul.f32 s26, v12;
	_ =	sdelay $0x1  }
0x10c: {  	[tilespmem:v47+s11+$0x0] =	vst.idx.msk $0xffff, v12  }
0x10d: {  	v12 =	vld.idx.msk [tilespmem:v48+s4+$0x0], $0xffff  }
0x10e: {  	v13 =	vld.idx.msk [tilespmem:v49+s4+$0x0], $0xffff;
	_ =	sdelay $0x4  }
0x10f: {  	v12 =	vadd.f32 v13, v12;
	_ =	sdelay $0x1  }
0x110: {  	v12 =	vmul.f32 s25, v12;
	_ =	sdelay $0x1  }
0x111: {  	[tilespmem:v50+s11+$0x0] =	vst.idx.msk $0xffff, v12  }
0x112: {  	v12 =	vld.idx.msk [tilespmem:v51+s4+$0x0], $0xffff  }
0x113: {  	v13 =	vld.idx.msk [tilespmem:v52+s4+$0x0], $0xffff;
	_ =	sdelay $0x4  }
0x114: {  	v12 =	vadd.f32 v13, v12;
	_ =	sdelay $0x1  }
0x115: {  	v12 =	vmul.f32 s26, v12;
	_ =	sdelay $0x1  }
0x116: {  	[tilespmem:v53+s11+$0x0] =	vst.idx.msk $0xffff, v12  }
0x117: {  	v12 =	vld.idx.msk [tilespmem:v54+s4+$0x0], $0xffff  }
0x118: {  	v13 =	vld.idx.msk [tilespmem:v55+s4+$0x0], $0xffff;
	_ =	sdelay $0x4  }
0x119: {  	v12 =	vadd.f32 v13, v12;
	_ =	sdelay $0x1  }
0x11a: {  	v12 =	vmul.f32 s25, v12;
	_ =	sdelay $0x1  }
0x11b: {  	[tilespmem:v56+s11+$0x0] =	vst.idx.msk $0xffff, v12  }
0x11c: {  	v12 =	vld.idx.msk [tilespmem:v57+s4+$0x0], $0xffff  }
0x11d: {  	v13 =	vld.idx.msk [tilespmem:v58+s4+$0x0], $0xffff;
	_ =	sdelay $0x4  }
0x11e: {  	v12 =	vadd.f32 v13, v12;
	_ =	sdelay $0x1  }
0x11f: {  	v12 =	vmul.f32 s26, v12;
	_ =	sdelay $0x1  }
0x120: {  	[tilespmem:v59+s11+$0x0] =	vst.idx.msk $0xffff, v12  }
0x121: {  	v13 =	vld.idx.msk [tilespmem:v60+s4+$0x0], $0xffff  }
0x122: {  	v14 =	vld.idx.msk [tilespmem:v61+s4+$0x0], $0xffff;
	_ =	sdelay $0x3  }
0x123: {  	v12 =	vadd.s32 $0x1880, v38  }
0x124: {  	v15 =	vadd.f32 v14, v13;
	v13 =	vor.u32 $0x185E, v38  }
0x125: {  	v14 =	vor.u32 $0x185F, v38  }
0x126: {  	v15 =	vmul.f32 s25, v15;
	_ =	sdelay $0x1  }
0x127: {  	[tilespmem:v12+s11+$0x0] =	vst.idx.msk $0xffff, v15  }
0x128: {  	v16 =	vld.idx.msk [tilespmem:v13+s4+$0x0], $0xffff  }
0x129: {  	v17 =	vld.idx.msk [tilespmem:v14+s4+$0x0], $0xffff;
	_ =	sdelay $0x3  }
0x12a: {  	v15 =	vadd.s32 $0x18E1, v38  }
0x12b: {  	v18 =	vadd.f32 v17, v16;
	v16 =	vor.u32 $0x2000, v38  }
0x12c: {  	v17 =	vor.u32 $0x2001, v38  }
0x12d: {  	v18 =	vmul.f32 s26, v18;
	_ =	sdelay $0x1  }
0x12e: {  	[tilespmem:v15+s11+$0x0] =	vst.idx.msk $0xffff, v18  }
0x12f: {  	v19 =	vld.idx.msk [tilespmem:v16+s4+$0x0], $0xffff  }
0x130: {  	v20 =	vld.idx.msk [tilespmem:v17+s4+$0x0], $0xffff;
	_ =	sdelay $0x3  }
0x131: {  	v18 =	vadd.s32 $0x2080, v38  }
0x132: {  	v21 =	vadd.f32 v20, v19;
	v19 =	vor.u32 $0x205E, v38  }
0x133: {  	v20 =	vor.u32 $0x205F, v38  }
0x134: {  	v21 =	vmul.f32 s25, v21;
	_ =	sdelay $0x1  }
0x135: {  	[tilespmem:v18+s11+$0x0] =	vst.idx.msk $0xffff, v21  }
0x136: {  	v22 =	vld.idx.msk [tilespmem:v19+s4+$0x0], $0xffff  }
0x137: {  	v23 =	vld.idx.msk [tilespmem:v20+s4+$0x0], $0xffff;
	_ =	sdelay $0x3  }
0x138: {  	v21 =	vadd.s32 $0x20E1, v38  }
0x139: {  	v24 =	vadd.f32 v23, v22;
	v22 =	vor.u32 $0x2800, v38  }
0x13a: {  	v23 =	vor.u32 $0x2801, v38  }
0x13b: {  	v24 =	vmul.f32 s26, v24;
	_ =	sdelay $0x1  }
0x13c: {  	[tilespmem:v21+s11+$0x0] =	vst.idx.msk $0xffff, v24  }
0x13d: {  	v24 =	vld.idx.msk [tilespmem:v22+s4+$0x0], $0xffff  }
0x13e: {  	v26 =	vld.idx.msk [tilespmem:v23+s4+$0x0], $0xffff;
	_ =	sdelay $0x3  }
0x13f: {  	v25 =	vadd.s32 $0x2880, v38  }
0x140: {  	v24 =	vadd.f32 v26, v24;
	v26 =	vor.u32 $0x285E, v38  }
0x141: {  	v27 =	vor.u32 $0x285F, v38  }
0x142: {  	v24 =	vmul.f32 s25, v24;
	_ =	sdelay $0x1  }
0x143: {  	[tilespmem:v25+s11+$0x0] =	vst.idx.msk $0xffff, v24  }
0x144: {  	v28 =	vld.idx.msk [tilespmem:v26+s4+$0x0], $0xffff  }
0x145: {  	v29 =	vld.idx.msk [tilespmem:v27+s4+$0x0], $0xffff  }
0x146: {  	s22 =	sadd.f32 s22, s22  }
0x147: {  	s25 =	sadd.f32 s25, s25  }
0x148: {  	s23 =	sadd.f32 s23, s23  }
0x149: {  	s28 =	sadd.f32 s26, s26;
	v24 =	vadd.s32 $0x28E1, v38;
	s29 =	smul.f32 s22, s25  }
0x14a: {  	s25 =	smul.f32 s23, s25;
	v28 =	vadd.f32 v29, v28  }
0x14b: {  	p0 =	seq.s32 s17, $0x23;
	s23 =	smul.f32 s23, s28  }
0x14c: {  	s20 =	sadd.s32 @!p0 s20, s7;
	s22 =	smul.f32 s22, s28;
	v28 =	vmul.f32 s26, v28  }
0x14d: {  	vm0 =	veq.s32 v0, $0x0;
	v29 =	vmov s23;
	s23 =	smulhi.u32 @!p0 $0x2AAAAAAB, s20  }
0x14e: {  	vm14 =	veq.s32 v0, $0x1;
	s28 =	smul.u32 $0x60, s24;
	v29 =	vsel vm0, s29, v29;
	[tilespmem:v24+s11+$0x0] =	vst.idx.msk $0xffff, v28  }
0x14f: {  	s24 =	smul.u32 $0x138000, s24;
	v29 =	vsel vm14, s22, v29;
	s22 =	sshrl.u32 @!p0 s23, $0x4;
	v28 =	vld.idx.msk [tilespmem:v62+s4+$0x0], $0xffff  }
0x150: {  	s21 =	ssub.s32 s31, s28;
	s23 =	smul.u32 @!p0 $0x60, s22  }
0x151: {  	s21 =	smul.u32 $0x3400, s21  }
0x152: {  	vm15 =	veq.s32 v0, $0x2;
	s22 =	smul.u32 @!p0 $0x120000, s22;
	s20 =	ssub.s32 @!p0 s20, s23  }
0x153: {  	s21 =	sadd.s32 s21, s24;
	v29 =	vsel vm15, s25, v29;
	s20 =	smul.u32 @!p0 $0x3000, s20  }
0x154: {  	s21 =	sadd.s32 $0xFCF40000, s21;
	v28 =	vmul.f32 v28, v29  }
0x155: {  	s21 =	sshrl.u32 s21, $0x3;
	s20 =	sadd.s32 @!p0 s20, s22  }
0x156: {  	s30 =	simm.s32 $0x0;
	s21 =	sadd.s32 s5, s21;
	s20 =	sshrl.u32 @!p0 s20, $0x3;
	[tilespmem:v63+s11+$0x0] =	vst.idx.msk $0xf, v28  }
0x157: {  	[hbm4b:s21+s4] =	stream.linear.scatter [tilespmem:s11], [sflag:$0x3], $0x3100, $0x38;
	[tilespmem:$0xC800] =	vst v63  }
0x158: {  	p1 =	seq.s32 @!p0 s17, $0x0;
	s20 =	sadd.s32 @!p0 s2, s20;
	v28 =	vmov s30;
	s21 =	simm.s32 @!p0 $0x0  }
0x159: {  	v28 =	vshll.u32 v28, $0x7;
	[tilespmem:s21], [sflag:$0x1] =	stream.linear.gather @!p0 [hbm4b:s20+s21], $0x3000, $0x38;
	[tilespmem:$0xC800] =	vst v63  }
0x15a: {  	v29 =	vbroadcast v28, $0x0;
	p0 =	por p0, !p1  }
0x15b: {  	_ =	swait.ge @p0 [sflag:s15], $0x3100  }
0x15c: {  	v28 =	vor.u32 v0, v29;
	[sflag:s15] =	ssyncset.done @p0 $0x0  }
0x15d: {  	[sflag:s15] =	ssyncadd.s32 @p0 $0xFFFFCF00  }
0x15e: {  	_ =	swait.ge [sflag:s12], $0x3000  }
0x15f: {  	[sflag:s12] =	ssyncset.done $0x0  }
0x160: {  	[sflag:s12] =	ssyncadd.s32 $0xFFFFD000  }
0x161: {  	v33 =	vmov v30;
	v30 =	vor.u32 v1, v29;
	v28 =	vld.idx.msk [tilespmem:v28+s9+$0x0], $0xffff  }
0x162: {  	v34 =	vmov v31;
	v31 =	vor.u32 v2, v29;
	_ =	sdelay $0x3  }
0x163: {  	[tilespmem:v30+s13+$0x0] =	vst.idx.msk $0xffff, v28  }
0x164: {  	v30 =	vor.u32 v3, v29;
	v28 =	vld.idx.msk [tilespmem:v31+s9+$0x0], $0xffff  }
0x165: {  	v31 =	vor.u32 v4, v29;
	_ =	sdelay $0x3  }
0x166: {  	[tilespmem:v30+s13+$0x0] =	vst.idx.msk $0xffff, v28  }
0x167: {  	v30 =	vor.u32 v5, v29;
	v28 =	vld.idx.msk [tilespmem:v31+s9+$0x0], $0xffff  }
0x168: {  	v31 =	vor.u32 v6, v29;
	_ =	sdelay $0x3  }
0x169: {  	[tilespmem:v30+s13+$0x0] =	vst.idx.msk $0xffff, v28  }
0x16a: {  	v30 =	vor.u32 v7, v29;
	v28 =	vld.idx.msk [tilespmem:v31+s9+$0x0], $0xffff  }
0x16b: {  	v31 =	vor.u32 v8, v29;
	_ =	sdelay $0x3  }
0x16c: {  	[tilespmem:v30+s13+$0x0] =	vst.idx.msk $0xffff, v28  }
0x16d: {  	v30 =	vor.u32 v9, v29;
	v28 =	vld.idx.msk [tilespmem:v31+s9+$0x0], $0xffff  }
0x16e: {  	v31 =	vor.u32 v10, v29  }
0x16f: {  	s31 =	simm.s32 $0x1  }
0x170: {  	v35 =	vmov v32;
	v32 =	vmov s31  }
0x171: {  	v32 =	vshll.u32 v32, $0x7  }
0x172: {  	[tilespmem:v30+s13+$0x0] =	vst.idx.msk $0xffff, v28;
	v28 =	vbroadcast v32, $0x0  }
0x173: {  	v29 =	vor.u32 v11, v29;
	v30 =	vld.idx.msk [tilespmem:v31+s9+$0x0], $0xffff  }
0x174: {  	v31 =	vor.u32 v0, v28;
	_ =	sdelay $0x3  }
0x175: {  	[tilespmem:v29+s13+$0x0] =	vst.idx.msk $0xffff, v30  }
0x176: {  	v30 =	vadd.s32 v1, v28;
	v29 =	vld.idx.msk [tilespmem:v31+s9+$0x0], $0xffff  }
0x177: {  	v31 =	vor.u32 v2, v28;
	_ =	sdelay $0x3  }
0x178: {  	[tilespmem:v30+s13+$0x0] =	vst.idx.msk $0xffff, v29  }
0x179: {  	v30 =	vadd.s32 v3, v28;
	v29 =	vld.idx.msk [tilespmem:v31+s9+$0x0], $0xffff  }
0x17a: {  	v31 =	vor.u32 v4, v28;
	_ =	sdelay $0x3  }
0x17b: {  	[tilespmem:v30+s13+$0x0] =	vst.idx.msk $0xffff, v29  }
0x17c: {  	v30 =	vadd.s32 v5, v28;
	v29 =	vld.idx.msk [tilespmem:v31+s9+$0x0], $0xffff  }
0x17d: {  	v31 =	vor.u32 v6, v28;
	_ =	sdelay $0x3  }
0x17e: {  	[tilespmem:v30+s13+$0x0] =	vst.idx.msk $0xffff, v29  }
0x17f: {  	v30 =	vadd.s32 v7, v28;
	v29 =	vld.idx.msk [tilespmem:v31+s9+$0x0], $0xffff  }
0x180: {  	v31 =	vor.u32 v8, v28;
	_ =	sdelay $0x3  }
0x181: {  	[tilespmem:v30+s13+$0x0] =	vst.idx.msk $0xffff, v29  }
0x182: {  	v29 =	vld.idx.msk [tilespmem:v31+s9+$0x0], $0xffff;
	v31 =	vadd.s32 v9, v28  }
0x183: {  	v30 =	vor.u32 v10, v28;
	_ =	sdelay $0x1  }
0x184: {  	s20 =	simm.s32 $0x2  }
0x185: {  	s21 =	simm.s32 $0x4;
	v32 =	vmov s20  }
.LBB2_5:
0x186: {  	p0 =	slt.u32 s21, $0x5E;
	v32 =	vshll.u32 v32, $0x7;
	[tilespmem:v31+s13+$0x0] =	vst.idx.msk $0xffff, v29  }
0x187: {  	v29 =	vbroadcast v32, $0x0;
	v30 =	vld.idx.msk [tilespmem:v30+s9+$0x0], $0xffff  }
0x188: {  	v28 =	vadd.s32 v11, v28  }
0x189: {  	v31 =	vor.u32 v0, v29;
	_ =	sdelay $0x3  }
0x18a: {  	[tilespmem:v28+s13+$0x0] =	vst.idx.msk $0xffff, v30  }
0x18b: {  	v28 =	vld.idx.msk [tilespmem:v31+s9+$0x0], $0xffff  }
0x18c: {  	v30 =	vor.u32 v1, v29  }
0x18d: {  	v31 =	vor.u32 v2, v29;
	_ =	sdelay $0x3  }
0x18e: {  	[tilespmem:v30+s13+$0x0] =	vst.idx.msk $0xffff, v28  }
0x18f: {  	v28 =	vld.idx.msk [tilespmem:v31+s9+$0x0], $0xffff  }
0x190: {  	v30 =	vor.u32 v3, v29  }
0x191: {  	v31 =	vor.u32 v4, v29;
	_ =	sdelay $0x3  }
0x192: {  	[tilespmem:v30+s13+$0x0] =	vst.idx.msk $0xffff, v28  }
0x193: {  	v28 =	vld.idx.msk [tilespmem:v31+s9+$0x0], $0xffff  }
0x194: {  	v30 =	vor.u32 v5, v29  }
0x195: {  	v31 =	vor.u32 v6, v29;
	_ =	sdelay $0x3  }
0x196: {  	[tilespmem:v30+s13+$0x0] =	vst.idx.msk $0xffff, v28  }
0x197: {  	v28 =	vld.idx.msk [tilespmem:v31+s9+$0x0], $0xffff  }
0x198: {  	v30 =	vor.u32 v7, v29  }
0x199: {  	v31 =	vor.u32 v8, v29;
	_ =	sdelay $0x3  }
0x19a: {  	[tilespmem:v30+s13+$0x0] =	vst.idx.msk $0xffff, v28  }
0x19b: {  	v28 =	vld.idx.msk [tilespmem:v31+s9+$0x0], $0xffff  }
0x19c: {  	v30 =	vor.u32 v9, v29  }
0x19d: {  	v31 =	vor.u32 v10, v29;
	_ =	sdelay $0x1  }
0x19e: {  	s22 =	sadd.s32 $0x1, s20;
	s20 =	smov.u32 s21  }
0x19f: {  	v32 =	vmov s22  }
0x1a0: {  	[tilespmem:v30+s13+$0x0] =	vst.idx.msk $0xffff, v28;
	v28 =	vshll.u32 v32, $0x7  }
0x1a1: {  	v30 =	vld.idx.msk [tilespmem:v31+s9+$0x0], $0xffff;
	v28 =	vbroadcast v28, $0x0  }
0x1a2: {  	v29 =	vor.u32 v11, v29  }
0x1a3: {  	v31 =	vor.u32 v0, v28;
	_ =	sdelay $0x3  }
0x1a4: {  	[tilespmem:v29+s13+$0x0] =	vst.idx.msk $0xffff, v30  }
0x1a5: {  	v29 =	vld.idx.msk [tilespmem:v31+s9+$0x0], $0xffff  }
0x1a6: {  	v30 =	vadd.s32 v1, v28  }
0x1a7: {  	v31 =	vor.u32 v2, v28;
	_ =	sdelay $0x3  }
0x1a8: {  	[tilespmem:v30+s13+$0x0] =	vst.idx.msk $0xffff, v29  }
0x1a9: {  	v29 =	vld.idx.msk [tilespmem:v31+s9+$0x0], $0xffff  }
0x1aa: {  	v30 =	vadd.s32 v3, v28  }
0x1ab: {  	v31 =	vor.u32 v4, v28;
	_ =	sdelay $0x3  }
0x1ac: {  	[tilespmem:v30+s13+$0x0] =	vst.idx.msk $0xffff, v29  }
0x1ad: {  	v29 =	vld.idx.msk [tilespmem:v31+s9+$0x0], $0xffff  }
0x1ae: {  	v30 =	vadd.s32 v5, v28  }
0x1af: {  	v31 =	vor.u32 v6, v28;
	_ =	sdelay $0x3  }
0x1b0: {  	[tilespmem:v30+s13+$0x0] =	vst.idx.msk $0xffff, v29  }
0x1b1: {  	v29 =	vld.idx.msk [tilespmem:v31+s9+$0x0], $0xffff  }
0x1b2: {  	v30 =	vadd.s32 v7, v28  }
0x1b3: {  	v31 =	vor.u32 v8, v28;
	_ =	sdelay $0x3  }
0x1b4: {  	[tilespmem:v30+s13+$0x0] =	vst.idx.msk $0xffff, v29  }
0x1b5: {  	v29 =	vld.idx.msk [tilespmem:v31+s9+$0x0], $0xffff  }
.Ltmp1:
0x1b6: {  	v31 =	vadd.s32 v9, v28;
	(pc) =	sbr.rel @p0 .LBB2_5-.Ltmp1, $2  }
0x1b7: {  	v30 =	vor.u32 v10, v28;
	_ =	sdelay $0x2  }
0x1b8: {  	s21 =	sadd.s32 $0x2, s21;
	v32 =	vmov s20  }
0x1b9: {  	_ =	sdelay $0x2  }
0x1ba: {  	v32 =	vshll.u32 v32, $0x7  }
0x1bb: {  	[tilespmem:v31+s13+$0x0] =	vst.idx.msk $0xffff, v29;
	v29 =	vbroadcast v32, $0x0  }
0x1bc: {  	v28 =	vadd.s32 v11, v28;
	v30 =	vld.idx.msk [tilespmem:v30+s9+$0x0], $0xffff  }
0x1bd: {  	v31 =	vor.u32 v0, v29;
	_ =	sdelay $0x3  }
0x1be: {  	[tilespmem:v28+s13+$0x0] =	vst.idx.msk $0xffff, v30  }
0x1bf: {  	v30 =	vor.u32 v1, v29;
	v28 =	vld.idx.msk [tilespmem:v31+s9+$0x0], $0xffff  }
0x1c0: {  	v31 =	vor.u32 v2, v29;
	_ =	sdelay $0x3  }
0x1c1: {  	[tilespmem:v30+s13+$0x0] =	vst.idx.msk $0xffff, v28  }
0x1c2: {  	v30 =	vor.u32 v3, v29;
	v28 =	vld.idx.msk [tilespmem:v31+s9+$0x0], $0xffff  }
0x1c3: {  	v31 =	vor.u32 v4, v29;
	_ =	sdelay $0x3  }
0x1c4: {  	[tilespmem:v30+s13+$0x0] =	vst.idx.msk $0xffff, v28  }
0x1c5: {  	v30 =	vor.u32 v5, v29;
	v28 =	vld.idx.msk [tilespmem:v31+s9+$0x0], $0xffff  }
0x1c6: {  	v31 =	vor.u32 v6, v29;
	_ =	sdelay $0x3  }
0x1c7: {  	[tilespmem:v30+s13+$0x0] =	vst.idx.msk $0xffff, v28  }
0x1c8: {  	v30 =	vor.u32 v7, v29;
	v28 =	vld.idx.msk [tilespmem:v31+s9+$0x0], $0xffff  }
0x1c9: {  	v31 =	vor.u32 v8, v29;
	_ =	sdelay $0x3  }
0x1ca: {  	[tilespmem:v30+s13+$0x0] =	vst.idx.msk $0xffff, v28  }
0x1cb: {  	v30 =	vor.u32 v9, v29;
	v28 =	vld.idx.msk [tilespmem:v31+s9+$0x0], $0xffff  }
0x1cc: {  	v31 =	vor.u32 v10, v29  }
0x1cd: {  	s20 =	sadd.s32 $0x1, s20  }
0x1ce: {  	v32 =	vmov s20  }
0x1cf: {  	v32 =	vshll.u32 v32, $0x7  }
0x1d0: {  	[tilespmem:v30+s13+$0x0] =	vst.idx.msk $0xffff, v28;
	v28 =	vbroadcast v32, $0x0  }
0x1d1: {  	v29 =	vor.u32 v11, v29;
	v30 =	vld.idx.msk [tilespmem:v31+s9+$0x0], $0xffff  }
0x1d2: {  	v31 =	vor.u32 v0, v28;
	_ =	sdelay $0x3  }
0x1d3: {  	[tilespmem:v29+s13+$0x0] =	vst.idx.msk $0xffff, v30  }
0x1d4: {  	v30 =	vadd.s32 v1, v28;
	v29 =	vld.idx.msk [tilespmem:v31+s9+$0x0], $0xffff  }
0x1d5: {  	v31 =	vor.u32 v2, v28;
	_ =	sdelay $0x3  }
0x1d6: {  	[tilespmem:v30+s13+$0x0] =	vst.idx.msk $0xffff, v29  }
0x1d7: {  	v30 =	vadd.s32 v3, v28;
	v29 =	vld.idx.msk [tilespmem:v31+s9+$0x0], $0xffff  }
0x1d8: {  	v31 =	vor.u32 v4, v28;
	_ =	sdelay $0x3  }
0x1d9: {  	[tilespmem:v30+s13+$0x0] =	vst.idx.msk $0xffff, v29  }
0x1da: {  	v30 =	vadd.s32 v5, v28;
	v29 =	vld.idx.msk [tilespmem:v31+s9+$0x0], $0xffff  }
0x1db: {  	v31 =	vor.u32 v6, v28;
	_ =	sdelay $0x3  }
0x1dc: {  	[tilespmem:v30+s13+$0x0] =	vst.idx.msk $0xffff, v29  }
0x1dd: {  	v30 =	vadd.s32 v7, v28;
	v29 =	vld.idx.msk [tilespmem:v31+s9+$0x0], $0xffff  }
0x1de: {  	v31 =	vor.u32 v8, v28;
	_ =	sdelay $0x3  }
0x1df: {  	[tilespmem:v30+s13+$0x0] =	vst.idx.msk $0xffff, v29  }
0x1e0: {  	v30 =	vadd.s32 v9, v28;
	v29 =	vld.idx.msk [tilespmem:v31+s9+$0x0], $0xffff  }
0x1e1: {  	v31 =	vor.u32 v10, v28;
	_ =	sdelay $0x3  }
0x1e2: {  	[tilespmem:v30+s13+$0x0] =	vst.idx.msk $0xffff, v29  }
0x1e3: {  	v28 =	vadd.s32 v11, v28;
	v29 =	vld.idx.msk [tilespmem:v31+s9+$0x0], $0xffff;
	_ =	sdelay $0x4  }
0x1e4: {  	[tilespmem:v28+s13+$0x0] =	vst.idx.msk $0xffff, v29  }
0x1e5: {  	v28 =	vld.idx.msk [tilespmem:v0+s9+$0x0], $0xffff  }
0x1e6: {  	v29 =	vld.idx.msk [tilespmem:v33+s9+$0x0], $0xffff;
	_ =	sdelay $0x4  }
0x1e7: {  	s29 =	sshrl.u32 s18, $0x2;
	v28 =	vadd.f32 v29, v28;
	v29 =	vld [tilespmem:$0x1FEB0]  }
0x1e8: {  	s21 =	sand.u32 $0x3, s29  }
0x1e9: {  	s20 =	simm.f32 $0.0e+00;
	p0 =	seq.s32 s21, $0x0  }
0x1ea: {  	s20 =	simm.s32 @!p0 $0x3F000000  }
0x1eb: {  	v28 =	vmul.f32 s20, v28;
	_ =	sdelay $0x1  }
0x1ec: {  	[tilespmem:v34+s13+$0x0] =	vst.idx.msk $0xffff, v28  }
0x1ed: {  	v28 =	vld.idx.msk [tilespmem:v35+s9+$0x0], $0xffff  }
0x1ee: {  	v29 =	vld.idx.msk [tilespmem:v29+s9+$0x0], $0xffff;
	_ =	sdelay $0x4  }
0x1ef: {  	v28 =	vadd.f32 v29, v28;
	v29 =	vld [tilespmem:$0x1FEC0];
	_ =	sdelay $0x3  }
0x1f0: {  	p0 =	seq.s32 s21, $0x3;
	s21 =	simm.f32 $0.0e+00  }
0x1f1: {  	s21 =	simm.s32 @!p0 $0x3F000000  }
0x1f2: {  	v28 =	vmul.f32 s21, v28;
	_ =	sdelay $0x1  }
0x1f3: {  	[tilespmem:v29+s13+$0x0] =	vst.idx.msk $0xffff, v28;
	v29 =	vld [tilespmem:$0x1FED0];
	_ =	sdelay $0x6  }
0x1f4: {  	v28 =	vld.idx.msk [tilespmem:v2+s9+$0x0], $0xffff  }
0x1f5: {  	v29 =	vld.idx.msk [tilespmem:v29+s9+$0x0], $0xffff;
	_ =	sdelay $0x4  }
0x1f6: {  	v28 =	vadd.f32 v29, v28;
	v29 =	vld [tilespmem:$0x1FEE0];
	_ =	sdelay $0x5  }
0x1f7: {  	v28 =	vmul.f32 s20, v28;
	_ =	sdelay $0x1  }
0x1f8: {  	[tilespmem:v29+s13+$0x0] =	vst.idx.msk $0xffff, v28;
	v28 =	vld [tilespmem:$0x1FEF0]  }
0x1f9: {  	v29 =	vld [tilespmem:$0x1FF00];
	_ =	sdelay $0x6  }
0x1fa: {  	v28 =	vld.idx.msk [tilespmem:v28+s9+$0x0], $0xffff  }
0x1fb: {  	v29 =	vld.idx.msk [tilespmem:v29+s9+$0x0], $0xffff;
	_ =	sdelay $0x4  }
0x1fc: {  	v28 =	vadd.f32 v29, v28;
	v29 =	vld [tilespmem:$0x1FF10];
	_ =	sdelay $0x5  }
0x1fd: {  	v28 =	vmul.f32 s21, v28;
	_ =	sdelay $0x1  }
0x1fe: {  	[tilespmem:v29+s13+$0x0] =	vst.idx.msk $0xffff, v28;
	v29 =	vld [tilespmem:$0x1FF20];
	_ =	sdelay $0x6  }
0x1ff: {  	v28 =	vld.idx.msk [tilespmem:v4+s9+$0x0], $0xffff  }
0x200: {  	v29 =	vld.idx.msk [tilespmem:v29+s9+$0x0], $0xffff;
	_ =	sdelay $0x4  }
0x201: {  	v28 =	vadd.f32 v29, v28;
	v29 =	vld [tilespmem:$0x1FF30];
	_ =	sdelay $0x5  }
0x202: {  	v28 =	vmul.f32 s20, v28;
	_ =	sdelay $0x1  }
0x203: {  	[tilespmem:v29+s13+$0x0] =	vst.idx.msk $0xffff, v28;
	v28 =	vld [tilespmem:$0x1FF40]  }
0x204: {  	v29 =	vld [tilespmem:$0x1FF50];
	_ =	sdelay $0x6  }
0x205: {  	v28 =	vld.idx.msk [tilespmem:v28+s9+$0x0], $0xffff  }
0x206: {  	v29 =	vld.idx.msk [tilespmem:v29+s9+$0x0], $0xffff;
	_ =	sdelay $0x4  }
0x207: {  	v28 =	vadd.f32 v29, v28;
	v29 =	vld [tilespmem:$0x1FF60];
	_ =	sdelay $0x5  }
0x208: {  	v28 =	vmul.f32 s21, v28;
	_ =	sdelay $0x1  }
0x209: {  	[tilespmem:v29+s13+$0x0] =	vst.idx.msk $0xffff, v28;
	v29 =	vld [tilespmem:$0x1FF70];
	_ =	sdelay $0x6  }
0x20a: {  	v28 =	vld.idx.msk [tilespmem:v6+s9+$0x0], $0xffff  }
0x20b: {  	v29 =	vld.idx.msk [tilespmem:v29+s9+$0x0], $0xffff;
	_ =	sdelay $0x4  }
0x20c: {  	v28 =	vadd.f32 v29, v28;
	v29 =	vld [tilespmem:$0x1FF80];
	_ =	sdelay $0x5  }
0x20d: {  	v28 =	vmul.f32 s20, v28;
	_ =	sdelay $0x1  }
0x20e: {  	[tilespmem:v29+s13+$0x0] =	vst.idx.msk $0xffff, v28;
	v28 =	vld [tilespmem:$0x1FF90]  }
0x20f: {  	v29 =	vld [tilespmem:$0x1FFA0];
	_ =	sdelay $0x6  }
0x210: {  	v28 =	vld.idx.msk [tilespmem:v28+s9+$0x0], $0xffff  }
0x211: {  	v29 =	vld.idx.msk [tilespmem:v29+s9+$0x0], $0xffff;
	_ =	sdelay $0x4  }
0x212: {  	v28 =	vadd.f32 v29, v28;
	v29 =	vld [tilespmem:$0x1FFB0];
	_ =	sdelay $0x5  }
0x213: {  	v28 =	vmul.f32 s21, v28;
	_ =	sdelay $0x1  }
0x214: {  	[tilespmem:v29+s13+$0x0] =	vst.idx.msk $0xffff, v28;
	v29 =	vld [tilespmem:$0x1FFC0];
	_ =	sdelay $0x6  }
0x215: {  	v28 =	vld.idx.msk [tilespmem:v8+s9+$0x0], $0xffff  }
0x216: {  	v29 =	vld.idx.msk [tilespmem:v29+s9+$0x0], $0xffff;
	_ =	sdelay $0x4  }
0x217: {  	v28 =	vadd.f32 v29, v28;
	v29 =	vld [tilespmem:$0x1FFD0];
	_ =	sdelay $0x5  }
0x218: {  	v28 =	vmul.f32 s20, v28;
	_ =	sdelay $0x1  }
0x219: {  	[tilespmem:v29+s13+$0x0] =	vst.idx.msk $0xffff, v28;
	v28 =	vld [tilespmem:$0x1FFE0]  }
0x21a: {  	v29 =	vld [tilespmem:$0x1FFF0];
	_ =	sdelay $0x6  }
0x21b: {  	v28 =	vld.idx.msk [tilespmem:v28+s9+$0x0], $0xffff  }
0x21c: {  	v29 =	vld.idx.msk [tilespmem:v29+s9+$0x0], $0xffff;
	_ =	sdelay $0x4  }
0x21d: {  	v28 =	vadd.f32 v29, v28;
	_ =	sdelay $0x1  }
0x21e: {  	v28 =	vmul.f32 s21, v28;
	_ =	sdelay $0x1  }
0x21f: {  	[tilespmem:v36+s13+$0x0] =	vst.idx.msk $0xffff, v28  }
0x220: {  	v28 =	vld.idx.msk [tilespmem:v10+s9+$0x0], $0xffff  }
0x221: {  	v29 =	vld.idx.msk [tilespmem:v37+s9+$0x0], $0xffff;
	_ =	sdelay $0x4  }
0x222: {  	v28 =	vadd.f32 v29, v28;
	_ =	sdelay $0x1  }
0x223: {  	v28 =	vmul.f32 s20, v28;
	_ =	sdelay $0x1  }
0x224: {  	[tilespmem:v39+s13+$0x0] =	vst.idx.msk $0xffff, v28  }
0x225: {  	v28 =	vld.idx.msk [tilespmem:v40+s9+$0x0], $0xffff  }
0x226: {  	v29 =	vld.idx.msk [tilespmem:v41+s9+$0x0], $0xffff;
	_ =	sdelay $0x4  }
0x227: {  	v28 =	vadd.f32 v29, v28;
	_ =	sdelay $0x1  }
0x228: {  	v28 =	vmul.f32 s21, v28;
	_ =	sdelay $0x1  }
0x229: {  	[tilespmem:v42+s13+$0x0] =	vst.idx.msk $0xffff, v28  }
0x22a: {  	v28 =	vld.idx.msk [tilespmem:v38+s9+$0x0], $0xffff  }
0x22b: {  	v29 =	vld.idx.msk [tilespmem:v43+s9+$0x0], $0xffff;
	_ =	sdelay $0x3  }
0x22c: {  	s22 =	sand.u32 $0x3, s18  }
0x22d: {  	s23 =	simm.f32 $0.0e+00;
	p0 =	seq.s32 s22, $0x0;
	v28 =	vadd.f32 v29, v28  }
0x22e: {  	s23 =	simm.s32 @!p0 $0x3F000000  }
0x22f: {  	v28 =	vmul.f32 s23, v28;
	_ =	sdelay $0x1  }
0x230: {  	[tilespmem:v44+s13+$0x0] =	vst.idx.msk $0xffff, v28  }
0x231: {  	v28 =	vld.idx.msk [tilespmem:v45+s9+$0x0], $0xffff  }
0x232: {  	v29 =	vld.idx.msk [tilespmem:v46+s9+$0x0], $0xffff;
	_ =	sdelay $0x4  }
0x233: {  	p0 =	seq.s32 s22, $0x3;
	s22 =	simm.f32 $0.0e+00;
	v28 =	vadd.f32 v29, v28  }
0x234: {  	s22 =	simm.s32 @!p0 $0x3F000000  }
0x235: {  	v28 =	vmul.f32 s22, v28;
	_ =	sdelay $0x1  }
0x236: {  	[tilespmem:v47+s13+$0x0] =	vst.idx.msk $0xffff, v28  }
0x237: {  	v28 =	vld.idx.msk [tilespmem:v48+s9+$0x0], $0xffff  }
0x238: {  	v29 =	vld.idx.msk [tilespmem:v49+s9+$0x0], $0xffff;
	_ =	sdelay $0x4  }
0x239: {  	v28 =	vadd.f32 v29, v28;
	_ =	sdelay $0x1  }
0x23a: {  	v28 =	vmul.f32 s23, v28;
	_ =	sdelay $0x1  }
0x23b: {  	[tilespmem:v50+s13+$0x0] =	vst.idx.msk $0xffff, v28  }
0x23c: {  	v28 =	vld.idx.msk [tilespmem:v51+s9+$0x0], $0xffff  }
0x23d: {  	v29 =	vld.idx.msk [tilespmem:v52+s9+$0x0], $0xffff;
	_ =	sdelay $0x4  }
0x23e: {  	v28 =	vadd.f32 v29, v28;
	_ =	sdelay $0x1  }
0x23f: {  	v28 =	vmul.f32 s22, v28;
	_ =	sdelay $0x1  }
0x240: {  	[tilespmem:v53+s13+$0x0] =	vst.idx.msk $0xffff, v28  }
0x241: {  	v28 =	vld.idx.msk [tilespmem:v54+s9+$0x0], $0xffff  }
0x242: {  	v29 =	vld.idx.msk [tilespmem:v55+s9+$0x0], $0xffff;
	_ =	sdelay $0x4  }
0x243: {  	v28 =	vadd.f32 v29, v28;
	_ =	sdelay $0x1  }
0x244: {  	v28 =	vmul.f32 s23, v28;
	_ =	sdelay $0x1  }
0x245: {  	[tilespmem:v56+s13+$0x0] =	vst.idx.msk $0xffff, v28  }
0x246: {  	v28 =	vld.idx.msk [tilespmem:v57+s9+$0x0], $0xffff  }
0x247: {  	v29 =	vld.idx.msk [tilespmem:v58+s9+$0x0], $0xffff;
	_ =	sdelay $0x4  }
0x248: {  	v28 =	vadd.f32 v29, v28;
	_ =	sdelay $0x1  }
0x249: {  	v28 =	vmul.f32 s22, v28;
	_ =	sdelay $0x1  }
0x24a: {  	[tilespmem:v59+s13+$0x0] =	vst.idx.msk $0xffff, v28  }
0x24b: {  	v28 =	vld.idx.msk [tilespmem:v60+s9+$0x0], $0xffff  }
0x24c: {  	v29 =	vld.idx.msk [tilespmem:v61+s9+$0x0], $0xffff;
	_ =	sdelay $0x4  }
0x24d: {  	v28 =	vadd.f32 v29, v28;
	_ =	sdelay $0x1  }
0x24e: {  	v28 =	vmul.f32 s23, v28;
	_ =	sdelay $0x1  }
0x24f: {  	[tilespmem:v12+s13+$0x0] =	vst.idx.msk $0xffff, v28  }
0x250: {  	v12 =	vld.idx.msk [tilespmem:v13+s9+$0x0], $0xffff  }
0x251: {  	v32 =	vmov v35;
	v35 =	vld.idx.msk [tilespmem:v14+s9+$0x0], $0xffff;
	_ =	sdelay $0x4  }
0x252: {  	v12 =	vadd.f32 v35, v12;
	_ =	sdelay $0x1  }
0x253: {  	v12 =	vmul.f32 s22, v12;
	_ =	sdelay $0x1  }
0x254: {  	[tilespmem:v15+s13+$0x0] =	vst.idx.msk $0xffff, v12  }
0x255: {  	v12 =	vld.idx.msk [tilespmem:v16+s9+$0x0], $0xffff  }
0x256: {  	v17 =	vld.idx.msk [tilespmem:v17+s9+$0x0], $0xffff;
	_ =	sdelay $0x4  }
0x257: {  	v12 =	vadd.f32 v17, v12;
	_ =	sdelay $0x1  }
0x258: {  	v12 =	vmul.f32 s23, v12;
	_ =	sdelay $0x1  }
0x259: {  	[tilespmem:v18+s13+$0x0] =	vst.idx.msk $0xffff, v12  }
0x25a: {  	v12 =	vld.idx.msk [tilespmem:v19+s9+$0x0], $0xffff  }
0x25b: {  	v20 =	vld.idx.msk [tilespmem:v20+s9+$0x0], $0xffff;
	_ =	sdelay $0x4  }
0x25c: {  	v12 =	vadd.f32 v20, v12;
	_ =	sdelay $0x1  }
0x25d: {  	v12 =	vmul.f32 s22, v12;
	_ =	sdelay $0x1  }
0x25e: {  	[tilespmem:v21+s13+$0x0] =	vst.idx.msk $0xffff, v12  }
0x25f: {  	v12 =	vld.idx.msk [tilespmem:v22+s9+$0x0], $0xffff  }
0x260: {  	v30 =	vmov v33;
	v33 =	vld.idx.msk [tilespmem:v23+s9+$0x0], $0xffff;
	_ =	sdelay $0x4  }
0x261: {  	v12 =	vadd.f32 v33, v12;
	_ =	sdelay $0x1  }
0x262: {  	v12 =	vmul.f32 s23, v12;
	_ =	sdelay $0x1  }
0x263: {  	[tilespmem:v25+s13+$0x0] =	vst.idx.msk $0xffff, v12  }
0x264: {  	v12 =	vld.idx.msk [tilespmem:v26+s9+$0x0], $0xffff  }
0x265: {  	v31 =	vmov v34;
	v34 =	vld.idx.msk [tilespmem:v27+s9+$0x0], $0xffff;
	_ =	sdelay $0x3  }
0x266: {  	s20 =	sadd.f32 s20, s20  }
0x267: {  	s23 =	sadd.f32 s23, s23;
	v12 =	vadd.f32 v34, v12  }
0x268: {  	s24 =	sadd.f32 s22, s22  }
0x269: {  	s21 =	sadd.f32 s21, s21;
	s30 =	smul.f32 s20, s23;
	v12 =	vmul.f32 s22, v12  }
0x26a: {  	s20 =	smul.f32 s20, s24  }
0x26b: {  	s24 =	smul.f32 s21, s24;
	[tilespmem:v24+s13+$0x0] =	vst.idx.msk $0xffff, v12  }
0x26c: {  	s31 =	smul.u32 $0x138000, s18;
	v12 =	vld.idx.msk [tilespmem:v62+s9+$0x0], $0xffff  }
0x26d: {  	vm0 =	veq.s32 v0, $0x0;
	s19 =	smul.u32 $0x3400, s19;
	v35 =	vmov s24  }
0x26e: {  	vm14 =	veq.s32 v0, $0x1;
	s17 =	sadd.s32 $0x1, s17;
	s21 =	smul.f32 s21, s23;
	v13 =	vsel vm0, s30, v35  }
0x26f: {  	vm15 =	veq.s32 v0, $0x2;
	p0 =	sne.s32 s17, $0x24;
	v13 =	vsel vm14, s20, v13  }
.Ltmp2:
0x270: {  	s18 =	sadd.s32 s19, s31;
	v13 =	vsel vm15, s21, v13;
	(pc) =	sbr.rel @p0 .LBB2_2-.Ltmp2, $4  }
0x271: {  	s18 =	sadd.s32 $0xFCF40000, s18;
	v12 =	vmul.f32 v12, v13  }
0x272: {  	s18 =	sshrl.u32 s18, $0x3  }
0x273: {  	s18 =	sadd.s32 s5, s18;
	[tilespmem:v63+s13+$0x0] =	vst.idx.msk $0xf, v12  }
0x274: {  	[hbm4b:s18+s4] =	stream.linear.scatter [tilespmem:s13], [sflag:$0x4], $0x3100, $0x38;
	[tilespmem:$0xC800] =	vst v63  }
0x275: {  	s16 =	sadd.s32 $0x1, s16  }
0x276: {  	_ =	swait.ge [sflag:s14], $0x3100;
	p0 =	sne.s32 s16, s8  }
.Ltmp3:
0x277: {  	[sflag:s14] =	ssyncset.done $0x0;
	(pc) =	sbr.rel @p0 .LBB2_1-.Ltmp3, $4  }
0x278: {  	[sflag:s14] =	ssyncadd.s32 $0xFFFFCF00  }
0x279: {  	_ =	swait.ge [sflag:s15], $0x3100  }
0x27a: {  	[sflag:s15] =	ssyncset.done $0x0  }
0x27b: {  	[sflag:s15] =	ssyncadd.s32 $0xFFFFCF00  }
0x27c: {  	_ =	sfence.sel $0x180000  }
0x27d: {  	[bflag:$0x0] =	sbarrier.arrive $0xFFFF  }
0x27e: {  	p0 =	sne.s32 s0, $0x0;
	_ =	strace $0x90000047  }
0x27f: {  	s0 =	sadd.s32 @!p0 $0x100000, s3;
	[bflag:$0x2] =	sbarrier.arrive $0xFFFF  }
0x280: {  	[sflag:s0] =	ssyncadd.tile.s32 @!p0 $0x1;
	_ =	shalt  }
.Lfunc_end2:
_tile_overlayer_lowered:
.L_overlay_start_2:
0x281: {  	(tag) =	ssettag $0x2  }
0x282: {  	s0 =	rddreg [dreg:$0x0];
	s2 =	stileid.u32  }
0x283: {  	s1 =	rddreg [dreg:$0x1];
	p0 =	sne.s32 s2, $0x0  }
0x284: {  	s3 =	rddreg [dreg:$0x2];
	[bflag:$0x3] =	sbarrier.arrive $0xFFFF;
	s2 =	simm.s32 @!p0 $0x1C05  }
0x285: {  	[timem:s3], [sflag:s2] =	dma.local @!p0 [hbm:s0], s1  }
0x286: {  	s0 =	simm.s32 @!p0 $0x5  }
0x287: {  	_ =	swait.ge @!p0 [sflag:s0], s1  }
0x288: {  	s1 =	ssub.s32 @!p0 $0x0, s1;
	[sflag:s0] =	ssyncset.done @!p0 $0x0  }
0x289: {  	[sflag:s0] =	ssyncadd.s32 @!p0 s1  }
0x28a: {  	[bflag:$0x3] =	sbarrier.arrive $0xFFFF  }
0x28b: {  	_ =	shalt  }

</sc_bundles>
